<compile_context>
chip_gen: v7x
topology: tpu7x:2x2x1
jax: 0.10.2.dev20260603
libtpu: 0.0.44.dev20260713+nightly
codegen_flags: <defaults>
</compile_context>

<pallas_src>
import dataclasses
import functools

import jax
import jax.numpy as jnp
from jax import lax
from jax.experimental import pallas as pl
from jax.experimental.pallas import tpu as pltpu
from jax.experimental.pallas import tpu_sc as plsc

N_USERS = 5000
N_ITEMS = 5000
N = N_USERS + N_ITEMS
D = 128
NP = 10112
E = 320000
N_LAYERS = 3
BATCH = 4096

NC, NS = 2, 16
NW = NC * NS
CH = 128
NCH = 80
HLF = NCH // 2
EW = NCH * CH
EP = NW * EW
RT = NP // NS

_mesh = plsc.VectorSubcoreMesh(core_axis_name="c", subcore_axis_name="s")

_sc_params = pltpu.CompilerParams()
if "needs_layout_passes" in pltpu.CompilerParams.__dataclass_fields__:
    _sc_params = dataclasses.replace(_sc_params, needs_layout_passes=False)



def _deg_body(row_hbm, part_hbm, hist, slab):
    cid = lax.axis_index("c")
    sid = lax.axis_index("s")
    wid = cid * NS + sid

    @pl.loop(0, NP, step=16)
    def _(i):
        hist[pl.ds(i, 16)] = jnp.zeros((16,), jnp.float32)

    pltpu.sync_copy(row_hbm.at[wid], slab)
    ones = jnp.ones((16,), jnp.float32)

    @pl.loop(0, NCH)
    def _(c):
        @pl.loop(0, CH, step=16)
        def _(j):
            plsc.addupdate_scatter(hist, [slab[c, pl.ds(j, 16)]], ones)

    pltpu.sync_copy(hist, part_hbm.at[wid])


_deg_call = pl.kernel(
    _deg_body,
    out_type=jax.ShapeDtypeStruct((NW, NP), jnp.float32),
    mesh=_mesh,
    scratch_types=[
        pltpu.VMEM((NP,), jnp.float32),
        pltpu.VMEM((NCH, CH), jnp.int32),
    ],
    compiler_params=_sc_params,
)


def _prop_body(x_hbm, row_hbm, col_hbm, zeros_hbm, part_hbm,
               accum, rows0, rows1, ridx, cidx, semg0, semg1, sems0, sems1):
    cid = lax.axis_index("c")
    sid = lax.axis_index("s")
    wid = cid * NS + sid

    pltpu.sync_copy(zeros_hbm.at[pl.ds(sid * RT, RT)],
                    accum.at[pl.ds(sid * RT, RT)])
    plsc.subcore_barrier()

    for h in range(2):
        pltpu.sync_copy(row_hbm.at[wid, pl.ds(h * HLF, HLF)], ridx)
        pltpu.sync_copy(col_hbm.at[wid, pl.ds(h * HLF, HLF)], cidx)
        pltpu.async_copy(x_hbm.at[ridx.at[0]], rows0, semg0)
        pltpu.async_copy(x_hbm.at[ridx.at[1]], rows1, semg1)

        @pl.loop(0, HLF, step=2)
        def _(c):
            pltpu.make_async_copy(x_hbm.at[ridx.at[c]], rows0, semg0).wait()
            pltpu.sync_copy(rows0, accum.at[cidx.at[c]], add=True)

            @pl.when(c + 2 < HLF)
            def _():
                pltpu.async_copy(x_hbm.at[ridx.at[c + 2]], rows0, semg0)

            pltpu.make_async_copy(x_hbm.at[ridx.at[c + 1]], rows1, semg1).wait()
            pltpu.sync_copy(rows1, accum.at[cidx.at[c + 1]], add=True)

            @pl.when(c + 3 < HLF)
            def _():
                pltpu.async_copy(x_hbm.at[ridx.at[c + 3]], rows1, semg1)

    plsc.subcore_barrier()
    pltpu.sync_copy(accum.at[pl.ds(sid * RT, RT)],
                    part_hbm.at[cid, pl.ds(sid * RT, RT)])


_prop_call = pl.kernel(
    _prop_body,
    out_type=jax.ShapeDtypeStruct((NC, NP, D), jnp.float32),
    mesh=_mesh,
    scratch_types=[
        pltpu.VMEM_SHARED((NP, D), jnp.float32),
        pltpu.VMEM((CH, D), jnp.float32),
        pltpu.VMEM((CH, D), jnp.float32),
        pltpu.VMEM((HLF, CH), jnp.int32),
        pltpu.VMEM((HLF, CH), jnp.int32),
        pltpu.SemaphoreType.DMA,
        pltpu.SemaphoreType.DMA,
        pltpu.SemaphoreType.DMA,
        pltpu.SemaphoreType.DMA,
    ],
)


def _bgather_body(s_hbm, gidx_hbm, out_hbm, idxb, rows):
    cid = lax.axis_index("c")
    sid = lax.axis_index("s")
    wid = cid * NS + sid

    @pl.loop(0, 2)
    def _(c):
        base = wid * 256 + c * CH
        pltpu.sync_copy(gidx_hbm.at[pl.ds(base, CH)], idxb)
        pltpu.sync_copy(s_hbm.at[idxb], rows)
        pltpu.sync_copy(rows, out_hbm.at[pl.ds(base, CH)])


_bgather_call = pl.kernel(
    _bgather_body,
    out_type=jax.ShapeDtypeStruct((2 * BATCH, D), jnp.float32),
    mesh=_mesh,
    scratch_types=[
        pltpu.VMEM((CH,), jnp.int32),
        pltpu.VMEM((CH, D), jnp.float32),
    ],
)



def _prep_kernel(part_ref, e0_ref, dinv_ref, x0_ref):
    deg = jnp.sum(part_ref[...], axis=0)
    dinv = jnp.where(deg > 0, lax.rsqrt(deg), 0.0)
    db = jnp.broadcast_to(dinv[:, None], (NP, D))
    dinv_ref[...] = db
    x0_ref[...] = e0_ref[...] * db


def _combine_kernel(part_ref, dinv_ref, s_ref, x_ref, snew_ref):
    merged = part_ref[0] + part_ref[1]
    db = dinv_ref[...]
    e = db * merged
    x_ref[...] = db * e
    snew_ref[...] = s_ref[...] + e


def _dot_kernel(rows_ref, out_ref):
    u = rows_ref[0:BATCH, :]
    v = rows_ref[BATCH:2 * BATCH, :]
    s = jnp.sum(u * v, axis=1) * (1.0 / 16.0)
    out_ref[...] = s.reshape(32, BATCH // 32)


_prep_call = pl.pallas_call(
    _prep_kernel,
    out_shape=(
        jax.ShapeDtypeStruct((NP, D), jnp.float32),
        jax.ShapeDtypeStruct((NP, D), jnp.float32),
    ),
)

_combine_call = pl.pallas_call(
    _combine_kernel,
    out_shape=(
        jax.ShapeDtypeStruct((NP, D), jnp.float32),
        jax.ShapeDtypeStruct((NP, D), jnp.float32),
    ),
)

_dot_call = pl.pallas_call(
    _dot_kernel,
    out_shape=jax.ShapeDtypeStruct((32, BATCH // 32), jnp.float32),
)



@jax.jit
def kernel(users, items, edge_index, user_table, item_table):
    row = edge_index[0].astype(jnp.int32)
    col = edge_index[1].astype(jnp.int32)
    pad = N + jnp.arange(EP - E, dtype=jnp.int32) % (NP - N)
    row_p = jnp.concatenate([row, pad]).reshape(NW, NCH, CH)
    col_p = jnp.concatenate([col, pad]).reshape(NW, NCH, CH)

    e0 = jnp.concatenate([user_table, item_table], axis=0)
    e0 = jnp.pad(e0, ((0, NP - N), (0, 0)))
    zeros = jnp.zeros((NP, D), jnp.float32)

    deg_part = _deg_call(row_p)
    dinv_b, x = _prep_call(deg_part, e0)

    s = e0
    for _ in range(N_LAYERS):
        part = _prop_call(x, row_p, col_p, zeros)
        x, s = _combine_call(part, dinv_b, s)

    gidx = jnp.concatenate([users.astype(jnp.int32),
                            items.astype(jnp.int32) + N_USERS])
    rows = _bgather_call(s, gidx)
    scores = _dot_call(rows)
    return scores.reshape(BATCH)

# --- scband reference (transcript-rebuilt; emitter-appended) ---
"""Pipeline reference for scband-light-gcn-37048387895609 (READ-ONLY COPY).

The authoritative reference and input builder live on the scoring server;
editing this copy changes nothing except your own understanding.
"""

import jax, jax.numpy as jnp
import numpy as np

N_USERS = 5000
N_ITEMS = 5000
EMB = 128
N_LAYERS = 3
N_EDGES = 320000
BATCH = 4096


def setup_inputs(seed: int = 0) -> dict:
    key = jax.random.key(seed)
    k1, k2, k3, k4, k5 = jax.random.split(key, 5)
    limit_u = float(np.sqrt(6.0 / (N_USERS + EMB)))
    user_table = jax.random.uniform(k1, (N_USERS, EMB), minval=-limit_u, maxval=limit_u, dtype=jnp.float32)
    limit_i = float(np.sqrt(6.0 / (N_ITEMS + EMB)))
    item_table = jax.random.uniform(k2, (N_ITEMS, EMB), minval=-limit_i, maxval=limit_i, dtype=jnp.float32)
    users = jax.random.randint(k3, (BATCH,), 0, N_USERS)
    items = jax.random.randint(k4, (BATCH,), 0, N_ITEMS)
    edge_index = jax.random.randint(k5, (2, N_EDGES), 0, N_USERS + N_ITEMS)
    return {"users": users, "items": items, "edge_index": edge_index,
            "user_table": user_table, "item_table": item_table}


def _propagate(edge_index, embeddings):
    row = edge_index[0]
    col = edge_index[1]
    n = embeddings.shape[0]
    deg = jnp.bincount(row, length=n).astype(embeddings.dtype)
    deg_inv_sqrt = jnp.where(deg > 0, deg ** -0.5, 0.0)
    norm = deg_inv_sqrt[row] * deg_inv_sqrt[col]
    # out[dst] += norm[i] * embeddings[src]  (src=row, dst=col) as scatter-add
    out = jnp.zeros_like(embeddings).at[col].add(norm[:, None] * embeddings[row])
    return out


def reference(users, items, edge_index, user_table, item_table):
    all_emb = jnp.concatenate([user_table, item_table], axis=0)
    embs = [all_emb]
    for _ in range(N_LAYERS):
        all_emb = _propagate(edge_index, all_emb)
        embs.append(all_emb)
    final_emb = jnp.mean(jnp.stack(embs, axis=0), axis=0)
    user_final = final_emb[:N_USERS]
    item_final = final_emb[N_USERS:]
    user_emb_batch = user_final[users]
    item_emb_batch = item_final[items]
    scores = (user_emb_batch * item_emb_batch).sum(axis=1)
    return scores

if __name__ == "__main__":
    import jax
    _d = setup_inputs()
    print(jax.jit(kernel)(*tuple(_d.values())))

</pallas_src>

<mosaic_0001>
#map = affine_map<(d0, d1) -> (0, 0)>
#map1 = affine_map<(d0, d1) -> (0, 0, 0)>
module attributes {stable_mosaic.version = 14 : i64} {
  func.func @_prop_body(%arg0: i32, %arg1: i32, %arg2: memref<10112x128xf32, #tpu.memory_space<hbm>>, %arg3: memref<32x80x128xi32, #tpu.memory_space<hbm>>, %arg4: memref<32x80x128xi32, #tpu.memory_space<hbm>>, %arg5: memref<10112x128xf32, #tpu.memory_space<hbm>>, %arg6: memref<2x10112x128xf32, #tpu.memory_space<hbm>>, %arg7: memref<10112x128xf32, #tpu.memory_space<vmem_shared>>, %arg8: memref<128x128xf32, #tpu.memory_space<vmem>>, %arg9: memref<128x128xf32, #tpu.memory_space<vmem>>, %arg10: memref<40x128xi32, #tpu.memory_space<vmem>>, %arg11: memref<40x128xi32, #tpu.memory_space<vmem>>, %arg12: memref<!tpu.dma_semaphore, #tpu.memory_space<semaphore_mem>>, %arg13: memref<!tpu.dma_semaphore, #tpu.memory_space<semaphore_mem>>, %arg14: memref<!tpu.dma_semaphore, #tpu.memory_space<semaphore_mem>>, %arg15: memref<!tpu.dma_semaphore, #tpu.memory_space<semaphore_mem>>) attributes {dimension_semantics = [#tpu.dimension_semantics<core_parallel>, #tpu.dimension_semantics<subcore_parallel>], iteration_bounds = array<i64: 2, 16>, scalar_prefetch = 0 : i64, scratch_operands = 9 : i64, tpu.core_type = #tpu.core_type<sc_vector_subcore>, window_params = [{transform_indices = #map}, {transform_indices = #map1}, {transform_indices = #map1}, {transform_indices = #map}, {transform_indices = #map1}]} {
    %mul3A = arith.constant 16 : i32
    %mul3A_0 = arith.muli %arg0, %mul3A : i32
    %add3A = arith.addi %mul3A_0, %arg1 : i32
    %mul3A_1 = arith.constant 632 : i32
    %mul3A_2 = arith.muli %arg1, %mul3A_1 : i32
    %mul3A_3 = arith.constant 632 : i32
    %mul3A_4 = arith.muli %arg1, %mul3A_3 : i32
    "tpu.region"() ({
      %run_scoped3A = tpu.sem_alloc : memref<!tpu.dma_semaphore, #tpu.memory_space<semaphore_mem>>
      %dma_start3A_46 = arith.constant 0 : i32
      %dma_start3A_47 = tpu.memref_slice %arg7[%mul3A_4, %dma_start3A_46] : memref<10112x128xf32, #tpu.memory_space<vmem_shared>> -> memref<632x128xf32, #tpu.memory_space<vmem_shared>>
      %dma_start3A_48 = arith.constant 0 : i32
      %dma_start3A_49 = tpu.memref_slice %arg5[%mul3A_2, %dma_start3A_48] : memref<10112x128xf32, #tpu.memory_space<hbm>> -> memref<632x128xf32, #tpu.memory_space<hbm>>
      tpu.enqueue_dma source(%dma_start3A_49 : memref<632x128xf32, #tpu.memory_space<hbm>>) target(%dma_start3A_47 : memref<632x128xf32, #tpu.memory_space<vmem_shared>>) target_semaphore(%run_scoped3A : memref<!tpu.dma_semaphore, #tpu.memory_space<semaphore_mem>>)
      %dma_wait3A = arith.constant 0 : i32
      %dma_wait3A_50 = tpu.memref_slice %arg7[%mul3A_4, %dma_wait3A] : memref<10112x128xf32, #tpu.memory_space<vmem_shared>> -> memref<632x128xf32, #tpu.memory_space<vmem_shared>>
      %dma_wait3A_51 = arith.constant 0 : i32
      %dma_wait3A_52 = tpu.memref_slice %arg5[%mul3A_2, %dma_wait3A_51] : memref<10112x128xf32, #tpu.memory_space<hbm>> -> memref<632x128xf32, #tpu.memory_space<hbm>>
      tpu.wait_dma2 semaphore(%run_scoped3A : memref<!tpu.dma_semaphore, #tpu.memory_space<semaphore_mem>>) src(%dma_wait3A_52 : memref<632x128xf32, #tpu.memory_space<hbm>>) dst(%dma_wait3A_50 : memref<632x128xf32, #tpu.memory_space<vmem_shared>>)
      tpu.yield
    }) : () -> ()
    %barrier3A = arith.constant 0 : index
    tpu.barrier barrier_id(%barrier3A)
    "tpu.region"() ({
      %run_scoped3A = tpu.sem_alloc : memref<!tpu.dma_semaphore, #tpu.memory_space<semaphore_mem>>
      %dma_start3A_46 = arith.constant 0 : i32
      %dma_start3A_47 = arith.constant 0 : i32
      %dma_start3A_48 = tpu.memref_slice %arg3[%add3A, %dma_start3A_46, %dma_start3A_47] : memref<32x80x128xi32, #tpu.memory_space<hbm>> -> memref<1x40x128xi32, #tpu.memory_space<hbm>>
      %dma_start3A_49 = tpu.memref_squeeze %dma_start3A_48 : memref<1x40x128xi32, #tpu.memory_space<hbm>> -> memref<40x128xi32, #tpu.memory_space<hbm>>
      %dma_start3A_50 = arith.constant 0 : i32
      %dma_start3A_51 = arith.constant 0 : i32
      %dma_start3A_52 = tpu.memref_slice %arg3[%add3A, %dma_start3A_50, %dma_start3A_51] : memref<32x80x128xi32, #tpu.memory_space<hbm>> -> memref<1x40x128xi32, #tpu.memory_space<hbm>>
      %dma_start3A_53 = tpu.memref_squeeze %dma_start3A_52 : memref<1x40x128xi32, #tpu.memory_space<hbm>> -> memref<40x128xi32, #tpu.memory_space<hbm>>
      tpu.enqueue_dma source(%dma_start3A_53 : memref<40x128xi32, #tpu.memory_space<hbm>>) target(%arg10 : memref<40x128xi32, #tpu.memory_space<vmem>>) target_semaphore(%run_scoped3A : memref<!tpu.dma_semaphore, #tpu.memory_space<semaphore_mem>>)
      %dma_wait3A = arith.constant 0 : i32
      %dma_wait3A_54 = arith.constant 0 : i32
      %dma_wait3A_55 = tpu.memref_slice %arg3[%add3A, %dma_wait3A, %dma_wait3A_54] : memref<32x80x128xi32, #tpu.memory_space<hbm>> -> memref<1x40x128xi32, #tpu.memory_space<hbm>>
      %dma_wait3A_56 = tpu.memref_squeeze %dma_wait3A_55 : memref<1x40x128xi32, #tpu.memory_space<hbm>> -> memref<40x128xi32, #tpu.memory_space<hbm>>
      %dma_wait3A_57 = arith.constant 0 : i32
      %dma_wait3A_58 = arith.constant 0 : i32
      %dma_wait3A_59 = tpu.memref_slice %arg3[%add3A, %dma_wait3A_57, %dma_wait3A_58] : memref<32x80x128xi32, #tpu.memory_space<hbm>> -> memref<1x40x128xi32, #tpu.memory_space<hbm>>
      %dma_wait3A_60 = tpu.memref_squeeze %dma_wait3A_59 : memref<1x40x128xi32, #tpu.memory_space<hbm>> -> memref<40x128xi32, #tpu.memory_space<hbm>>
      tpu.wait_dma2 semaphore(%run_scoped3A : memref<!tpu.dma_semaphore, #tpu.memory_space<semaphore_mem>>) src(%dma_wait3A_60 : memref<40x128xi32, #tpu.memory_space<hbm>>) dst(%arg10 : memref<40x128xi32, #tpu.memory_space<vmem>>)
      tpu.yield
    }) : () -> ()
    "tpu.region"() ({
      %run_scoped3A = tpu.sem_alloc : memref<!tpu.dma_semaphore, #tpu.memory_space<semaphore_mem>>
      %dma_start3A_46 = arith.constant 0 : i32
      %dma_start3A_47 = arith.constant 0 : i32
      %dma_start3A_48 = tpu.memref_slice %arg4[%add3A, %dma_start3A_46, %dma_start3A_47] : memref<32x80x128xi32, #tpu.memory_space<hbm>> -> memref<1x40x128xi32, #tpu.memory_space<hbm>>
      %dma_start3A_49 = tpu.memref_squeeze %dma_start3A_48 : memref<1x40x128xi32, #tpu.memory_space<hbm>> -> memref<40x128xi32, #tpu.memory_space<hbm>>
      %dma_start3A_50 = arith.constant 0 : i32
      %dma_start3A_51 = arith.constant 0 : i32
      %dma_start3A_52 = tpu.memref_slice %arg4[%add3A, %dma_start3A_50, %dma_start3A_51] : memref<32x80x128xi32, #tpu.memory_space<hbm>> -> memref<1x40x128xi32, #tpu.memory_space<hbm>>
      %dma_start3A_53 = tpu.memref_squeeze %dma_start3A_52 : memref<1x40x128xi32, #tpu.memory_space<hbm>> -> memref<40x128xi32, #tpu.memory_space<hbm>>
      tpu.enqueue_dma source(%dma_start3A_53 : memref<40x128xi32, #tpu.memory_space<hbm>>) target(%arg11 : memref<40x128xi32, #tpu.memory_space<vmem>>) target_semaphore(%run_scoped3A : memref<!tpu.dma_semaphore, #tpu.memory_space<semaphore_mem>>)
      %dma_wait3A = arith.constant 0 : i32
      %dma_wait3A_54 = arith.constant 0 : i32
      %dma_wait3A_55 = tpu.memref_slice %arg4[%add3A, %dma_wait3A, %dma_wait3A_54] : memref<32x80x128xi32, #tpu.memory_space<hbm>> -> memref<1x40x128xi32, #tpu.memory_space<hbm>>
      %dma_wait3A_56 = tpu.memref_squeeze %dma_wait3A_55 : memref<1x40x128xi32, #tpu.memory_space<hbm>> -> memref<40x128xi32, #tpu.memory_space<hbm>>
      %dma_wait3A_57 = arith.constant 0 : i32
      %dma_wait3A_58 = arith.constant 0 : i32
      %dma_wait3A_59 = tpu.memref_slice %arg4[%add3A, %dma_wait3A_57, %dma_wait3A_58] : memref<32x80x128xi32, #tpu.memory_space<hbm>> -> memref<1x40x128xi32, #tpu.memory_space<hbm>>
      %dma_wait3A_60 = tpu.memref_squeeze %dma_wait3A_59 : memref<1x40x128xi32, #tpu.memory_space<hbm>> -> memref<40x128xi32, #tpu.memory_space<hbm>>
      tpu.wait_dma2 semaphore(%run_scoped3A : memref<!tpu.dma_semaphore, #tpu.memory_space<semaphore_mem>>) src(%dma_wait3A_60 : memref<40x128xi32, #tpu.memory_space<hbm>>) dst(%arg11 : memref<40x128xi32, #tpu.memory_space<vmem>>)
      tpu.yield
    }) : () -> ()
    %dma_start3A = arith.constant 0 : i32
    %dma_start3A_5 = arith.constant 0 : i32
    %dma_start3A_6 = tpu.memref_slice %arg10[%dma_start3A, %dma_start3A_5] : memref<40x128xi32, #tpu.memory_space<vmem>> -> memref<1x128xi32, #tpu.memory_space<vmem>>
    %dma_start3A_7 = tpu.memref_squeeze %dma_start3A_6 : memref<1x128xi32, #tpu.memory_space<vmem>> -> memref<128xi32, #tpu.memory_space<vmem>>
    %dma_start3A_8 = arith.constant 0 : i32
    %dma_start3A_9 = arith.constant 0 : i32
    %dma_start3A_10 = tpu.memref_slice %arg2[%dma_start3A_8, %dma_start3A_9] : memref<10112x128xf32, #tpu.memory_space<hbm>> -> memref<10112x128xf32, #tpu.memory_space<hbm>>
    tpu.enqueue_indirect_dma source(%dma_start3A_10 : memref<10112x128xf32, #tpu.memory_space<hbm>>) target(%arg8 : memref<128x128xf32, #tpu.memory_space<vmem>>) offsets(%dma_start3A_7 : memref<128xi32, #tpu.memory_space<vmem>>) semaphore(%arg12 : memref<!tpu.dma_semaphore, #tpu.memory_space<semaphore_mem>>)
    %dma_start3A_11 = arith.constant 1 : i32
    %dma_start3A_12 = arith.constant 0 : i32
    %dma_start3A_13 = tpu.memref_slice %arg10[%dma_start3A_11, %dma_start3A_12] : memref<40x128xi32, #tpu.memory_space<vmem>> -> memref<1x128xi32, #tpu.memory_space<vmem>>
    %dma_start3A_14 = tpu.memref_squeeze %dma_start3A_13 : memref<1x128xi32, #tpu.memory_space<vmem>> -> memref<128xi32, #tpu.memory_space<vmem>>
    %dma_start3A_15 = arith.constant 0 : i32
    %dma_start3A_16 = arith.constant 0 : i32
    %dma_start3A_17 = tpu.memref_slice %arg2[%dma_start3A_15, %dma_start3A_16] : memref<10112x128xf32, #tpu.memory_space<hbm>> -> memref<10112x128xf32, #tpu.memory_space<hbm>>
    tpu.enqueue_indirect_dma source(%dma_start3A_17 : memref<10112x128xf32, #tpu.memory_space<hbm>>) target(%arg9 : memref<128x128xf32, #tpu.memory_space<vmem>>) offsets(%dma_start3A_14 : memref<128xi32, #tpu.memory_space<vmem>>) semaphore(%arg13 : memref<!tpu.dma_semaphore, #tpu.memory_space<semaphore_mem>>)
    %scan3A = arith.constant 0 : i32
    %scan3A_18 = arith.constant 20 : i32
    %scan3A_19 = arith.addi %scan3A, %scan3A_18 : i32
    %scan3A_20 = arith.constant 1 : i32
    scf.for %scan3A_46 = %scan3A to %scan3A_19 step %scan3A_20  : i32 {
      %mul3A_47 = arith.constant 2 : i32
      %mul3A_48 = arith.muli %scan3A_46, %mul3A_47 : i32
      %add3A_49 = arith.constant 0 : i32
      %add3A_50 = arith.addi %add3A_49, %mul3A_48 : i32
      %dma_wait3A = arith.constant 0 : i32
      %dma_wait3A_51 = tpu.memref_slice %arg10[%add3A_50, %dma_wait3A] : memref<40x128xi32, #tpu.memory_space<vmem>> -> memref<1x128xi32, #tpu.memory_space<vmem>>
      %dma_wait3A_52 = tpu.memref_squeeze %dma_wait3A_51 : memref<1x128xi32, #tpu.memory_space<vmem>> -> memref<128xi32, #tpu.memory_space<vmem>>
      %dma_wait3A_53 = arith.constant 0 : i32
      %dma_wait3A_54 = arith.constant 0 : i32
      %dma_wait3A_55 = tpu.memref_slice %arg2[%dma_wait3A_53, %dma_wait3A_54] : memref<10112x128xf32, #tpu.memory_space<hbm>> -> memref<10112x128xf32, #tpu.memory_space<hbm>>
      tpu.wait_indirect_dma semaphore(%arg12 : memref<!tpu.dma_semaphore, #tpu.memory_space<semaphore_mem>>) src(%dma_wait3A_55 : memref<10112x128xf32, #tpu.memory_space<hbm>>) dst(%arg8 : memref<128x128xf32, #tpu.memory_space<vmem>>)
      "tpu.region"() ({
        %run_scoped3A = tpu.sem_alloc : memref<!tpu.dma_semaphore, #tpu.memory_space<semaphore_mem>>
        %dma_start3A_77 = arith.constant 0 : i32
        %dma_start3A_78 = tpu.memref_slice %arg11[%add3A_50, %dma_start3A_77] : memref<40x128xi32, #tpu.memory_space<vmem>> -> memref<1x128xi32, #tpu.memory_space<vmem>>
        %dma_start3A_79 = tpu.memref_squeeze %dma_start3A_78 : memref<1x128xi32, #tpu.memory_space<vmem>> -> memref<128xi32, #tpu.memory_space<vmem>>
        %dma_start3A_80 = arith.constant 0 : i32
        %dma_start3A_81 = arith.constant 0 : i32
        %dma_start3A_82 = tpu.memref_slice %arg7[%dma_start3A_80, %dma_start3A_81] : memref<10112x128xf32, #tpu.memory_space<vmem_shared>> -> memref<10112x128xf32, #tpu.memory_space<vmem_shared>>
        tpu.enqueue_indirect_dma source(%arg8 : memref<128x128xf32, #tpu.memory_space<vmem>>) target(%dma_start3A_82 : memref<10112x128xf32, #tpu.memory_space<vmem_shared>>) offsets(%dma_start3A_79 : memref<128xi32, #tpu.memory_space<vmem>>) semaphore(%run_scoped3A : memref<!tpu.dma_semaphore, #tpu.memory_space<semaphore_mem>>) {add = true}
        %dma_wait3A_83 = arith.constant 0 : i32
        %dma_wait3A_84 = tpu.memref_slice %arg11[%add3A_50, %dma_wait3A_83] : memref<40x128xi32, #tpu.memory_space<vmem>> -> memref<1x128xi32, #tpu.memory_space<vmem>>
        %dma_wait3A_85 = tpu.memref_squeeze %dma_wait3A_84 : memref<1x128xi32, #tpu.memory_space<vmem>> -> memref<128xi32, #tpu.memory_space<vmem>>
        %dma_wait3A_86 = arith.constant 0 : i32
        %dma_wait3A_87 = arith.constant 0 : i32
        %dma_wait3A_88 = tpu.memref_slice %arg7[%dma_wait3A_86, %dma_wait3A_87] : memref<10112x128xf32, #tpu.memory_space<vmem_shared>> -> memref<10112x128xf32, #tpu.memory_space<vmem_shared>>
        tpu.wait_indirect_dma semaphore(%run_scoped3A : memref<!tpu.dma_semaphore, #tpu.memory_space<semaphore_mem>>) src(%arg8 : memref<128x128xf32, #tpu.memory_space<vmem>>) dst(%dma_wait3A_88 : memref<10112x128xf32, #tpu.memory_space<vmem_shared>>)
        tpu.yield
      }) : () -> ()
      %add3A_56 = arith.constant 2 : i32
      %add3A_57 = arith.addi %add3A_50, %add3A_56 : i32
      %lt3A = arith.constant 40 : i32
      %lt3A_58 = arith.cmpi slt, %add3A_57, %lt3A : i32
      %convert_element_type3A = arith.extui %lt3A_58 : i1 to i32
      %cond3A = arith.constant 0 : i32
      %cond3A_59 = arith.cmpi ne, %convert_element_type3A, %cond3A : i32
      scf.if %cond3A_59 {
        %add3A_77 = arith.constant 2 : i32
        %add3A_78 = arith.addi %add3A_50, %add3A_77 : i32
        %dma_start3A_79 = arith.constant 0 : i32
        %dma_start3A_80 = tpu.memref_slice %arg10[%add3A_78, %dma_start3A_79] : memref<40x128xi32, #tpu.memory_space<vmem>> -> memref<1x128xi32, #tpu.memory_space<vmem>>
        %dma_start3A_81 = tpu.memref_squeeze %dma_start3A_80 : memref<1x128xi32, #tpu.memory_space<vmem>> -> memref<128xi32, #tpu.memory_space<vmem>>
        %dma_start3A_82 = arith.constant 0 : i32
        %dma_start3A_83 = arith.constant 0 : i32
        %dma_start3A_84 = tpu.memref_slice %arg2[%dma_start3A_82, %dma_start3A_83] : memref<10112x128xf32, #tpu.memory_space<hbm>> -> memref<10112x128xf32, #tpu.memory_space<hbm>>
        tpu.enqueue_indirect_dma source(%dma_start3A_84 : memref<10112x128xf32, #tpu.memory_space<hbm>>) target(%arg8 : memref<128x128xf32, #tpu.memory_space<vmem>>) offsets(%dma_start3A_81 : memref<128xi32, #tpu.memory_space<vmem>>) semaphore(%arg12 : memref<!tpu.dma_semaphore, #tpu.memory_space<semaphore_mem>>)
      } else {
      }
      %add3A_60 = arith.constant 1 : i32
      %add3A_61 = arith.addi %add3A_50, %add3A_60 : i32
      %dma_wait3A_62 = arith.constant 0 : i32
      %dma_wait3A_63 = tpu.memref_slice %arg10[%add3A_61, %dma_wait3A_62] : memref<40x128xi32, #tpu.memory_space<vmem>> -> memref<1x128xi32, #tpu.memory_space<vmem>>
      %dma_wait3A_64 = tpu.memref_squeeze %dma_wait3A_63 : memref<1x128xi32, #tpu.memory_space<vmem>> -> memref<128xi32, #tpu.memory_space<vmem>>
      %dma_wait3A_65 = arith.constant 0 : i32
      %dma_wait3A_66 = arith.constant 0 : i32
      %dma_wait3A_67 = tpu.memref_slice %arg2[%dma_wait3A_65, %dma_wait3A_66] : memref<10112x128xf32, #tpu.memory_space<hbm>> -> memref<10112x128xf32, #tpu.memory_space<hbm>>
      tpu.wait_indirect_dma semaphore(%arg13 : memref<!tpu.dma_semaphore, #tpu.memory_space<semaphore_mem>>) src(%dma_wait3A_67 : memref<10112x128xf32, #tpu.memory_space<hbm>>) dst(%arg9 : memref<128x128xf32, #tpu.memory_space<vmem>>)
      %add3A_68 = arith.constant 1 : i32
      %add3A_69 = arith.addi %add3A_50, %add3A_68 : i32
      "tpu.region"() ({
        %run_scoped3A = tpu.sem_alloc : memref<!tpu.dma_semaphore, #tpu.memory_space<semaphore_mem>>
        %dma_start3A_77 = arith.constant 0 : i32
        %dma_start3A_78 = tpu.memref_slice %arg11[%add3A_69, %dma_start3A_77] : memref<40x128xi32, #tpu.memory_space<vmem>> -> memref<1x128xi32, #tpu.memory_space<vmem>>
        %dma_start3A_79 = tpu.memref_squeeze %dma_start3A_78 : memref<1x128xi32, #tpu.memory_space<vmem>> -> memref<128xi32, #tpu.memory_space<vmem>>
        %dma_start3A_80 = arith.constant 0 : i32
        %dma_start3A_81 = arith.constant 0 : i32
        %dma_start3A_82 = tpu.memref_slice %arg7[%dma_start3A_80, %dma_start3A_81] : memref<10112x128xf32, #tpu.memory_space<vmem_shared>> -> memref<10112x128xf32, #tpu.memory_space<vmem_shared>>
        tpu.enqueue_indirect_dma source(%arg9 : memref<128x128xf32, #tpu.memory_space<vmem>>) target(%dma_start3A_82 : memref<10112x128xf32, #tpu.memory_space<vmem_shared>>) offsets(%dma_start3A_79 : memref<128xi32, #tpu.memory_space<vmem>>) semaphore(%run_scoped3A : memref<!tpu.dma_semaphore, #tpu.memory_space<semaphore_mem>>) {add = true}
        %dma_wait3A_83 = arith.constant 0 : i32
        %dma_wait3A_84 = tpu.memref_slice %arg11[%add3A_69, %dma_wait3A_83] : memref<40x128xi32, #tpu.memory_space<vmem>> -> memref<1x128xi32, #tpu.memory_space<vmem>>
        %dma_wait3A_85 = tpu.memref_squeeze %dma_wait3A_84 : memref<1x128xi32, #tpu.memory_space<vmem>> -> memref<128xi32, #tpu.memory_space<vmem>>
        %dma_wait3A_86 = arith.constant 0 : i32
        %dma_wait3A_87 = arith.constant 0 : i32
        %dma_wait3A_88 = tpu.memref_slice %arg7[%dma_wait3A_86, %dma_wait3A_87] : memref<10112x128xf32, #tpu.memory_space<vmem_shared>> -> memref<10112x128xf32, #tpu.memory_space<vmem_shared>>
        tpu.wait_indirect_dma semaphore(%run_scoped3A : memref<!tpu.dma_semaphore, #tpu.memory_space<semaphore_mem>>) src(%arg9 : memref<128x128xf32, #tpu.memory_space<vmem>>) dst(%dma_wait3A_88 : memref<10112x128xf32, #tpu.memory_space<vmem_shared>>)
        tpu.yield
      }) : () -> ()
      %add3A_70 = arith.constant 3 : i32
      %add3A_71 = arith.addi %add3A_50, %add3A_70 : i32
      %lt3A_72 = arith.constant 40 : i32
      %lt3A_73 = arith.cmpi slt, %add3A_71, %lt3A_72 : i32
      %convert_element_type3A_74 = arith.extui %lt3A_73 : i1 to i32
      %cond3A_75 = arith.constant 0 : i32
      %cond3A_76 = arith.cmpi ne, %convert_element_type3A_74, %cond3A_75 : i32
      scf.if %cond3A_76 {
        %add3A_77 = arith.constant 3 : i32
        %add3A_78 = arith.addi %add3A_50, %add3A_77 : i32
        %dma_start3A_79 = arith.constant 0 : i32
        %dma_start3A_80 = tpu.memref_slice %arg10[%add3A_78, %dma_start3A_79] : memref<40x128xi32, #tpu.memory_space<vmem>> -> memref<1x128xi32, #tpu.memory_space<vmem>>
        %dma_start3A_81 = tpu.memref_squeeze %dma_start3A_80 : memref<1x128xi32, #tpu.memory_space<vmem>> -> memref<128xi32, #tpu.memory_space<vmem>>
        %dma_start3A_82 = arith.constant 0 : i32
        %dma_start3A_83 = arith.constant 0 : i32
        %dma_start3A_84 = tpu.memref_slice %arg2[%dma_start3A_82, %dma_start3A_83] : memref<10112x128xf32, #tpu.memory_space<hbm>> -> memref<10112x128xf32, #tpu.memory_space<hbm>>
        tpu.enqueue_indirect_dma source(%dma_start3A_84 : memref<10112x128xf32, #tpu.memory_space<hbm>>) target(%arg9 : memref<128x128xf32, #tpu.memory_space<vmem>>) offsets(%dma_start3A_81 : memref<128xi32, #tpu.memory_space<vmem>>) semaphore(%arg13 : memref<!tpu.dma_semaphore, #tpu.memory_space<semaphore_mem>>)
      } else {
      }
    }
    %scan3A_21 = arith.constant 20 : i32
    "tpu.region"() ({
      %run_scoped3A = tpu.sem_alloc : memref<!tpu.dma_semaphore, #tpu.memory_space<semaphore_mem>>
      %dma_start3A_46 = arith.constant 40 : i32
      %dma_start3A_47 = arith.constant 0 : i32
      %dma_start3A_48 = tpu.memref_slice %arg3[%add3A, %dma_start3A_46, %dma_start3A_47] : memref<32x80x128xi32, #tpu.memory_space<hbm>> -> memref<1x40x128xi32, #tpu.memory_space<hbm>>
      %dma_start3A_49 = tpu.memref_squeeze %dma_start3A_48 : memref<1x40x128xi32, #tpu.memory_space<hbm>> -> memref<40x128xi32, #tpu.memory_space<hbm>>
      %dma_start3A_50 = arith.constant 40 : i32
      %dma_start3A_51 = arith.constant 0 : i32
      %dma_start3A_52 = tpu.memref_slice %arg3[%add3A, %dma_start3A_50, %dma_start3A_51] : memref<32x80x128xi32, #tpu.memory_space<hbm>> -> memref<1x40x128xi32, #tpu.memory_space<hbm>>
      %dma_start3A_53 = tpu.memref_squeeze %dma_start3A_52 : memref<1x40x128xi32, #tpu.memory_space<hbm>> -> memref<40x128xi32, #tpu.memory_space<hbm>>
      tpu.enqueue_dma source(%dma_start3A_53 : memref<40x128xi32, #tpu.memory_space<hbm>>) target(%arg10 : memref<40x128xi32, #tpu.memory_space<vmem>>) target_semaphore(%run_scoped3A : memref<!tpu.dma_semaphore, #tpu.memory_space<semaphore_mem>>)
      %dma_wait3A = arith.constant 40 : i32
      %dma_wait3A_54 = arith.constant 0 : i32
      %dma_wait3A_55 = tpu.memref_slice %arg3[%add3A, %dma_wait3A, %dma_wait3A_54] : memref<32x80x128xi32, #tpu.memory_space<hbm>> -> memref<1x40x128xi32, #tpu.memory_space<hbm>>
      %dma_wait3A_56 = tpu.memref_squeeze %dma_wait3A_55 : memref<1x40x128xi32, #tpu.memory_space<hbm>> -> memref<40x128xi32, #tpu.memory_space<hbm>>
      %dma_wait3A_57 = arith.constant 40 : i32
      %dma_wait3A_58 = arith.constant 0 : i32
      %dma_wait3A_59 = tpu.memref_slice %arg3[%add3A, %dma_wait3A_57, %dma_wait3A_58] : memref<32x80x128xi32, #tpu.memory_space<hbm>> -> memref<1x40x128xi32, #tpu.memory_space<hbm>>
      %dma_wait3A_60 = tpu.memref_squeeze %dma_wait3A_59 : memref<1x40x128xi32, #tpu.memory_space<hbm>> -> memref<40x128xi32, #tpu.memory_space<hbm>>
      tpu.wait_dma2 semaphore(%run_scoped3A : memref<!tpu.dma_semaphore, #tpu.memory_space<semaphore_mem>>) src(%dma_wait3A_60 : memref<40x128xi32, #tpu.memory_space<hbm>>) dst(%arg10 : memref<40x128xi32, #tpu.memory_space<vmem>>)
      tpu.yield
    }) : () -> ()
    "tpu.region"() ({
      %run_scoped3A = tpu.sem_alloc : memref<!tpu.dma_semaphore, #tpu.memory_space<semaphore_mem>>
      %dma_start3A_46 = arith.constant 40 : i32
      %dma_start3A_47 = arith.constant 0 : i32
      %dma_start3A_48 = tpu.memref_slice %arg4[%add3A, %dma_start3A_46, %dma_start3A_47] : memref<32x80x128xi32, #tpu.memory_space<hbm>> -> memref<1x40x128xi32, #tpu.memory_space<hbm>>
      %dma_start3A_49 = tpu.memref_squeeze %dma_start3A_48 : memref<1x40x128xi32, #tpu.memory_space<hbm>> -> memref<40x128xi32, #tpu.memory_space<hbm>>
      %dma_start3A_50 = arith.constant 40 : i32
      %dma_start3A_51 = arith.constant 0 : i32
      %dma_start3A_52 = tpu.memref_slice %arg4[%add3A, %dma_start3A_50, %dma_start3A_51] : memref<32x80x128xi32, #tpu.memory_space<hbm>> -> memref<1x40x128xi32, #tpu.memory_space<hbm>>
      %dma_start3A_53 = tpu.memref_squeeze %dma_start3A_52 : memref<1x40x128xi32, #tpu.memory_space<hbm>> -> memref<40x128xi32, #tpu.memory_space<hbm>>
      tpu.enqueue_dma source(%dma_start3A_53 : memref<40x128xi32, #tpu.memory_space<hbm>>) target(%arg11 : memref<40x128xi32, #tpu.memory_space<vmem>>) target_semaphore(%run_scoped3A : memref<!tpu.dma_semaphore, #tpu.memory_space<semaphore_mem>>)
      %dma_wait3A = arith.constant 40 : i32
      %dma_wait3A_54 = arith.constant 0 : i32
      %dma_wait3A_55 = tpu.memref_slice %arg4[%add3A, %dma_wait3A, %dma_wait3A_54] : memref<32x80x128xi32, #tpu.memory_space<hbm>> -> memref<1x40x128xi32, #tpu.memory_space<hbm>>
      %dma_wait3A_56 = tpu.memref_squeeze %dma_wait3A_55 : memref<1x40x128xi32, #tpu.memory_space<hbm>> -> memref<40x128xi32, #tpu.memory_space<hbm>>
      %dma_wait3A_57 = arith.constant 40 : i32
      %dma_wait3A_58 = arith.constant 0 : i32
      %dma_wait3A_59 = tpu.memref_slice %arg4[%add3A, %dma_wait3A_57, %dma_wait3A_58] : memref<32x80x128xi32, #tpu.memory_space<hbm>> -> memref<1x40x128xi32, #tpu.memory_space<hbm>>
      %dma_wait3A_60 = tpu.memref_squeeze %dma_wait3A_59 : memref<1x40x128xi32, #tpu.memory_space<hbm>> -> memref<40x128xi32, #tpu.memory_space<hbm>>
      tpu.wait_dma2 semaphore(%run_scoped3A : memref<!tpu.dma_semaphore, #tpu.memory_space<semaphore_mem>>) src(%dma_wait3A_60 : memref<40x128xi32, #tpu.memory_space<hbm>>) dst(%arg11 : memref<40x128xi32, #tpu.memory_space<vmem>>)
      tpu.yield
    }) : () -> ()
    %dma_start3A_22 = arith.constant 0 : i32
    %dma_start3A_23 = arith.constant 0 : i32
    %dma_start3A_24 = tpu.memref_slice %arg10[%dma_start3A_22, %dma_start3A_23] : memref<40x128xi32, #tpu.memory_space<vmem>> -> memref<1x128xi32, #tpu.memory_space<vmem>>
    %dma_start3A_25 = tpu.memref_squeeze %dma_start3A_24 : memref<1x128xi32, #tpu.memory_space<vmem>> -> memref<128xi32, #tpu.memory_space<vmem>>
    %dma_start3A_26 = arith.constant 0 : i32
    %dma_start3A_27 = arith.constant 0 : i32
    %dma_start3A_28 = tpu.memref_slice %arg2[%dma_start3A_26, %dma_start3A_27] : memref<10112x128xf32, #tpu.memory_space<hbm>> -> memref<10112x128xf32, #tpu.memory_space<hbm>>
    tpu.enqueue_indirect_dma source(%dma_start3A_28 : memref<10112x128xf32, #tpu.memory_space<hbm>>) target(%arg8 : memref<128x128xf32, #tpu.memory_space<vmem>>) offsets(%dma_start3A_25 : memref<128xi32, #tpu.memory_space<vmem>>) semaphore(%arg12 : memref<!tpu.dma_semaphore, #tpu.memory_space<semaphore_mem>>)
    %dma_start3A_29 = arith.constant 1 : i32
    %dma_start3A_30 = arith.constant 0 : i32
    %dma_start3A_31 = tpu.memref_slice %arg10[%dma_start3A_29, %dma_start3A_30] : memref<40x128xi32, #tpu.memory_space<vmem>> -> memref<1x128xi32, #tpu.memory_space<vmem>>
    %dma_start3A_32 = tpu.memref_squeeze %dma_start3A_31 : memref<1x128xi32, #tpu.memory_space<vmem>> -> memref<128xi32, #tpu.memory_space<vmem>>
    %dma_start3A_33 = arith.constant 0 : i32
    %dma_start3A_34 = arith.constant 0 : i32
    %dma_start3A_35 = tpu.memref_slice %arg2[%dma_start3A_33, %dma_start3A_34] : memref<10112x128xf32, #tpu.memory_space<hbm>> -> memref<10112x128xf32, #tpu.memory_space<hbm>>
    tpu.enqueue_indirect_dma source(%dma_start3A_35 : memref<10112x128xf32, #tpu.memory_space<hbm>>) target(%arg9 : memref<128x128xf32, #tpu.memory_space<vmem>>) offsets(%dma_start3A_32 : memref<128xi32, #tpu.memory_space<vmem>>) semaphore(%arg13 : memref<!tpu.dma_semaphore, #tpu.memory_space<semaphore_mem>>)
    %scan3A_36 = arith.constant 0 : i32
    %scan3A_37 = arith.constant 20 : i32
    %scan3A_38 = arith.addi %scan3A_36, %scan3A_37 : i32
    %scan3A_39 = arith.constant 1 : i32
    scf.for %scan3A_46 = %scan3A_36 to %scan3A_38 step %scan3A_39  : i32 {
      %mul3A_47 = arith.constant 2 : i32
      %mul3A_48 = arith.muli %scan3A_46, %mul3A_47 : i32
      %add3A_49 = arith.constant 0 : i32
      %add3A_50 = arith.addi %add3A_49, %mul3A_48 : i32
      %dma_wait3A = arith.constant 0 : i32
      %dma_wait3A_51 = tpu.memref_slice %arg10[%add3A_50, %dma_wait3A] : memref<40x128xi32, #tpu.memory_space<vmem>> -> memref<1x128xi32, #tpu.memory_space<vmem>>
      %dma_wait3A_52 = tpu.memref_squeeze %dma_wait3A_51 : memref<1x128xi32, #tpu.memory_space<vmem>> -> memref<128xi32, #tpu.memory_space<vmem>>
      %dma_wait3A_53 = arith.constant 0 : i32
      %dma_wait3A_54 = arith.constant 0 : i32
      %dma_wait3A_55 = tpu.memref_slice %arg2[%dma_wait3A_53, %dma_wait3A_54] : memref<10112x128xf32, #tpu.memory_space<hbm>> -> memref<10112x128xf32, #tpu.memory_space<hbm>>
      tpu.wait_indirect_dma semaphore(%arg12 : memref<!tpu.dma_semaphore, #tpu.memory_space<semaphore_mem>>) src(%dma_wait3A_55 : memref<10112x128xf32, #tpu.memory_space<hbm>>) dst(%arg8 : memref<128x128xf32, #tpu.memory_space<vmem>>)
      "tpu.region"() ({
        %run_scoped3A = tpu.sem_alloc : memref<!tpu.dma_semaphore, #tpu.memory_space<semaphore_mem>>
        %dma_start3A_77 = arith.constant 0 : i32
        %dma_start3A_78 = tpu.memref_slice %arg11[%add3A_50, %dma_start3A_77] : memref<40x128xi32, #tpu.memory_space<vmem>> -> memref<1x128xi32, #tpu.memory_space<vmem>>
        %dma_start3A_79 = tpu.memref_squeeze %dma_start3A_78 : memref<1x128xi32, #tpu.memory_space<vmem>> -> memref<128xi32, #tpu.memory_space<vmem>>
        %dma_start3A_80 = arith.constant 0 : i32
        %dma_start3A_81 = arith.constant 0 : i32
        %dma_start3A_82 = tpu.memref_slice %arg7[%dma_start3A_80, %dma_start3A_81] : memref<10112x128xf32, #tpu.memory_space<vmem_shared>> -> memref<10112x128xf32, #tpu.memory_space<vmem_shared>>
        tpu.enqueue_indirect_dma source(%arg8 : memref<128x128xf32, #tpu.memory_space<vmem>>) target(%dma_start3A_82 : memref<10112x128xf32, #tpu.memory_space<vmem_shared>>) offsets(%dma_start3A_79 : memref<128xi32, #tpu.memory_space<vmem>>) semaphore(%run_scoped3A : memref<!tpu.dma_semaphore, #tpu.memory_space<semaphore_mem>>) {add = true}
        %dma_wait3A_83 = arith.constant 0 : i32
        %dma_wait3A_84 = tpu.memref_slice %arg11[%add3A_50, %dma_wait3A_83] : memref<40x128xi32, #tpu.memory_space<vmem>> -> memref<1x128xi32, #tpu.memory_space<vmem>>
        %dma_wait3A_85 = tpu.memref_squeeze %dma_wait3A_84 : memref<1x128xi32, #tpu.memory_space<vmem>> -> memref<128xi32, #tpu.memory_space<vmem>>
        %dma_wait3A_86 = arith.constant 0 : i32
        %dma_wait3A_87 = arith.constant 0 : i32
        %dma_wait3A_88 = tpu.memref_slice %arg7[%dma_wait3A_86, %dma_wait3A_87] : memref<10112x128xf32, #tpu.memory_space<vmem_shared>> -> memref<10112x128xf32, #tpu.memory_space<vmem_shared>>
        tpu.wait_indirect_dma semaphore(%run_scoped3A : memref<!tpu.dma_semaphore, #tpu.memory_space<semaphore_mem>>) src(%arg8 : memref<128x128xf32, #tpu.memory_space<vmem>>) dst(%dma_wait3A_88 : memref<10112x128xf32, #tpu.memory_space<vmem_shared>>)
        tpu.yield
      }) : () -> ()
      %add3A_56 = arith.constant 2 : i32
      %add3A_57 = arith.addi %add3A_50, %add3A_56 : i32
      %lt3A = arith.constant 40 : i32
      %lt3A_58 = arith.cmpi slt, %add3A_57, %lt3A : i32
      %convert_element_type3A = arith.extui %lt3A_58 : i1 to i32
      %cond3A = arith.constant 0 : i32
      %cond3A_59 = arith.cmpi ne, %convert_element_type3A, %cond3A : i32
      scf.if %cond3A_59 {
        %add3A_77 = arith.constant 2 : i32
        %add3A_78 = arith.addi %add3A_50, %add3A_77 : i32
        %dma_start3A_79 = arith.constant 0 : i32
        %dma_start3A_80 = tpu.memref_slice %arg10[%add3A_78, %dma_start3A_79] : memref<40x128xi32, #tpu.memory_space<vmem>> -> memref<1x128xi32, #tpu.memory_space<vmem>>
        %dma_start3A_81 = tpu.memref_squeeze %dma_start3A_80 : memref<1x128xi32, #tpu.memory_space<vmem>> -> memref<128xi32, #tpu.memory_space<vmem>>
        %dma_start3A_82 = arith.constant 0 : i32
        %dma_start3A_83 = arith.constant 0 : i32
        %dma_start3A_84 = tpu.memref_slice %arg2[%dma_start3A_82, %dma_start3A_83] : memref<10112x128xf32, #tpu.memory_space<hbm>> -> memref<10112x128xf32, #tpu.memory_space<hbm>>
        tpu.enqueue_indirect_dma source(%dma_start3A_84 : memref<10112x128xf32, #tpu.memory_space<hbm>>) target(%arg8 : memref<128x128xf32, #tpu.memory_space<vmem>>) offsets(%dma_start3A_81 : memref<128xi32, #tpu.memory_space<vmem>>) semaphore(%arg12 : memref<!tpu.dma_semaphore, #tpu.memory_space<semaphore_mem>>)
      } else {
      }
      %add3A_60 = arith.constant 1 : i32
      %add3A_61 = arith.addi %add3A_50, %add3A_60 : i32
      %dma_wait3A_62 = arith.constant 0 : i32
      %dma_wait3A_63 = tpu.memref_slice %arg10[%add3A_61, %dma_wait3A_62] : memref<40x128xi32, #tpu.memory_space<vmem>> -> memref<1x128xi32, #tpu.memory_space<vmem>>
      %dma_wait3A_64 = tpu.memref_squeeze %dma_wait3A_63 : memref<1x128xi32, #tpu.memory_space<vmem>> -> memref<128xi32, #tpu.memory_space<vmem>>
      %dma_wait3A_65 = arith.constant 0 : i32
      %dma_wait3A_66 = arith.constant 0 : i32
      %dma_wait3A_67 = tpu.memref_slice %arg2[%dma_wait3A_65, %dma_wait3A_66] : memref<10112x128xf32, #tpu.memory_space<hbm>> -> memref<10112x128xf32, #tpu.memory_space<hbm>>
      tpu.wait_indirect_dma semaphore(%arg13 : memref<!tpu.dma_semaphore, #tpu.memory_space<semaphore_mem>>) src(%dma_wait3A_67 : memref<10112x128xf32, #tpu.memory_space<hbm>>) dst(%arg9 : memref<128x128xf32, #tpu.memory_space<vmem>>)
      %add3A_68 = arith.constant 1 : i32
      %add3A_69 = arith.addi %add3A_50, %add3A_68 : i32
      "tpu.region"() ({
        %run_scoped3A = tpu.sem_alloc : memref<!tpu.dma_semaphore, #tpu.memory_space<semaphore_mem>>
        %dma_start3A_77 = arith.constant 0 : i32
        %dma_start3A_78 = tpu.memref_slice %arg11[%add3A_69, %dma_start3A_77] : memref<40x128xi32, #tpu.memory_space<vmem>> -> memref<1x128xi32, #tpu.memory_space<vmem>>
        %dma_start3A_79 = tpu.memref_squeeze %dma_start3A_78 : memref<1x128xi32, #tpu.memory_space<vmem>> -> memref<128xi32, #tpu.memory_space<vmem>>
        %dma_start3A_80 = arith.constant 0 : i32
        %dma_start3A_81 = arith.constant 0 : i32
        %dma_start3A_82 = tpu.memref_slice %arg7[%dma_start3A_80, %dma_start3A_81] : memref<10112x128xf32, #tpu.memory_space<vmem_shared>> -> memref<10112x128xf32, #tpu.memory_space<vmem_shared>>
        tpu.enqueue_indirect_dma source(%arg9 : memref<128x128xf32, #tpu.memory_space<vmem>>) target(%dma_start3A_82 : memref<10112x128xf32, #tpu.memory_space<vmem_shared>>) offsets(%dma_start3A_79 : memref<128xi32, #tpu.memory_space<vmem>>) semaphore(%run_scoped3A : memref<!tpu.dma_semaphore, #tpu.memory_space<semaphore_mem>>) {add = true}
        %dma_wait3A_83 = arith.constant 0 : i32
        %dma_wait3A_84 = tpu.memref_slice %arg11[%add3A_69, %dma_wait3A_83] : memref<40x128xi32, #tpu.memory_space<vmem>> -> memref<1x128xi32, #tpu.memory_space<vmem>>
        %dma_wait3A_85 = tpu.memref_squeeze %dma_wait3A_84 : memref<1x128xi32, #tpu.memory_space<vmem>> -> memref<128xi32, #tpu.memory_space<vmem>>
        %dma_wait3A_86 = arith.constant 0 : i32
        %dma_wait3A_87 = arith.constant 0 : i32
        %dma_wait3A_88 = tpu.memref_slice %arg7[%dma_wait3A_86, %dma_wait3A_87] : memref<10112x128xf32, #tpu.memory_space<vmem_shared>> -> memref<10112x128xf32, #tpu.memory_space<vmem_shared>>
        tpu.wait_indirect_dma semaphore(%run_scoped3A : memref<!tpu.dma_semaphore, #tpu.memory_space<semaphore_mem>>) src(%arg9 : memref<128x128xf32, #tpu.memory_space<vmem>>) dst(%dma_wait3A_88 : memref<10112x128xf32, #tpu.memory_space<vmem_shared>>)
        tpu.yield
      }) : () -> ()
      %add3A_70 = arith.constant 3 : i32
      %add3A_71 = arith.addi %add3A_50, %add3A_70 : i32
      %lt3A_72 = arith.constant 40 : i32
      %lt3A_73 = arith.cmpi slt, %add3A_71, %lt3A_72 : i32
      %convert_element_type3A_74 = arith.extui %lt3A_73 : i1 to i32
      %cond3A_75 = arith.constant 0 : i32
      %cond3A_76 = arith.cmpi ne, %convert_element_type3A_74, %cond3A_75 : i32
      scf.if %cond3A_76 {
        %add3A_77 = arith.constant 3 : i32
        %add3A_78 = arith.addi %add3A_50, %add3A_77 : i32
        %dma_start3A_79 = arith.constant 0 : i32
        %dma_start3A_80 = tpu.memref_slice %arg10[%add3A_78, %dma_start3A_79] : memref<40x128xi32, #tpu.memory_space<vmem>> -> memref<1x128xi32, #tpu.memory_space<vmem>>
        %dma_start3A_81 = tpu.memref_squeeze %dma_start3A_80 : memref<1x128xi32, #tpu.memory_space<vmem>> -> memref<128xi32, #tpu.memory_space<vmem>>
        %dma_start3A_82 = arith.constant 0 : i32
        %dma_start3A_83 = arith.constant 0 : i32
        %dma_start3A_84 = tpu.memref_slice %arg2[%dma_start3A_82, %dma_start3A_83] : memref<10112x128xf32, #tpu.memory_space<hbm>> -> memref<10112x128xf32, #tpu.memory_space<hbm>>
        tpu.enqueue_indirect_dma source(%dma_start3A_84 : memref<10112x128xf32, #tpu.memory_space<hbm>>) target(%arg9 : memref<128x128xf32, #tpu.memory_space<vmem>>) offsets(%dma_start3A_81 : memref<128xi32, #tpu.memory_space<vmem>>) semaphore(%arg13 : memref<!tpu.dma_semaphore, #tpu.memory_space<semaphore_mem>>)
      } else {
      }
    }
    %scan3A_40 = arith.constant 20 : i32
    %barrier3A_41 = arith.constant 0 : index
    tpu.barrier barrier_id(%barrier3A_41)
    %mul3A_42 = arith.constant 632 : i32
    %mul3A_43 = arith.muli %arg1, %mul3A_42 : i32
    %mul3A_44 = arith.constant 632 : i32
    %mul3A_45 = arith.muli %arg1, %mul3A_44 : i32
    "tpu.region"() ({
      %run_scoped3A = tpu.sem_alloc : memref<!tpu.dma_semaphore, #tpu.memory_space<semaphore_mem>>
      %dma_start3A_46 = arith.constant 0 : i32
      %dma_start3A_47 = tpu.memref_slice %arg6[%arg0, %mul3A_45, %dma_start3A_46] : memref<2x10112x128xf32, #tpu.memory_space<hbm>> -> memref<1x632x128xf32, #tpu.memory_space<hbm>>
      %dma_start3A_48 = tpu.memref_squeeze %dma_start3A_47 : memref<1x632x128xf32, #tpu.memory_space<hbm>> -> memref<632x128xf32, #tpu.memory_space<hbm>>
      %dma_start3A_49 = arith.constant 0 : i32
      %dma_start3A_50 = tpu.memref_slice %arg7[%mul3A_43, %dma_start3A_49] : memref<10112x128xf32, #tpu.memory_space<vmem_shared>> -> memref<632x128xf32, #tpu.memory_space<vmem_shared>>
      tpu.enqueue_dma source(%dma_start3A_50 : memref<632x128xf32, #tpu.memory_space<vmem_shared>>) target(%dma_start3A_48 : memref<632x128xf32, #tpu.memory_space<hbm>>) target_semaphore(%run_scoped3A : memref<!tpu.dma_semaphore, #tpu.memory_space<semaphore_mem>>)
      %dma_wait3A = arith.constant 0 : i32
      %dma_wait3A_51 = tpu.memref_slice %arg6[%arg0, %mul3A_45, %dma_wait3A] : memref<2x10112x128xf32, #tpu.memory_space<hbm>> -> memref<1x632x128xf32, #tpu.memory_space<hbm>>
      %dma_wait3A_52 = tpu.memref_squeeze %dma_wait3A_51 : memref<1x632x128xf32, #tpu.memory_space<hbm>> -> memref<632x128xf32, #tpu.memory_space<hbm>>
      %dma_wait3A_53 = arith.constant 0 : i32
      %dma_wait3A_54 = tpu.memref_slice %arg7[%mul3A_43, %dma_wait3A_53] : memref<10112x128xf32, #tpu.memory_space<vmem_shared>> -> memref<632x128xf32, #tpu.memory_space<vmem_shared>>
      tpu.wait_dma2 semaphore(%run_scoped3A : memref<!tpu.dma_semaphore, #tpu.memory_space<semaphore_mem>>) src(%dma_wait3A_54 : memref<632x128xf32, #tpu.memory_space<vmem_shared>>) dst(%dma_wait3A_52 : memref<632x128xf32, #tpu.memory_space<hbm>>)
      tpu.yield
    }) : () -> ()
    return
  }
}

#map = affine_map<(d0, d1) -> (0, 0, 0)>
#map1 = affine_map<(d0, d1) -> (0, 0)>
module attributes {stable_mosaic.version = 14 : i64} {
  func.func @_deg_body(%arg0: i32, %arg1: i32, %arg2: memref<32x80x128xi32, #tpu.memory_space<hbm>>, %arg3: memref<32x10112xf32, #tpu.memory_space<hbm>>, %arg4: memref<10112xf32, #tpu.memory_space<vmem>>, %arg5: memref<80x128xi32, #tpu.memory_space<vmem>>) attributes {dimension_semantics = [#tpu.dimension_semantics<core_parallel>, #tpu.dimension_semantics<subcore_parallel>], iteration_bounds = array<i64: 2, 16>, scalar_prefetch = 0 : i64, scratch_operands = 2 : i64, tpu.core_type = #tpu.core_type<sc_vector_subcore>, window_params = [{transform_indices = #map}, {transform_indices = #map1}]} {
    %mul3A = arith.constant 16 : i32
    %mul3A_0 = arith.muli %arg0, %mul3A : i32
    %add3A = arith.addi %mul3A_0, %arg1 : i32
    %scan3A = arith.constant 0 : i32
    %scan3A_1 = arith.constant 632 : i32
    %scan3A_2 = arith.addi %scan3A, %scan3A_1 : i32
    %scan3A_3 = arith.constant 1 : i32
    scf.for %scan3A_11 = %scan3A to %scan3A_2 step %scan3A_3  : i32 {
      %mul3A_12 = arith.constant 16 : i32
      %mul3A_13 = arith.muli %scan3A_11, %mul3A_12 : i32
      %add3A_14 = arith.constant 0 : i32
      %add3A_15 = arith.addi %add3A_14, %mul3A_13 : i32
      %broadcast_in_dim3A_16 = arith.constant 0.000000e+00 : f32
      %broadcast_in_dim3A_17 = vector.broadcast %broadcast_in_dim3A_16 : f32 to vector<16xf32>
      %swap3A = arith.index_cast %add3A_15 : i32 to index
      %swap3A_18 = tpu.vector_load %arg4[%swap3A] {strides = array<i32>} : memref<10112xf32, #tpu.memory_space<vmem>>, vector<16xf32>,
      tpu.vector_store %arg4[%swap3A], %broadcast_in_dim3A_17 {strides = array<i32>} : memref<10112xf32, #tpu.memory_space<vmem>>, vector<16xf32>,
    }
    %scan3A_4 = arith.constant 632 : i32
    "tpu.region"() ({
      %run_scoped3A = tpu.sem_alloc : memref<!tpu.dma_semaphore, #tpu.memory_space<semaphore_mem>>
      %dma_start3A = arith.constant 0 : i32
      %dma_start3A_11 = arith.constant 0 : i32
      %dma_start3A_12 = tpu.memref_slice %arg2[%add3A, %dma_start3A, %dma_start3A_11] : memref<32x80x128xi32, #tpu.memory_space<hbm>> -> memref<1x80x128xi32, #tpu.memory_space<hbm>>
      %dma_start3A_13 = tpu.memref_squeeze %dma_start3A_12 : memref<1x80x128xi32, #tpu.memory_space<hbm>> -> memref<80x128xi32, #tpu.memory_space<hbm>>
      %dma_start3A_14 = arith.constant 0 : i32
      %dma_start3A_15 = arith.constant 0 : i32
      %dma_start3A_16 = tpu.memref_slice %arg2[%add3A, %dma_start3A_14, %dma_start3A_15] : memref<32x80x128xi32, #tpu.memory_space<hbm>> -> memref<1x80x128xi32, #tpu.memory_space<hbm>>
      %dma_start3A_17 = tpu.memref_squeeze %dma_start3A_16 : memref<1x80x128xi32, #tpu.memory_space<hbm>> -> memref<80x128xi32, #tpu.memory_space<hbm>>
      tpu.enqueue_dma source(%dma_start3A_17 : memref<80x128xi32, #tpu.memory_space<hbm>>) target(%arg5 : memref<80x128xi32, #tpu.memory_space<vmem>>) target_semaphore(%run_scoped3A : memref<!tpu.dma_semaphore, #tpu.memory_space<semaphore_mem>>)
      %dma_wait3A = arith.constant 0 : i32
      %dma_wait3A_18 = arith.constant 0 : i32
      %dma_wait3A_19 = tpu.memref_slice %arg2[%add3A, %dma_wait3A, %dma_wait3A_18] : memref<32x80x128xi32, #tpu.memory_space<hbm>> -> memref<1x80x128xi32, #tpu.memory_space<hbm>>
      %dma_wait3A_20 = tpu.memref_squeeze %dma_wait3A_19 : memref<1x80x128xi32, #tpu.memory_space<hbm>> -> memref<80x128xi32, #tpu.memory_space<hbm>>
      %dma_wait3A_21 = arith.constant 0 : i32
      %dma_wait3A_22 = arith.constant 0 : i32
      %dma_wait3A_23 = tpu.memref_slice %arg2[%add3A, %dma_wait3A_21, %dma_wait3A_22] : memref<32x80x128xi32, #tpu.memory_space<hbm>> -> memref<1x80x128xi32, #tpu.memory_space<hbm>>
      %dma_wait3A_24 = tpu.memref_squeeze %dma_wait3A_23 : memref<1x80x128xi32, #tpu.memory_space<hbm>> -> memref<80x128xi32, #tpu.memory_space<hbm>>
      tpu.wait_dma2 semaphore(%run_scoped3A : memref<!tpu.dma_semaphore, #tpu.memory_space<semaphore_mem>>) src(%dma_wait3A_24 : memref<80x128xi32, #tpu.memory_space<hbm>>) dst(%arg5 : memref<80x128xi32, #tpu.memory_space<vmem>>)
      tpu.yield
    }) : () -> ()
    %broadcast_in_dim3A = arith.constant 1.000000e+00 : f32
    %broadcast_in_dim3A_5 = vector.broadcast %broadcast_in_dim3A : f32 to vector<16xf32>
    %scan3A_6 = arith.constant 0 : i32
    %scan3A_7 = arith.constant 80 : i32
    %scan3A_8 = arith.addi %scan3A_6, %scan3A_7 : i32
    %scan3A_9 = arith.constant 1 : i32
    scf.for %scan3A_11 = %scan3A_6 to %scan3A_8 step %scan3A_9  : i32 {
      %mul3A_12 = arith.constant 1 : i32
      %mul3A_13 = arith.muli %scan3A_11, %mul3A_12 : i32
      %add3A_14 = arith.constant 0 : i32
      %add3A_15 = arith.addi %add3A_14, %mul3A_13 : i32
      %scan3A_16 = arith.constant 0 : i32
      %scan3A_17 = arith.constant 8 : i32
      %scan3A_18 = arith.addi %scan3A_16, %scan3A_17 : i32
      %scan3A_19 = arith.constant 1 : i32
      scf.for %scan3A_21 = %scan3A_16 to %scan3A_18 step %scan3A_19  : i32 {
        %mul3A_22 = arith.constant 16 : i32
        %mul3A_23 = arith.muli %scan3A_21, %mul3A_22 : i32
        %add3A_24 = arith.constant 0 : i32
        %add3A_25 = arith.addi %add3A_24, %mul3A_23 : i32
        %get3A = arith.index_cast %add3A_15 : i32 to index
        %get3A_26 = arith.index_cast %add3A_25 : i32 to index
        %get3A_27 = tpu.vector_load %arg5[%get3A, %get3A_26] {strides = array<i32>} : memref<80x128xi32, #tpu.memory_space<vmem>>, vector<16xi32>,
        tpu.vector_store_idx %arg4[%get3A_27], %broadcast_in_dim3A_5 {add = true} : memref<10112xf32, #tpu.memory_space<vmem>>[vector<16xi32>], vector<16xf32>,
      }
      %scan3A_20 = arith.constant 8 : i32
    }
    %scan3A_10 = arith.constant 80 : i32
    "tpu.region"() ({
      %run_scoped3A = tpu.sem_alloc : memref<!tpu.dma_semaphore, #tpu.memory_space<semaphore_mem>>
      %dma_start3A = arith.constant 0 : i32
      %dma_start3A_11 = tpu.memref_slice %arg3[%add3A, %dma_start3A] : memref<32x10112xf32, #tpu.memory_space<hbm>> -> memref<1x10112xf32, #tpu.memory_space<hbm>>
      %dma_start3A_12 = tpu.memref_squeeze %dma_start3A_11 : memref<1x10112xf32, #tpu.memory_space<hbm>> -> memref<10112xf32, #tpu.memory_space<hbm>>
      %dma_start3A_13 = arith.constant 0 : i32
      %dma_start3A_14 = tpu.memref_slice %arg3[%add3A, %dma_start3A_13] : memref<32x10112xf32, #tpu.memory_space<hbm>> -> memref<1x10112xf32, #tpu.memory_space<hbm>>
      %dma_start3A_15 = tpu.memref_squeeze %dma_start3A_14 : memref<1x10112xf32, #tpu.memory_space<hbm>> -> memref<10112xf32, #tpu.memory_space<hbm>>
      tpu.enqueue_dma source(%arg4 : memref<10112xf32, #tpu.memory_space<vmem>>) target(%dma_start3A_15 : memref<10112xf32, #tpu.memory_space<hbm>>) target_semaphore(%run_scoped3A : memref<!tpu.dma_semaphore, #tpu.memory_space<semaphore_mem>>)
      %dma_wait3A = arith.constant 0 : i32
      %dma_wait3A_16 = tpu.memref_slice %arg3[%add3A, %dma_wait3A] : memref<32x10112xf32, #tpu.memory_space<hbm>> -> memref<1x10112xf32, #tpu.memory_space<hbm>>
      %dma_wait3A_17 = tpu.memref_squeeze %dma_wait3A_16 : memref<1x10112xf32, #tpu.memory_space<hbm>> -> memref<10112xf32, #tpu.memory_space<hbm>>
      %dma_wait3A_18 = arith.constant 0 : i32
      %dma_wait3A_19 = tpu.memref_slice %arg3[%add3A, %dma_wait3A_18] : memref<32x10112xf32, #tpu.memory_space<hbm>> -> memref<1x10112xf32, #tpu.memory_space<hbm>>
      %dma_wait3A_20 = tpu.memref_squeeze %dma_wait3A_19 : memref<1x10112xf32, #tpu.memory_space<hbm>> -> memref<10112xf32, #tpu.memory_space<hbm>>
      tpu.wait_dma2 semaphore(%run_scoped3A : memref<!tpu.dma_semaphore, #tpu.memory_space<semaphore_mem>>) src(%arg4 : memref<10112xf32, #tpu.memory_space<vmem>>) dst(%dma_wait3A_20 : memref<10112xf32, #tpu.memory_space<hbm>>)
      tpu.yield
    }) : () -> ()
    return
  }
}

#map = affine_map<(d0, d1) -> (0, 0)>
#map1 = affine_map<(d0, d1) -> (0, 0, 0)>
module attributes {stable_mosaic.version = 14 : i64} {
  func.func @_prop_body(%arg0: i32, %arg1: i32, %arg2: memref<10112x128xf32, #tpu.memory_space<hbm>>, %arg3: memref<32x80x128xi32, #tpu.memory_space<hbm>>, %arg4: memref<32x80x128xi32, #tpu.memory_space<hbm>>, %arg5: memref<10112x128xf32, #tpu.memory_space<hbm>>, %arg6: memref<2x10112x128xf32, #tpu.memory_space<hbm>>, %arg7: memref<10112x128xf32, #tpu.memory_space<vmem_shared>>, %arg8: memref<128x128xf32, #tpu.memory_space<vmem>>, %arg9: memref<128x128xf32, #tpu.memory_space<vmem>>, %arg10: memref<40x128xi32, #tpu.memory_space<vmem>>, %arg11: memref<40x128xi32, #tpu.memory_space<vmem>>, %arg12: memref<!tpu.dma_semaphore, #tpu.memory_space<semaphore_mem>>, %arg13: memref<!tpu.dma_semaphore, #tpu.memory_space<semaphore_mem>>, %arg14: memref<!tpu.dma_semaphore, #tpu.memory_space<semaphore_mem>>, %arg15: memref<!tpu.dma_semaphore, #tpu.memory_space<semaphore_mem>>) attributes {dimension_semantics = [#tpu.dimension_semantics<core_parallel>, #tpu.dimension_semantics<subcore_parallel>], iteration_bounds = array<i64: 2, 16>, scalar_prefetch = 0 : i64, scratch_operands = 9 : i64, tpu.core_type = #tpu.core_type<sc_vector_subcore>, window_params = [{transform_indices = #map}, {transform_indices = #map1}, {transform_indices = #map1}, {transform_indices = #map}, {transform_indices = #map1}]} {
    %mul3A = arith.constant 16 : i32
    %mul3A_0 = arith.muli %arg0, %mul3A : i32
    %add3A = arith.addi %mul3A_0, %arg1 : i32
    %mul3A_1 = arith.constant 632 : i32
    %mul3A_2 = arith.muli %arg1, %mul3A_1 : i32
    %mul3A_3 = arith.constant 632 : i32
    %mul3A_4 = arith.muli %arg1, %mul3A_3 : i32
    "tpu.region"() ({
      %run_scoped3A = tpu.sem_alloc : memref<!tpu.dma_semaphore, #tpu.memory_space<semaphore_mem>>
      %dma_start3A_46 = arith.constant 0 : i32
      %dma_start3A_47 = tpu.memref_slice %arg7[%mul3A_4, %dma_start3A_46] : memref<10112x128xf32, #tpu.memory_space<vmem_shared>> -> memref<632x128xf32, #tpu.memory_space<vmem_shared>>
      %dma_start3A_48 = arith.constant 0 : i32
      %dma_start3A_49 = tpu.memref_slice %arg5[%mul3A_2, %dma_start3A_48] : memref<10112x128xf32, #tpu.memory_space<hbm>> -> memref<632x128xf32, #tpu.memory_space<hbm>>
      tpu.enqueue_dma source(%dma_start3A_49 : memref<632x128xf32, #tpu.memory_space<hbm>>) target(%dma_start3A_47 : memref<632x128xf32, #tpu.memory_space<vmem_shared>>) target_semaphore(%run_scoped3A : memref<!tpu.dma_semaphore, #tpu.memory_space<semaphore_mem>>)
      %dma_wait3A = arith.constant 0 : i32
      %dma_wait3A_50 = tpu.memref_slice %arg7[%mul3A_4, %dma_wait3A] : memref<10112x128xf32, #tpu.memory_space<vmem_shared>> -> memref<632x128xf32, #tpu.memory_space<vmem_shared>>
      %dma_wait3A_51 = arith.constant 0 : i32
      %dma_wait3A_52 = tpu.memref_slice %arg5[%mul3A_2, %dma_wait3A_51] : memref<10112x128xf32, #tpu.memory_space<hbm>> -> memref<632x128xf32, #tpu.memory_space<hbm>>
      tpu.wait_dma2 semaphore(%run_scoped3A : memref<!tpu.dma_semaphore, #tpu.memory_space<semaphore_mem>>) src(%dma_wait3A_52 : memref<632x128xf32, #tpu.memory_space<hbm>>) dst(%dma_wait3A_50 : memref<632x128xf32, #tpu.memory_space<vmem_shared>>)
      tpu.yield
    }) : () -> ()
    %barrier3A = arith.constant 0 : index
    tpu.barrier barrier_id(%barrier3A)
    "tpu.region"() ({
      %run_scoped3A = tpu.sem_alloc : memref<!tpu.dma_semaphore, #tpu.memory_space<semaphore_mem>>
      %dma_start3A_46 = arith.constant 0 : i32
      %dma_start3A_47 = arith.constant 0 : i32
      %dma_start3A_48 = tpu.memref_slice %arg3[%add3A, %dma_start3A_46, %dma_start3A_47] : memref<32x80x128xi32, #tpu.memory_space<hbm>> -> memref<1x40x128xi32, #tpu.memory_space<hbm>>
      %dma_start3A_49 = tpu.memref_squeeze %dma_start3A_48 : memref<1x40x128xi32, #tpu.memory_space<hbm>> -> memref<40x128xi32, #tpu.memory_space<hbm>>
      %dma_start3A_50 = arith.constant 0 : i32
      %dma_start3A_51 = arith.constant 0 : i32
      %dma_start3A_52 = tpu.memref_slice %arg3[%add3A, %dma_start3A_50, %dma_start3A_51] : memref<32x80x128xi32, #tpu.memory_space<hbm>> -> memref<1x40x128xi32, #tpu.memory_space<hbm>>
      %dma_start3A_53 = tpu.memref_squeeze %dma_start3A_52 : memref<1x40x128xi32, #tpu.memory_space<hbm>> -> memref<40x128xi32, #tpu.memory_space<hbm>>
      tpu.enqueue_dma source(%dma_start3A_53 : memref<40x128xi32, #tpu.memory_space<hbm>>) target(%arg10 : memref<40x128xi32, #tpu.memory_space<vmem>>) target_semaphore(%run_scoped3A : memref<!tpu.dma_semaphore, #tpu.memory_space<semaphore_mem>>)
      %dma_wait3A = arith.constant 0 : i32
      %dma_wait3A_54 = arith.constant 0 : i32
      %dma_wait3A_55 = tpu.memref_slice %arg3[%add3A, %dma_wait3A, %dma_wait3A_54] : memref<32x80x128xi32, #tpu.memory_space<hbm>> -> memref<1x40x128xi32, #tpu.memory_space<hbm>>
      %dma_wait3A_56 = tpu.memref_squeeze %dma_wait3A_55 : memref<1x40x128xi32, #tpu.memory_space<hbm>> -> memref<40x128xi32, #tpu.memory_space<hbm>>
      %dma_wait3A_57 = arith.constant 0 : i32
      %dma_wait3A_58 = arith.constant 0 : i32
      %dma_wait3A_59 = tpu.memref_slice %arg3[%add3A, %dma_wait3A_57, %dma_wait3A_58] : memref<32x80x128xi32, #tpu.memory_space<hbm>> -> memref<1x40x128xi32, #tpu.memory_space<hbm>>
      %dma_wait3A_60 = tpu.memref_squeeze %dma_wait3A_59 : memref<1x40x128xi32, #tpu.memory_space<hbm>> -> memref<40x128xi32, #tpu.memory_space<hbm>>
      tpu.wait_dma2 semaphore(%run_scoped3A : memref<!tpu.dma_semaphore, #tpu.memory_space<semaphore_mem>>) src(%dma_wait3A_60 : memref<40x128xi32, #tpu.memory_space<hbm>>) dst(%arg10 : memref<40x128xi32, #tpu.memory_space<vmem>>)
      tpu.yield
    }) : () -> ()
    "tpu.region"() ({
      %run_scoped3A = tpu.sem_alloc : memref<!tpu.dma_semaphore, #tpu.memory_space<semaphore_mem>>
      %dma_start3A_46 = arith.constant 0 : i32
      %dma_start3A_47 = arith.constant 0 : i32
      %dma_start3A_48 = tpu.memref_slice %arg4[%add3A, %dma_start3A_46, %dma_start3A_47] : memref<32x80x128xi32, #tpu.memory_space<hbm>> -> memref<1x40x128xi32, #tpu.memory_space<hbm>>
      %dma_start3A_49 = tpu.memref_squeeze %dma_start3A_48 : memref<1x40x128xi32, #tpu.memory_space<hbm>> -> memref<40x128xi32, #tpu.memory_space<hbm>>
      %dma_start3A_50 = arith.constant 0 : i32
      %dma_start3A_51 = arith.constant 0 : i32
      %dma_start3A_52 = tpu.memref_slice %arg4[%add3A, %dma_start3A_50, %dma_start3A_51] : memref<32x80x128xi32, #tpu.memory_space<hbm>> -> memref<1x40x128xi32, #tpu.memory_space<hbm>>
      %dma_start3A_53 = tpu.memref_squeeze %dma_start3A_52 : memref<1x40x128xi32, #tpu.memory_space<hbm>> -> memref<40x128xi32, #tpu.memory_space<hbm>>
      tpu.enqueue_dma source(%dma_start3A_53 : memref<40x128xi32, #tpu.memory_space<hbm>>) target(%arg11 : memref<40x128xi32, #tpu.memory_space<vmem>>) target_semaphore(%run_scoped3A : memref<!tpu.dma_semaphore, #tpu.memory_space<semaphore_mem>>)
      %dma_wait3A = arith.constant 0 : i32
      %dma_wait3A_54 = arith.constant 0 : i32
      %dma_wait3A_55 = tpu.memref_slice %arg4[%add3A, %dma_wait3A, %dma_wait3A_54] : memref<32x80x128xi32, #tpu.memory_space<hbm>> -> memref<1x40x128xi32, #tpu.memory_space<hbm>>
      %dma_wait3A_56 = tpu.memref_squeeze %dma_wait3A_55 : memref<1x40x128xi32, #tpu.memory_space<hbm>> -> memref<40x128xi32, #tpu.memory_space<hbm>>
      %dma_wait3A_57 = arith.constant 0 : i32
      %dma_wait3A_58 = arith.constant 0 : i32
      %dma_wait3A_59 = tpu.memref_slice %arg4[%add3A, %dma_wait3A_57, %dma_wait3A_58] : memref<32x80x128xi32, #tpu.memory_space<hbm>> -> memref<1x40x128xi32, #tpu.memory_space<hbm>>
      %dma_wait3A_60 = tpu.memref_squeeze %dma_wait3A_59 : memref<1x40x128xi32, #tpu.memory_space<hbm>> -> memref<40x128xi32, #tpu.memory_space<hbm>>
      tpu.wait_dma2 semaphore(%run_scoped3A : memref<!tpu.dma_semaphore, #tpu.memory_space<semaphore_mem>>) src(%dma_wait3A_60 : memref<40x128xi32, #tpu.memory_space<hbm>>) dst(%arg11 : memref<40x128xi32, #tpu.memory_space<vmem>>)
      tpu.yield
    }) : () -> ()
    %dma_start3A = arith.constant 0 : i32
    %dma_start3A_5 = arith.constant 0 : i32
    %dma_start3A_6 = tpu.memref_slice %arg10[%dma_start3A, %dma_start3A_5] : memref<40x128xi32, #tpu.memory_space<vmem>> -> memref<1x128xi32, #tpu.memory_space<vmem>>
    %dma_start3A_7 = tpu.memref_squeeze %dma_start3A_6 : memref<1x128xi32, #tpu.memory_space<vmem>> -> memref<128xi32, #tpu.memory_space<vmem>>
    %dma_start3A_8 = arith.constant 0 : i32
    %dma_start3A_9 = arith.constant 0 : i32
    %dma_start3A_10 = tpu.memref_slice %arg2[%dma_start3A_8, %dma_start3A_9] : memref<10112x128xf32, #tpu.memory_space<hbm>> -> memref<10112x128xf32, #tpu.memory_space<hbm>>
    tpu.enqueue_indirect_dma source(%dma_start3A_10 : memref<10112x128xf32, #tpu.memory_space<hbm>>) target(%arg8 : memref<128x128xf32, #tpu.memory_space<vmem>>) offsets(%dma_start3A_7 : memref<128xi32, #tpu.memory_space<vmem>>) semaphore(%arg12 : memref<!tpu.dma_semaphore, #tpu.memory_space<semaphore_mem>>)
    %dma_start3A_11 = arith.constant 1 : i32
    %dma_start3A_12 = arith.constant 0 : i32
    %dma_start3A_13 = tpu.memref_slice %arg10[%dma_start3A_11, %dma_start3A_12] : memref<40x128xi32, #tpu.memory_space<vmem>> -> memref<1x128xi32, #tpu.memory_space<vmem>>
    %dma_start3A_14 = tpu.memref_squeeze %dma_start3A_13 : memref<1x128xi32, #tpu.memory_space<vmem>> -> memref<128xi32, #tpu.memory_space<vmem>>
    %dma_start3A_15 = arith.constant 0 : i32
    %dma_start3A_16 = arith.constant 0 : i32
    %dma_start3A_17 = tpu.memref_slice %arg2[%dma_start3A_15, %dma_start3A_16] : memref<10112x128xf32, #tpu.memory_space<hbm>> -> memref<10112x128xf32, #tpu.memory_space<hbm>>
    tpu.enqueue_indirect_dma source(%dma_start3A_17 : memref<10112x128xf32, #tpu.memory_space<hbm>>) target(%arg9 : memref<128x128xf32, #tpu.memory_space<vmem>>) offsets(%dma_start3A_14 : memref<128xi32, #tpu.memory_space<vmem>>) semaphore(%arg13 : memref<!tpu.dma_semaphore, #tpu.memory_space<semaphore_mem>>)
    %scan3A = arith.constant 0 : i32
    %scan3A_18 = arith.constant 20 : i32
    %scan3A_19 = arith.addi %scan3A, %scan3A_18 : i32
    %scan3A_20 = arith.constant 1 : i32
    scf.for %scan3A_46 = %scan3A to %scan3A_19 step %scan3A_20  : i32 {
      %mul3A_47 = arith.constant 2 : i32
      %mul3A_48 = arith.muli %scan3A_46, %mul3A_47 : i32
      %add3A_49 = arith.constant 0 : i32
      %add3A_50 = arith.addi %add3A_49, %mul3A_48 : i32
      %dma_wait3A = arith.constant 0 : i32
      %dma_wait3A_51 = tpu.memref_slice %arg10[%add3A_50, %dma_wait3A] : memref<40x128xi32, #tpu.memory_space<vmem>> -> memref<1x128xi32, #tpu.memory_space<vmem>>
      %dma_wait3A_52 = tpu.memref_squeeze %dma_wait3A_51 : memref<1x128xi32, #tpu.memory_space<vmem>> -> memref<128xi32, #tpu.memory_space<vmem>>
      %dma_wait3A_53 = arith.constant 0 : i32
      %dma_wait3A_54 = arith.constant 0 : i32
      %dma_wait3A_55 = tpu.memref_slice %arg2[%dma_wait3A_53, %dma_wait3A_54] : memref<10112x128xf32, #tpu.memory_space<hbm>> -> memref<10112x128xf32, #tpu.memory_space<hbm>>
      tpu.wait_indirect_dma semaphore(%arg12 : memref<!tpu.dma_semaphore, #tpu.memory_space<semaphore_mem>>) src(%dma_wait3A_55 : memref<10112x128xf32, #tpu.memory_space<hbm>>) dst(%arg8 : memref<128x128xf32, #tpu.memory_space<vmem>>)
      "tpu.region"() ({
        %run_scoped3A = tpu.sem_alloc : memref<!tpu.dma_semaphore, #tpu.memory_space<semaphore_mem>>
        %dma_start3A_77 = arith.constant 0 : i32
        %dma_start3A_78 = tpu.memref_slice %arg11[%add3A_50, %dma_start3A_77] : memref<40x128xi32, #tpu.memory_space<vmem>> -> memref<1x128xi32, #tpu.memory_space<vmem>>
        %dma_start3A_79 = tpu.memref_squeeze %dma_start3A_78 : memref<1x128xi32, #tpu.memory_space<vmem>> -> memref<128xi32, #tpu.memory_space<vmem>>
        %dma_start3A_80 = arith.constant 0 : i32
        %dma_start3A_81 = arith.constant 0 : i32
        %dma_start3A_82 = tpu.memref_slice %arg7[%dma_start3A_80, %dma_start3A_81] : memref<10112x128xf32, #tpu.memory_space<vmem_shared>> -> memref<10112x128xf32, #tpu.memory_space<vmem_shared>>
        tpu.enqueue_indirect_dma source(%arg8 : memref<128x128xf32, #tpu.memory_space<vmem>>) target(%dma_start3A_82 : memref<10112x128xf32, #tpu.memory_space<vmem_shared>>) offsets(%dma_start3A_79 : memref<128xi32, #tpu.memory_space<vmem>>) semaphore(%run_scoped3A : memref<!tpu.dma_semaphore, #tpu.memory_space<semaphore_mem>>) {add = true}
        %dma_wait3A_83 = arith.constant 0 : i32
        %dma_wait3A_84 = tpu.memref_slice %arg11[%add3A_50, %dma_wait3A_83] : memref<40x128xi32, #tpu.memory_space<vmem>> -> memref<1x128xi32, #tpu.memory_space<vmem>>
        %dma_wait3A_85 = tpu.memref_squeeze %dma_wait3A_84 : memref<1x128xi32, #tpu.memory_space<vmem>> -> memref<128xi32, #tpu.memory_space<vmem>>
        %dma_wait3A_86 = arith.constant 0 : i32
        %dma_wait3A_87 = arith.constant 0 : i32
        %dma_wait3A_88 = tpu.memref_slice %arg7[%dma_wait3A_86, %dma_wait3A_87] : memref<10112x128xf32, #tpu.memory_space<vmem_shared>> -> memref<10112x128xf32, #tpu.memory_space<vmem_shared>>
        tpu.wait_indirect_dma semaphore(%run_scoped3A : memref<!tpu.dma_semaphore, #tpu.memory_space<semaphore_mem>>) src(%arg8 : memref<128x128xf32, #tpu.memory_space<vmem>>) dst(%dma_wait3A_88 : memref<10112x128xf32, #tpu.memory_space<vmem_shared>>)
        tpu.yield
      }) : () -> ()
      %add3A_56 = arith.constant 2 : i32
      %add3A_57 = arith.addi %add3A_50, %add3A_56 : i32
      %lt3A = arith.constant 40 : i32
      %lt3A_58 = arith.cmpi slt, %add3A_57, %lt3A : i32
      %convert_element_type3A = arith.extui %lt3A_58 : i1 to i32
      %cond3A = arith.constant 0 : i32
      %cond3A_59 = arith.cmpi ne, %convert_element_type3A, %cond3A : i32
      scf.if %cond3A_59 {
        %add3A_77 = arith.constant 2 : i32
        %add3A_78 = arith.addi %add3A_50, %add3A_77 : i32
        %dma_start3A_79 = arith.constant 0 : i32
        %dma_start3A_80 = tpu.memref_slice %arg10[%add3A_78, %dma_start3A_79] : memref<40x128xi32, #tpu.memory_space<vmem>> -> memref<1x128xi32, #tpu.memory_space<vmem>>
        %dma_start3A_81 = tpu.memref_squeeze %dma_start3A_80 : memref<1x128xi32, #tpu.memory_space<vmem>> -> memref<128xi32, #tpu.memory_space<vmem>>
        %dma_start3A_82 = arith.constant 0 : i32
        %dma_start3A_83 = arith.constant 0 : i32
        %dma_start3A_84 = tpu.memref_slice %arg2[%dma_start3A_82, %dma_start3A_83] : memref<10112x128xf32, #tpu.memory_space<hbm>> -> memref<10112x128xf32, #tpu.memory_space<hbm>>
        tpu.enqueue_indirect_dma source(%dma_start3A_84 : memref<10112x128xf32, #tpu.memory_space<hbm>>) target(%arg8 : memref<128x128xf32, #tpu.memory_space<vmem>>) offsets(%dma_start3A_81 : memref<128xi32, #tpu.memory_space<vmem>>) semaphore(%arg12 : memref<!tpu.dma_semaphore, #tpu.memory_space<semaphore_mem>>)
      } else {
      }
      %add3A_60 = arith.constant 1 : i32
      %add3A_61 = arith.addi %add3A_50, %add3A_60 : i32
      %dma_wait3A_62 = arith.constant 0 : i32
      %dma_wait3A_63 = tpu.memref_slice %arg10[%add3A_61, %dma_wait3A_62] : memref<40x128xi32, #tpu.memory_space<vmem>> -> memref<1x128xi32, #tpu.memory_space<vmem>>
      %dma_wait3A_64 = tpu.memref_squeeze %dma_wait3A_63 : memref<1x128xi32, #tpu.memory_space<vmem>> -> memref<128xi32, #tpu.memory_space<vmem>>
      %dma_wait3A_65 = arith.constant 0 : i32
      %dma_wait3A_66 = arith.constant 0 : i32
      %dma_wait3A_67 = tpu.memref_slice %arg2[%dma_wait3A_65, %dma_wait3A_66] : memref<10112x128xf32, #tpu.memory_space<hbm>> -> memref<10112x128xf32, #tpu.memory_space<hbm>>
      tpu.wait_indirect_dma semaphore(%arg13 : memref<!tpu.dma_semaphore, #tpu.memory_space<semaphore_mem>>) src(%dma_wait3A_67 : memref<10112x128xf32, #tpu.memory_space<hbm>>) dst(%arg9 : memref<128x128xf32, #tpu.memory_space<vmem>>)
      %add3A_68 = arith.constant 1 : i32
      %add3A_69 = arith.addi %add3A_50, %add3A_68 : i32
      "tpu.region"() ({
        %run_scoped3A = tpu.sem_alloc : memref<!tpu.dma_semaphore, #tpu.memory_space<semaphore_mem>>
        %dma_start3A_77 = arith.constant 0 : i32
        %dma_start3A_78 = tpu.memref_slice %arg11[%add3A_69, %dma_start3A_77] : memref<40x128xi32, #tpu.memory_space<vmem>> -> memref<1x128xi32, #tpu.memory_space<vmem>>
        %dma_start3A_79 = tpu.memref_squeeze %dma_start3A_78 : memref<1x128xi32, #tpu.memory_space<vmem>> -> memref<128xi32, #tpu.memory_space<vmem>>
        %dma_start3A_80 = arith.constant 0 : i32
        %dma_start3A_81 = arith.constant 0 : i32
        %dma_start3A_82 = tpu.memref_slice %arg7[%dma_start3A_80, %dma_start3A_81] : memref<10112x128xf32, #tpu.memory_space<vmem_shared>> -> memref<10112x128xf32, #tpu.memory_space<vmem_shared>>
        tpu.enqueue_indirect_dma source(%arg9 : memref<128x128xf32, #tpu.memory_space<vmem>>) target(%dma_start3A_82 : memref<10112x128xf32, #tpu.memory_space<vmem_shared>>) offsets(%dma_start3A_79 : memref<128xi32, #tpu.memory_space<vmem>>) semaphore(%run_scoped3A : memref<!tpu.dma_semaphore, #tpu.memory_space<semaphore_mem>>) {add = true}
        %dma_wait3A_83 = arith.constant 0 : i32
        %dma_wait3A_84 = tpu.memref_slice %arg11[%add3A_69, %dma_wait3A_83] : memref<40x128xi32, #tpu.memory_space<vmem>> -> memref<1x128xi32, #tpu.memory_space<vmem>>
        %dma_wait3A_85 = tpu.memref_squeeze %dma_wait3A_84 : memref<1x128xi32, #tpu.memory_space<vmem>> -> memref<128xi32, #tpu.memory_space<vmem>>
        %dma_wait3A_86 = arith.constant 0 : i32
        %dma_wait3A_87 = arith.constant 0 : i32
        %dma_wait3A_88 = tpu.memref_slice %arg7[%dma_wait3A_86, %dma_wait3A_87] : memref<10112x128xf32, #tpu.memory_space<vmem_shared>> -> memref<10112x128xf32, #tpu.memory_space<vmem_shared>>
        tpu.wait_indirect_dma semaphore(%run_scoped3A : memref<!tpu.dma_semaphore, #tpu.memory_space<semaphore_mem>>) src(%arg9 : memref<128x128xf32, #tpu.memory_space<vmem>>) dst(%dma_wait3A_88 : memref<10112x128xf32, #tpu.memory_space<vmem_shared>>)
        tpu.yield
      }) : () -> ()
      %add3A_70 = arith.constant 3 : i32
      %add3A_71 = arith.addi %add3A_50, %add3A_70 : i32
      %lt3A_72 = arith.constant 40 : i32
      %lt3A_73 = arith.cmpi slt, %add3A_71, %lt3A_72 : i32
      %convert_element_type3A_74 = arith.extui %lt3A_73 : i1 to i32
      %cond3A_75 = arith.constant 0 : i32
      %cond3A_76 = arith.cmpi ne, %convert_element_type3A_74, %cond3A_75 : i32
      scf.if %cond3A_76 {
        %add3A_77 = arith.constant 3 : i32
        %add3A_78 = arith.addi %add3A_50, %add3A_77 : i32
        %dma_start3A_79 = arith.constant 0 : i32
        %dma_start3A_80 = tpu.memref_slice %arg10[%add3A_78, %dma_start3A_79] : memref<40x128xi32, #tpu.memory_space<vmem>> -> memref<1x128xi32, #tpu.memory_space<vmem>>
        %dma_start3A_81 = tpu.memref_squeeze %dma_start3A_80 : memref<1x128xi32, #tpu.memory_space<vmem>> -> memref<128xi32, #tpu.memory_space<vmem>>
        %dma_start3A_82 = arith.constant 0 : i32
        %dma_start3A_83 = arith.constant 0 : i32
        %dma_start3A_84 = tpu.memref_slice %arg2[%dma_start3A_82, %dma_start3A_83] : memref<10112x128xf32, #tpu.memory_space<hbm>> -> memref<10112x128xf32, #tpu.memory_space<hbm>>
        tpu.enqueue_indirect_dma source(%dma_start3A_84 : memref<10112x128xf32, #tpu.memory_space<hbm>>) target(%arg9 : memref<128x128xf32, #tpu.memory_space<vmem>>) offsets(%dma_start3A_81 : memref<128xi32, #tpu.memory_space<vmem>>) semaphore(%arg13 : memref<!tpu.dma_semaphore, #tpu.memory_space<semaphore_mem>>)
      } else {
      }
    }
    %scan3A_21 = arith.constant 20 : i32
    "tpu.region"() ({
      %run_scoped3A = tpu.sem_alloc : memref<!tpu.dma_semaphore, #tpu.memory_space<semaphore_mem>>
      %dma_start3A_46 = arith.constant 40 : i32
      %dma_start3A_47 = arith.constant 0 : i32
      %dma_start3A_48 = tpu.memref_slice %arg3[%add3A, %dma_start3A_46, %dma_start3A_47] : memref<32x80x128xi32, #tpu.memory_space<hbm>> -> memref<1x40x128xi32, #tpu.memory_space<hbm>>
      %dma_start3A_49 = tpu.memref_squeeze %dma_start3A_48 : memref<1x40x128xi32, #tpu.memory_space<hbm>> -> memref<40x128xi32, #tpu.memory_space<hbm>>
      %dma_start3A_50 = arith.constant 40 : i32
      %dma_start3A_51 = arith.constant 0 : i32
      %dma_start3A_52 = tpu.memref_slice %arg3[%add3A, %dma_start3A_50, %dma_start3A_51] : memref<32x80x128xi32, #tpu.memory_space<hbm>> -> memref<1x40x128xi32, #tpu.memory_space<hbm>>
      %dma_start3A_53 = tpu.memref_squeeze %dma_start3A_52 : memref<1x40x128xi32, #tpu.memory_space<hbm>> -> memref<40x128xi32, #tpu.memory_space<hbm>>
      tpu.enqueue_dma source(%dma_start3A_53 : memref<40x128xi32, #tpu.memory_space<hbm>>) target(%arg10 : memref<40x128xi32, #tpu.memory_space<vmem>>) target_semaphore(%run_scoped3A : memref<!tpu.dma_semaphore, #tpu.memory_space<semaphore_mem>>)
      %dma_wait3A = arith.constant 40 : i32
      %dma_wait3A_54 = arith.constant 0 : i32
      %dma_wait3A_55 = tpu.memref_slice %arg3[%add3A, %dma_wait3A, %dma_wait3A_54] : memref<32x80x128xi32, #tpu.memory_space<hbm>> -> memref<1x40x128xi32, #tpu.memory_space<hbm>>
      %dma_wait3A_56 = tpu.memref_squeeze %dma_wait3A_55 : memref<1x40x128xi32, #tpu.memory_space<hbm>> -> memref<40x128xi32, #tpu.memory_space<hbm>>
      %dma_wait3A_57 = arith.constant 40 : i32
      %dma_wait3A_58 = arith.constant 0 : i32
      %dma_wait3A_59 = tpu.memref_slice %arg3[%add3A, %dma_wait3A_57, %dma_wait3A_58] : memref<32x80x128xi32, #tpu.memory_space<hbm>> -> memref<1x40x128xi32, #tpu.memory_space<hbm>>
      %dma_wait3A_60 = tpu.memref_squeeze %dma_wait3A_59 : memref<1x40x128xi32, #tpu.memory_space<hbm>> -> memref<40x128xi32, #tpu.memory_space<hbm>>
      tpu.wait_dma2 semaphore(%run_scoped3A : memref<!tpu.dma_semaphore, #tpu.memory_space<semaphore_mem>>) src(%dma_wait3A_60 : memref<40x128xi32, #tpu.memory_space<hbm>>) dst(%arg10 : memref<40x128xi32, #tpu.memory_space<vmem>>)
      tpu.yield
    }) : () -> ()
    "tpu.region"() ({
      %run_scoped3A = tpu.sem_alloc : memref<!tpu.dma_semaphore, #tpu.memory_space<semaphore_mem>>
      %dma_start3A_46 = arith.constant 40 : i32
      %dma_start3A_47 = arith.constant 0 : i32
      %dma_start3A_48 = tpu.memref_slice %arg4[%add3A, %dma_start3A_46, %dma_start3A_47] : memref<32x80x128xi32, #tpu.memory_space<hbm>> -> memref<1x40x128xi32, #tpu.memory_space<hbm>>
      %dma_start3A_49 = tpu.memref_squeeze %dma_start3A_48 : memref<1x40x128xi32, #tpu.memory_space<hbm>> -> memref<40x128xi32, #tpu.memory_space<hbm>>
      %dma_start3A_50 = arith.constant 40 : i32
      %dma_start3A_51 = arith.constant 0 : i32
      %dma_start3A_52 = tpu.memref_slice %arg4[%add3A, %dma_start3A_50, %dma_start3A_51] : memref<32x80x128xi32, #tpu.memory_space<hbm>> -> memref<1x40x128xi32, #tpu.memory_space<hbm>>
      %dma_start3A_53 = tpu.memref_squeeze %dma_start3A_52 : memref<1x40x128xi32, #tpu.memory_space<hbm>> -> memref<40x128xi32, #tpu.memory_space<hbm>>
      tpu.enqueue_dma source(%dma_start3A_53 : memref<40x128xi32, #tpu.memory_space<hbm>>) target(%arg11 : memref<40x128xi32, #tpu.memory_space<vmem>>) target_semaphore(%run_scoped3A : memref<!tpu.dma_semaphore, #tpu.memory_space<semaphore_mem>>)
      %dma_wait3A = arith.constant 40 : i32
      %dma_wait3A_54 = arith.constant 0 : i32
      %dma_wait3A_55 = tpu.memref_slice %arg4[%add3A, %dma_wait3A, %dma_wait3A_54] : memref<32x80x128xi32, #tpu.memory_space<hbm>> -> memref<1x40x128xi32, #tpu.memory_space<hbm>>
      %dma_wait3A_56 = tpu.memref_squeeze %dma_wait3A_55 : memref<1x40x128xi32, #tpu.memory_space<hbm>> -> memref<40x128xi32, #tpu.memory_space<hbm>>
      %dma_wait3A_57 = arith.constant 40 : i32
      %dma_wait3A_58 = arith.constant 0 : i32
      %dma_wait3A_59 = tpu.memref_slice %arg4[%add3A, %dma_wait3A_57, %dma_wait3A_58] : memref<32x80x128xi32, #tpu.memory_space<hbm>> -> memref<1x40x128xi32, #tpu.memory_space<hbm>>
      %dma_wait3A_60 = tpu.memref_squeeze %dma_wait3A_59 : memref<1x40x128xi32, #tpu.memory_space<hbm>> -> memref<40x128xi32, #tpu.memory_space<hbm>>
      tpu.wait_dma2 semaphore(%run_scoped3A : memref<!tpu.dma_semaphore, #tpu.memory_space<semaphore_mem>>) src(%dma_wait3A_60 : memref<40x128xi32, #tpu.memory_space<hbm>>) dst(%arg11 : memref<40x128xi32, #tpu.memory_space<vmem>>)
      tpu.yield
    }) : () -> ()
    %dma_start3A_22 = arith.constant 0 : i32
    %dma_start3A_23 = arith.constant 0 : i32
    %dma_start3A_24 = tpu.memref_slice %arg10[%dma_start3A_22, %dma_start3A_23] : memref<40x128xi32, #tpu.memory_space<vmem>> -> memref<1x128xi32, #tpu.memory_space<vmem>>
    %dma_start3A_25 = tpu.memref_squeeze %dma_start3A_24 : memref<1x128xi32, #tpu.memory_space<vmem>> -> memref<128xi32, #tpu.memory_space<vmem>>
    %dma_start3A_26 = arith.constant 0 : i32
    %dma_start3A_27 = arith.constant 0 : i32
    %dma_start3A_28 = tpu.memref_slice %arg2[%dma_start3A_26, %dma_start3A_27] : memref<10112x128xf32, #tpu.memory_space<hbm>> -> memref<10112x128xf32, #tpu.memory_space<hbm>>
    tpu.enqueue_indirect_dma source(%dma_start3A_28 : memref<10112x128xf32, #tpu.memory_space<hbm>>) target(%arg8 : memref<128x128xf32, #tpu.memory_space<vmem>>) offsets(%dma_start3A_25 : memref<128xi32, #tpu.memory_space<vmem>>) semaphore(%arg12 : memref<!tpu.dma_semaphore, #tpu.memory_space<semaphore_mem>>)
    %dma_start3A_29 = arith.constant 1 : i32
    %dma_start3A_30 = arith.constant 0 : i32
    %dma_start3A_31 = tpu.memref_slice %arg10[%dma_start3A_29, %dma_start3A_30] : memref<40x128xi32, #tpu.memory_space<vmem>> -> memref<1x128xi32, #tpu.memory_space<vmem>>
    %dma_start3A_32 = tpu.memref_squeeze %dma_start3A_31 : memref<1x128xi32, #tpu.memory_space<vmem>> -> memref<128xi32, #tpu.memory_space<vmem>>
    %dma_start3A_33 = arith.constant 0 : i32
    %dma_start3A_34 = arith.constant 0 : i32
    %dma_start3A_35 = tpu.memref_slice %arg2[%dma_start3A_33, %dma_start3A_34] : memref<10112x128xf32, #tpu.memory_space<hbm>> -> memref<10112x128xf32, #tpu.memory_space<hbm>>
    tpu.enqueue_indirect_dma source(%dma_start3A_35 : memref<10112x128xf32, #tpu.memory_space<hbm>>) target(%arg9 : memref<128x128xf32, #tpu.memory_space<vmem>>) offsets(%dma_start3A_32 : memref<128xi32, #tpu.memory_space<vmem>>) semaphore(%arg13 : memref<!tpu.dma_semaphore, #tpu.memory_space<semaphore_mem>>)
    %scan3A_36 = arith.constant 0 : i32
    %scan3A_37 = arith.constant 20 : i32
    %scan3A_38 = arith.addi %scan3A_36, %scan3A_37 : i32
    %scan3A_39 = arith.constant 1 : i32
    scf.for %scan3A_46 = %scan3A_36 to %scan3A_38 step %scan3A_39  : i32 {
      %mul3A_47 = arith.constant 2 : i32
      %mul3A_48 = arith.muli %scan3A_46, %mul3A_47 : i32
      %add3A_49 = arith.constant 0 : i32
      %add3A_50 = arith.addi %add3A_49, %mul3A_48 : i32
      %dma_wait3A = arith.constant 0 : i32
      %dma_wait3A_51 = tpu.memref_slice %arg10[%add3A_50, %dma_wait3A] : memref<40x128xi32, #tpu.memory_space<vmem>> -> memref<1x128xi32, #tpu.memory_space<vmem>>
      %dma_wait3A_52 = tpu.memref_squeeze %dma_wait3A_51 : memref<1x128xi32, #tpu.memory_space<vmem>> -> memref<128xi32, #tpu.memory_space<vmem>>
      %dma_wait3A_53 = arith.constant 0 : i32
      %dma_wait3A_54 = arith.constant 0 : i32
      %dma_wait3A_55 = tpu.memref_slice %arg2[%dma_wait3A_53, %dma_wait3A_54] : memref<10112x128xf32, #tpu.memory_space<hbm>> -> memref<10112x128xf32, #tpu.memory_space<hbm>>
      tpu.wait_indirect_dma semaphore(%arg12 : memref<!tpu.dma_semaphore, #tpu.memory_space<semaphore_mem>>) src(%dma_wait3A_55 : memref<10112x128xf32, #tpu.memory_space<hbm>>) dst(%arg8 : memref<128x128xf32, #tpu.memory_space<vmem>>)
      "tpu.region"() ({
        %run_scoped3A = tpu.sem_alloc : memref<!tpu.dma_semaphore, #tpu.memory_space<semaphore_mem>>
        %dma_start3A_77 = arith.constant 0 : i32
        %dma_start3A_78 = tpu.memref_slice %arg11[%add3A_50, %dma_start3A_77] : memref<40x128xi32, #tpu.memory_space<vmem>> -> memref<1x128xi32, #tpu.memory_space<vmem>>
        %dma_start3A_79 = tpu.memref_squeeze %dma_start3A_78 : memref<1x128xi32, #tpu.memory_space<vmem>> -> memref<128xi32, #tpu.memory_space<vmem>>
        %dma_start3A_80 = arith.constant 0 : i32
        %dma_start3A_81 = arith.constant 0 : i32
        %dma_start3A_82 = tpu.memref_slice %arg7[%dma_start3A_80, %dma_start3A_81] : memref<10112x128xf32, #tpu.memory_space<vmem_shared>> -> memref<10112x128xf32, #tpu.memory_space<vmem_shared>>
        tpu.enqueue_indirect_dma source(%arg8 : memref<128x128xf32, #tpu.memory_space<vmem>>) target(%dma_start3A_82 : memref<10112x128xf32, #tpu.memory_space<vmem_shared>>) offsets(%dma_start3A_79 : memref<128xi32, #tpu.memory_space<vmem>>) semaphore(%run_scoped3A : memref<!tpu.dma_semaphore, #tpu.memory_space<semaphore_mem>>) {add = true}
        %dma_wait3A_83 = arith.constant 0 : i32
        %dma_wait3A_84 = tpu.memref_slice %arg11[%add3A_50, %dma_wait3A_83] : memref<40x128xi32, #tpu.memory_space<vmem>> -> memref<1x128xi32, #tpu.memory_space<vmem>>
        %dma_wait3A_85 = tpu.memref_squeeze %dma_wait3A_84 : memref<1x128xi32, #tpu.memory_space<vmem>> -> memref<128xi32, #tpu.memory_space<vmem>>
        %dma_wait3A_86 = arith.constant 0 : i32
        %dma_wait3A_87 = arith.constant 0 : i32
        %dma_wait3A_88 = tpu.memref_slice %arg7[%dma_wait3A_86, %dma_wait3A_87] : memref<10112x128xf32, #tpu.memory_space<vmem_shared>> -> memref<10112x128xf32, #tpu.memory_space<vmem_shared>>
        tpu.wait_indirect_dma semaphore(%run_scoped3A : memref<!tpu.dma_semaphore, #tpu.memory_space<semaphore_mem>>) src(%arg8 : memref<128x128xf32, #tpu.memory_space<vmem>>) dst(%dma_wait3A_88 : memref<10112x128xf32, #tpu.memory_space<vmem_shared>>)
        tpu.yield
      }) : () -> ()
      %add3A_56 = arith.constant 2 : i32
      %add3A_57 = arith.addi %add3A_50, %add3A_56 : i32
      %lt3A = arith.constant 40 : i32
      %lt3A_58 = arith.cmpi slt, %add3A_57, %lt3A : i32
      %convert_element_type3A = arith.extui %lt3A_58 : i1 to i32
      %cond3A = arith.constant 0 : i32
      %cond3A_59 = arith.cmpi ne, %convert_element_type3A, %cond3A : i32
      scf.if %cond3A_59 {
        %add3A_77 = arith.constant 2 : i32
        %add3A_78 = arith.addi %add3A_50, %add3A_77 : i32
        %dma_start3A_79 = arith.constant 0 : i32
        %dma_start3A_80 = tpu.memref_slice %arg10[%add3A_78, %dma_start3A_79] : memref<40x128xi32, #tpu.memory_space<vmem>> -> memref<1x128xi32, #tpu.memory_space<vmem>>
        %dma_start3A_81 = tpu.memref_squeeze %dma_start3A_80 : memref<1x128xi32, #tpu.memory_space<vmem>> -> memref<128xi32, #tpu.memory_space<vmem>>
        %dma_start3A_82 = arith.constant 0 : i32
        %dma_start3A_83 = arith.constant 0 : i32
        %dma_start3A_84 = tpu.memref_slice %arg2[%dma_start3A_82, %dma_start3A_83] : memref<10112x128xf32, #tpu.memory_space<hbm>> -> memref<10112x128xf32, #tpu.memory_space<hbm>>
        tpu.enqueue_indirect_dma source(%dma_start3A_84 : memref<10112x128xf32, #tpu.memory_space<hbm>>) target(%arg8 : memref<128x128xf32, #tpu.memory_space<vmem>>) offsets(%dma_start3A_81 : memref<128xi32, #tpu.memory_space<vmem>>) semaphore(%arg12 : memref<!tpu.dma_semaphore, #tpu.memory_space<semaphore_mem>>)
      } else {
      }
      %add3A_60 = arith.constant 1 : i32
      %add3A_61 = arith.addi %add3A_50, %add3A_60 : i32
      %dma_wait3A_62 = arith.constant 0 : i32
      %dma_wait3A_63 = tpu.memref_slice %arg10[%add3A_61, %dma_wait3A_62] : memref<40x128xi32, #tpu.memory_space<vmem>> -> memref<1x128xi32, #tpu.memory_space<vmem>>
      %dma_wait3A_64 = tpu.memref_squeeze %dma_wait3A_63 : memref<1x128xi32, #tpu.memory_space<vmem>> -> memref<128xi32, #tpu.memory_space<vmem>>
      %dma_wait3A_65 = arith.constant 0 : i32
      %dma_wait3A_66 = arith.constant 0 : i32
      %dma_wait3A_67 = tpu.memref_slice %arg2[%dma_wait3A_65, %dma_wait3A_66] : memref<10112x128xf32, #tpu.memory_space<hbm>> -> memref<10112x128xf32, #tpu.memory_space<hbm>>
      tpu.wait_indirect_dma semaphore(%arg13 : memref<!tpu.dma_semaphore, #tpu.memory_space<semaphore_mem>>) src(%dma_wait3A_67 : memref<10112x128xf32, #tpu.memory_space<hbm>>) dst(%arg9 : memref<128x128xf32, #tpu.memory_space<vmem>>)
      %add3A_68 = arith.constant 1 : i32
      %add3A_69 = arith.addi %add3A_50, %add3A_68 : i32
      "tpu.region"() ({
        %run_scoped3A = tpu.sem_alloc : memref<!tpu.dma_semaphore, #tpu.memory_space<semaphore_mem>>
        %dma_start3A_77 = arith.constant 0 : i32
        %dma_start3A_78 = tpu.memref_slice %arg11[%add3A_69, %dma_start3A_77] : memref<40x128xi32, #tpu.memory_space<vmem>> -> memref<1x128xi32, #tpu.memory_space<vmem>>
        %dma_start3A_79 = tpu.memref_squeeze %dma_start3A_78 : memref<1x128xi32, #tpu.memory_space<vmem>> -> memref<128xi32, #tpu.memory_space<vmem>>
        %dma_start3A_80 = arith.constant 0 : i32
        %dma_start3A_81 = arith.constant 0 : i32
        %dma_start3A_82 = tpu.memref_slice %arg7[%dma_start3A_80, %dma_start3A_81] : memref<10112x128xf32, #tpu.memory_space<vmem_shared>> -> memref<10112x128xf32, #tpu.memory_space<vmem_shared>>
        tpu.enqueue_indirect_dma source(%arg9 : memref<128x128xf32, #tpu.memory_space<vmem>>) target(%dma_start3A_82 : memref<10112x128xf32, #tpu.memory_space<vmem_shared>>) offsets(%dma_start3A_79 : memref<128xi32, #tpu.memory_space<vmem>>) semaphore(%run_scoped3A : memref<!tpu.dma_semaphore, #tpu.memory_space<semaphore_mem>>) {add = true}
        %dma_wait3A_83 = arith.constant 0 : i32
        %dma_wait3A_84 = tpu.memref_slice %arg11[%add3A_69, %dma_wait3A_83] : memref<40x128xi32, #tpu.memory_space<vmem>> -> memref<1x128xi32, #tpu.memory_space<vmem>>
        %dma_wait3A_85 = tpu.memref_squeeze %dma_wait3A_84 : memref<1x128xi32, #tpu.memory_space<vmem>> -> memref<128xi32, #tpu.memory_space<vmem>>
        %dma_wait3A_86 = arith.constant 0 : i32
        %dma_wait3A_87 = arith.constant 0 : i32
        %dma_wait3A_88 = tpu.memref_slice %arg7[%dma_wait3A_86, %dma_wait3A_87] : memref<10112x128xf32, #tpu.memory_space<vmem_shared>> -> memref<10112x128xf32, #tpu.memory_space<vmem_shared>>
        tpu.wait_indirect_dma semaphore(%run_scoped3A : memref<!tpu.dma_semaphore, #tpu.memory_space<semaphore_mem>>) src(%arg9 : memref<128x128xf32, #tpu.memory_space<vmem>>) dst(%dma_wait3A_88 : memref<10112x128xf32, #tpu.memory_space<vmem_shared>>)
        tpu.yield
      }) : () -> ()
      %add3A_70 = arith.constant 3 : i32
      %add3A_71 = arith.addi %add3A_50, %add3A_70 : i32
      %lt3A_72 = arith.constant 40 : i32
      %lt3A_73 = arith.cmpi slt, %add3A_71, %lt3A_72 : i32
      %convert_element_type3A_74 = arith.extui %lt3A_73 : i1 to i32
      %cond3A_75 = arith.constant 0 : i32
      %cond3A_76 = arith.cmpi ne, %convert_element_type3A_74, %cond3A_75 : i32
      scf.if %cond3A_76 {
        %add3A_77 = arith.constant 3 : i32
        %add3A_78 = arith.addi %add3A_50, %add3A_77 : i32
        %dma_start3A_79 = arith.constant 0 : i32
        %dma_start3A_80 = tpu.memref_slice %arg10[%add3A_78, %dma_start3A_79] : memref<40x128xi32, #tpu.memory_space<vmem>> -> memref<1x128xi32, #tpu.memory_space<vmem>>
        %dma_start3A_81 = tpu.memref_squeeze %dma_start3A_80 : memref<1x128xi32, #tpu.memory_space<vmem>> -> memref<128xi32, #tpu.memory_space<vmem>>
        %dma_start3A_82 = arith.constant 0 : i32
        %dma_start3A_83 = arith.constant 0 : i32
        %dma_start3A_84 = tpu.memref_slice %arg2[%dma_start3A_82, %dma_start3A_83] : memref<10112x128xf32, #tpu.memory_space<hbm>> -> memref<10112x128xf32, #tpu.memory_space<hbm>>
        tpu.enqueue_indirect_dma source(%dma_start3A_84 : memref<10112x128xf32, #tpu.memory_space<hbm>>) target(%arg9 : memref<128x128xf32, #tpu.memory_space<vmem>>) offsets(%dma_start3A_81 : memref<128xi32, #tpu.memory_space<vmem>>) semaphore(%arg13 : memref<!tpu.dma_semaphore, #tpu.memory_space<semaphore_mem>>)
      } else {
      }
    }
    %scan3A_40 = arith.constant 20 : i32
    %barrier3A_41 = arith.constant 0 : index
    tpu.barrier barrier_id(%barrier3A_41)
    %mul3A_42 = arith.constant 632 : i32
    %mul3A_43 = arith.muli %arg1, %mul3A_42 : i32
    %mul3A_44 = arith.constant 632 : i32
    %mul3A_45 = arith.muli %arg1, %mul3A_44 : i32
    "tpu.region"() ({
      %run_scoped3A = tpu.sem_alloc : memref<!tpu.dma_semaphore, #tpu.memory_space<semaphore_mem>>
      %dma_start3A_46 = arith.constant 0 : i32
      %dma_start3A_47 = tpu.memref_slice %arg6[%arg0, %mul3A_45, %dma_start3A_46] : memref<2x10112x128xf32, #tpu.memory_space<hbm>> -> memref<1x632x128xf32, #tpu.memory_space<hbm>>
      %dma_start3A_48 = tpu.memref_squeeze %dma_start3A_47 : memref<1x632x128xf32, #tpu.memory_space<hbm>> -> memref<632x128xf32, #tpu.memory_space<hbm>>
      %dma_start3A_49 = arith.constant 0 : i32
      %dma_start3A_50 = tpu.memref_slice %arg7[%mul3A_43, %dma_start3A_49] : memref<10112x128xf32, #tpu.memory_space<vmem_shared>> -> memref<632x128xf32, #tpu.memory_space<vmem_shared>>
      tpu.enqueue_dma source(%dma_start3A_50 : memref<632x128xf32, #tpu.memory_space<vmem_shared>>) target(%dma_start3A_48 : memref<632x128xf32, #tpu.memory_space<hbm>>) target_semaphore(%run_scoped3A : memref<!tpu.dma_semaphore, #tpu.memory_space<semaphore_mem>>)
      %dma_wait3A = arith.constant 0 : i32
      %dma_wait3A_51 = tpu.memref_slice %arg6[%arg0, %mul3A_45, %dma_wait3A] : memref<2x10112x128xf32, #tpu.memory_space<hbm>> -> memref<1x632x128xf32, #tpu.memory_space<hbm>>
      %dma_wait3A_52 = tpu.memref_squeeze %dma_wait3A_51 : memref<1x632x128xf32, #tpu.memory_space<hbm>> -> memref<632x128xf32, #tpu.memory_space<hbm>>
      %dma_wait3A_53 = arith.constant 0 : i32
      %dma_wait3A_54 = tpu.memref_slice %arg7[%mul3A_43, %dma_wait3A_53] : memref<10112x128xf32, #tpu.memory_space<vmem_shared>> -> memref<632x128xf32, #tpu.memory_space<vmem_shared>>
      tpu.wait_dma2 semaphore(%run_scoped3A : memref<!tpu.dma_semaphore, #tpu.memory_space<semaphore_mem>>) src(%dma_wait3A_54 : memref<632x128xf32, #tpu.memory_space<vmem_shared>>) dst(%dma_wait3A_52 : memref<632x128xf32, #tpu.memory_space<hbm>>)
      tpu.yield
    }) : () -> ()
    return
  }
}

#map = affine_map<(d0, d1) -> (0, 0)>
#map1 = affine_map<(d0, d1) -> (0, 0, 0)>
module attributes {stable_mosaic.version = 14 : i64} {
  func.func @_prop_body(%arg0: i32, %arg1: i32, %arg2: memref<10112x128xf32, #tpu.memory_space<hbm>>, %arg3: memref<32x80x128xi32, #tpu.memory_space<hbm>>, %arg4: memref<32x80x128xi32, #tpu.memory_space<hbm>>, %arg5: memref<10112x128xf32, #tpu.memory_space<hbm>>, %arg6: memref<2x10112x128xf32, #tpu.memory_space<hbm>>, %arg7: memref<10112x128xf32, #tpu.memory_space<vmem_shared>>, %arg8: memref<128x128xf32, #tpu.memory_space<vmem>>, %arg9: memref<128x128xf32, #tpu.memory_space<vmem>>, %arg10: memref<40x128xi32, #tpu.memory_space<vmem>>, %arg11: memref<40x128xi32, #tpu.memory_space<vmem>>, %arg12: memref<!tpu.dma_semaphore, #tpu.memory_space<semaphore_mem>>, %arg13: memref<!tpu.dma_semaphore, #tpu.memory_space<semaphore_mem>>, %arg14: memref<!tpu.dma_semaphore, #tpu.memory_space<semaphore_mem>>, %arg15: memref<!tpu.dma_semaphore, #tpu.memory_space<semaphore_mem>>) attributes {dimension_semantics = [#tpu.dimension_semantics<core_parallel>, #tpu.dimension_semantics<subcore_parallel>], iteration_bounds = array<i64: 2, 16>, scalar_prefetch = 0 : i64, scratch_operands = 9 : i64, tpu.core_type = #tpu.core_type<sc_vector_subcore>, window_params = [{transform_indices = #map}, {transform_indices = #map1}, {transform_indices = #map1}, {transform_indices = #map}, {transform_indices = #map1}]} {
    %mul3A = arith.constant 16 : i32
    %mul3A_0 = arith.muli %arg0, %mul3A : i32
    %add3A = arith.addi %mul3A_0, %arg1 : i32
    %mul3A_1 = arith.constant 632 : i32
    %mul3A_2 = arith.muli %arg1, %mul3A_1 : i32
    %mul3A_3 = arith.constant 632 : i32
    %mul3A_4 = arith.muli %arg1, %mul3A_3 : i32
    "tpu.region"() ({
      %run_scoped3A = tpu.sem_alloc : memref<!tpu.dma_semaphore, #tpu.memory_space<semaphore_mem>>
      %dma_start3A_46 = arith.constant 0 : i32
      %dma_start3A_47 = tpu.memref_slice %arg7[%mul3A_4, %dma_start3A_46] : memref<10112x128xf32, #tpu.memory_space<vmem_shared>> -> memref<632x128xf32, #tpu.memory_space<vmem_shared>>
      %dma_start3A_48 = arith.constant 0 : i32
      %dma_start3A_49 = tpu.memref_slice %arg5[%mul3A_2, %dma_start3A_48] : memref<10112x128xf32, #tpu.memory_space<hbm>> -> memref<632x128xf32, #tpu.memory_space<hbm>>
      tpu.enqueue_dma source(%dma_start3A_49 : memref<632x128xf32, #tpu.memory_space<hbm>>) target(%dma_start3A_47 : memref<632x128xf32, #tpu.memory_space<vmem_shared>>) target_semaphore(%run_scoped3A : memref<!tpu.dma_semaphore, #tpu.memory_space<semaphore_mem>>)
      %dma_wait3A = arith.constant 0 : i32
      %dma_wait3A_50 = tpu.memref_slice %arg7[%mul3A_4, %dma_wait3A] : memref<10112x128xf32, #tpu.memory_space<vmem_shared>> -> memref<632x128xf32, #tpu.memory_space<vmem_shared>>
      %dma_wait3A_51 = arith.constant 0 : i32
      %dma_wait3A_52 = tpu.memref_slice %arg5[%mul3A_2, %dma_wait3A_51] : memref<10112x128xf32, #tpu.memory_space<hbm>> -> memref<632x128xf32, #tpu.memory_space<hbm>>
      tpu.wait_dma2 semaphore(%run_scoped3A : memref<!tpu.dma_semaphore, #tpu.memory_space<semaphore_mem>>) src(%dma_wait3A_52 : memref<632x128xf32, #tpu.memory_space<hbm>>) dst(%dma_wait3A_50 : memref<632x128xf32, #tpu.memory_space<vmem_shared>>)
      tpu.yield
    }) : () -> ()
    %barrier3A = arith.constant 0 : index
    tpu.barrier barrier_id(%barrier3A)
    "tpu.region"() ({
      %run_scoped3A = tpu.sem_alloc : memref<!tpu.dma_semaphore, #tpu.memory_space<semaphore_mem>>
      %dma_start3A_46 = arith.constant 0 : i32
      %dma_start3A_47 = arith.constant 0 : i32
      %dma_start3A_48 = tpu.memref_slice %arg3[%add3A, %dma_start3A_46, %dma_start3A_47] : memref<32x80x128xi32, #tpu.memory_space<hbm>> -> memref<1x40x128xi32, #tpu.memory_space<hbm>>
      %dma_start3A_49 = tpu.memref_squeeze %dma_start3A_48 : memref<1x40x128xi32, #tpu.memory_space<hbm>> -> memref<40x128xi32, #tpu.memory_space<hbm>>
      %dma_start3A_50 = arith.constant 0 : i32
      %dma_start3A_51 = arith.constant 0 : i32
      %dma_start3A_52 = tpu.memref_slice %arg3[%add3A, %dma_start3A_50, %dma_start3A_51] : memref<32x80x128xi32, #tpu.memory_space<hbm>> -> memref<1x40x128xi32, #tpu.memory_space<hbm>>
      %dma_start3A_53 = tpu.memref_squeeze %dma_start3A_52 : memref<1x40x128xi32, #tpu.memory_space<hbm>> -> memref<40x128xi32, #tpu.memory_space<hbm>>
      tpu.enqueue_dma source(%dma_start3A_53 : memref<40x128xi32, #tpu.memory_space<hbm>>) target(%arg10 : memref<40x128xi32, #tpu.memory_space<vmem>>) target_semaphore(%run_scoped3A : memref<!tpu.dma_semaphore, #tpu.memory_space<semaphore_mem>>)
      %dma_wait3A = arith.constant 0 : i32
      %dma_wait3A_54 = arith.constant 0 : i32
      %dma_wait3A_55 = tpu.memref_slice %arg3[%add3A, %dma_wait3A, %dma_wait3A_54] : memref<32x80x128xi32, #tpu.memory_space<hbm>> -> memref<1x40x128xi32, #tpu.memory_space<hbm>>
      %dma_wait3A_56 = tpu.memref_squeeze %dma_wait3A_55 : memref<1x40x128xi32, #tpu.memory_space<hbm>> -> memref<40x128xi32, #tpu.memory_space<hbm>>
      %dma_wait3A_57 = arith.constant 0 : i32
      %dma_wait3A_58 = arith.constant 0 : i32
      %dma_wait3A_59 = tpu.memref_slice %arg3[%add3A, %dma_wait3A_57, %dma_wait3A_58] : memref<32x80x128xi32, #tpu.memory_space<hbm>> -> memref<1x40x128xi32, #tpu.memory_space<hbm>>
      %dma_wait3A_60 = tpu.memref_squeeze %dma_wait3A_59 : memref<1x40x128xi32, #tpu.memory_space<hbm>> -> memref<40x128xi32, #tpu.memory_space<hbm>>
      tpu.wait_dma2 semaphore(%run_scoped3A : memref<!tpu.dma_semaphore, #tpu.memory_space<semaphore_mem>>) src(%dma_wait3A_60 : memref<40x128xi32, #tpu.memory_space<hbm>>) dst(%arg10 : memref<40x128xi32, #tpu.memory_space<vmem>>)
      tpu.yield
    }) : () -> ()
    "tpu.region"() ({
      %run_scoped3A = tpu.sem_alloc : memref<!tpu.dma_semaphore, #tpu.memory_space<semaphore_mem>>
      %dma_start3A_46 = arith.constant 0 : i32
      %dma_start3A_47 = arith.constant 0 : i32
      %dma_start3A_48 = tpu.memref_slice %arg4[%add3A, %dma_start3A_46, %dma_start3A_47] : memref<32x80x128xi32, #tpu.memory_space<hbm>> -> memref<1x40x128xi32, #tpu.memory_space<hbm>>
      %dma_start3A_49 = tpu.memref_squeeze %dma_start3A_48 : memref<1x40x128xi32, #tpu.memory_space<hbm>> -> memref<40x128xi32, #tpu.memory_space<hbm>>
      %dma_start3A_50 = arith.constant 0 : i32
      %dma_start3A_51 = arith.constant 0 : i32
      %dma_start3A_52 = tpu.memref_slice %arg4[%add3A, %dma_start3A_50, %dma_start3A_51] : memref<32x80x128xi32, #tpu.memory_space<hbm>> -> memref<1x40x128xi32, #tpu.memory_space<hbm>>
      %dma_start3A_53 = tpu.memref_squeeze %dma_start3A_52 : memref<1x40x128xi32, #tpu.memory_space<hbm>> -> memref<40x128xi32, #tpu.memory_space<hbm>>
      tpu.enqueue_dma source(%dma_start3A_53 : memref<40x128xi32, #tpu.memory_space<hbm>>) target(%arg11 : memref<40x128xi32, #tpu.memory_space<vmem>>) target_semaphore(%run_scoped3A : memref<!tpu.dma_semaphore, #tpu.memory_space<semaphore_mem>>)
      %dma_wait3A = arith.constant 0 : i32
      %dma_wait3A_54 = arith.constant 0 : i32
      %dma_wait3A_55 = tpu.memref_slice %arg4[%add3A, %dma_wait3A, %dma_wait3A_54] : memref<32x80x128xi32, #tpu.memory_space<hbm>> -> memref<1x40x128xi32, #tpu.memory_space<hbm>>
      %dma_wait3A_56 = tpu.memref_squeeze %dma_wait3A_55 : memref<1x40x128xi32, #tpu.memory_space<hbm>> -> memref<40x128xi32, #tpu.memory_space<hbm>>
      %dma_wait3A_57 = arith.constant 0 : i32
      %dma_wait3A_58 = arith.constant 0 : i32
      %dma_wait3A_59 = tpu.memref_slice %arg4[%add3A, %dma_wait3A_57, %dma_wait3A_58] : memref<32x80x128xi32, #tpu.memory_space<hbm>> -> memref<1x40x128xi32, #tpu.memory_space<hbm>>
      %dma_wait3A_60 = tpu.memref_squeeze %dma_wait3A_59 : memref<1x40x128xi32, #tpu.memory_space<hbm>> -> memref<40x128xi32, #tpu.memory_space<hbm>>
      tpu.wait_dma2 semaphore(%run_scoped3A : memref<!tpu.dma_semaphore, #tpu.memory_space<semaphore_mem>>) src(%dma_wait3A_60 : memref<40x128xi32, #tpu.memory_space<hbm>>) dst(%arg11 : memref<40x128xi32, #tpu.memory_space<vmem>>)
      tpu.yield
    }) : () -> ()
    %dma_start3A = arith.constant 0 : i32
    %dma_start3A_5 = arith.constant 0 : i32
    %dma_start3A_6 = tpu.memref_slice %arg10[%dma_start3A, %dma_start3A_5] : memref<40x128xi32, #tpu.memory_space<vmem>> -> memref<1x128xi32, #tpu.memory_space<vmem>>
    %dma_start3A_7 = tpu.memref_squeeze %dma_start3A_6 : memref<1x128xi32, #tpu.memory_space<vmem>> -> memref<128xi32, #tpu.memory_space<vmem>>
    %dma_start3A_8 = arith.constant 0 : i32
    %dma_start3A_9 = arith.constant 0 : i32
    %dma_start3A_10 = tpu.memref_slice %arg2[%dma_start3A_8, %dma_start3A_9] : memref<10112x128xf32, #tpu.memory_space<hbm>> -> memref<10112x128xf32, #tpu.memory_space<hbm>>
    tpu.enqueue_indirect_dma source(%dma_start3A_10 : memref<10112x128xf32, #tpu.memory_space<hbm>>) target(%arg8 : memref<128x128xf32, #tpu.memory_space<vmem>>) offsets(%dma_start3A_7 : memref<128xi32, #tpu.memory_space<vmem>>) semaphore(%arg12 : memref<!tpu.dma_semaphore, #tpu.memory_space<semaphore_mem>>)
    %dma_start3A_11 = arith.constant 1 : i32
    %dma_start3A_12 = arith.constant 0 : i32
    %dma_start3A_13 = tpu.memref_slice %arg10[%dma_start3A_11, %dma_start3A_12] : memref<40x128xi32, #tpu.memory_space<vmem>> -> memref<1x128xi32, #tpu.memory_space<vmem>>
    %dma_start3A_14 = tpu.memref_squeeze %dma_start3A_13 : memref<1x128xi32, #tpu.memory_space<vmem>> -> memref<128xi32, #tpu.memory_space<vmem>>
    %dma_start3A_15 = arith.constant 0 : i32
    %dma_start3A_16 = arith.constant 0 : i32
    %dma_start3A_17 = tpu.memref_slice %arg2[%dma_start3A_15, %dma_start3A_16] : memref<10112x128xf32, #tpu.memory_space<hbm>> -> memref<10112x128xf32, #tpu.memory_space<hbm>>
    tpu.enqueue_indirect_dma source(%dma_start3A_17 : memref<10112x128xf32, #tpu.memory_space<hbm>>) target(%arg9 : memref<128x128xf32, #tpu.memory_space<vmem>>) offsets(%dma_start3A_14 : memref<128xi32, #tpu.memory_space<vmem>>) semaphore(%arg13 : memref<!tpu.dma_semaphore, #tpu.memory_space<semaphore_mem>>)
    %scan3A = arith.constant 0 : i32
    %scan3A_18 = arith.constant 20 : i32
    %scan3A_19 = arith.addi %scan3A, %scan3A_18 : i32
    %scan3A_20 = arith.constant 1 : i32
    scf.for %scan3A_46 = %scan3A to %scan3A_19 step %scan3A_20  : i32 {
      %mul3A_47 = arith.constant 2 : i32
      %mul3A_48 = arith.muli %scan3A_46, %mul3A_47 : i32
      %add3A_49 = arith.constant 0 : i32
      %add3A_50 = arith.addi %add3A_49, %mul3A_48 : i32
      %dma_wait3A = arith.constant 0 : i32
      %dma_wait3A_51 = tpu.memref_slice %arg10[%add3A_50, %dma_wait3A] : memref<40x128xi32, #tpu.memory_space<vmem>> -> memref<1x128xi32, #tpu.memory_space<vmem>>
      %dma_wait3A_52 = tpu.memref_squeeze %dma_wait3A_51 : memref<1x128xi32, #tpu.memory_space<vmem>> -> memref<128xi32, #tpu.memory_space<vmem>>
      %dma_wait3A_53 = arith.constant 0 : i32
      %dma_wait3A_54 = arith.constant 0 : i32
      %dma_wait3A_55 = tpu.memref_slice %arg2[%dma_wait3A_53, %dma_wait3A_54] : memref<10112x128xf32, #tpu.memory_space<hbm>> -> memref<10112x128xf32, #tpu.memory_space<hbm>>
      tpu.wait_indirect_dma semaphore(%arg12 : memref<!tpu.dma_semaphore, #tpu.memory_space<semaphore_mem>>) src(%dma_wait3A_55 : memref<10112x128xf32, #tpu.memory_space<hbm>>) dst(%arg8 : memref<128x128xf32, #tpu.memory_space<vmem>>)
      "tpu.region"() ({
        %run_scoped3A = tpu.sem_alloc : memref<!tpu.dma_semaphore, #tpu.memory_space<semaphore_mem>>
        %dma_start3A_77 = arith.constant 0 : i32
        %dma_start3A_78 = tpu.memref_slice %arg11[%add3A_50, %dma_start3A_77] : memref<40x128xi32, #tpu.memory_space<vmem>> -> memref<1x128xi32, #tpu.memory_space<vmem>>
        %dma_start3A_79 = tpu.memref_squeeze %dma_start3A_78 : memref<1x128xi32, #tpu.memory_space<vmem>> -> memref<128xi32, #tpu.memory_space<vmem>>
        %dma_start3A_80 = arith.constant 0 : i32
        %dma_start3A_81 = arith.constant 0 : i32
        %dma_start3A_82 = tpu.memref_slice %arg7[%dma_start3A_80, %dma_start3A_81] : memref<10112x128xf32, #tpu.memory_space<vmem_shared>> -> memref<10112x128xf32, #tpu.memory_space<vmem_shared>>
        tpu.enqueue_indirect_dma source(%arg8 : memref<128x128xf32, #tpu.memory_space<vmem>>) target(%dma_start3A_82 : memref<10112x128xf32, #tpu.memory_space<vmem_shared>>) offsets(%dma_start3A_79 : memref<128xi32, #tpu.memory_space<vmem>>) semaphore(%run_scoped3A : memref<!tpu.dma_semaphore, #tpu.memory_space<semaphore_mem>>) {add = true}
        %dma_wait3A_83 = arith.constant 0 : i32
        %dma_wait3A_84 = tpu.memref_slice %arg11[%add3A_50, %dma_wait3A_83] : memref<40x128xi32, #tpu.memory_space<vmem>> -> memref<1x128xi32, #tpu.memory_space<vmem>>
        %dma_wait3A_85 = tpu.memref_squeeze %dma_wait3A_84 : memref<1x128xi32, #tpu.memory_space<vmem>> -> memref<128xi32, #tpu.memory_space<vmem>>
        %dma_wait3A_86 = arith.constant 0 : i32
        %dma_wait3A_87 = arith.constant 0 : i32
        %dma_wait3A_88 = tpu.memref_slice %arg7[%dma_wait3A_86, %dma_wait3A_87] : memref<10112x128xf32, #tpu.memory_space<vmem_shared>> -> memref<10112x128xf32, #tpu.memory_space<vmem_shared>>
        tpu.wait_indirect_dma semaphore(%run_scoped3A : memref<!tpu.dma_semaphore, #tpu.memory_space<semaphore_mem>>) src(%arg8 : memref<128x128xf32, #tpu.memory_space<vmem>>) dst(%dma_wait3A_88 : memref<10112x128xf32, #tpu.memory_space<vmem_shared>>)
        tpu.yield
      }) : () -> ()
      %add3A_56 = arith.constant 2 : i32
      %add3A_57 = arith.addi %add3A_50, %add3A_56 : i32
      %lt3A = arith.constant 40 : i32
      %lt3A_58 = arith.cmpi slt, %add3A_57, %lt3A : i32
      %convert_element_type3A = arith.extui %lt3A_58 : i1 to i32
      %cond3A = arith.constant 0 : i32
      %cond3A_59 = arith.cmpi ne, %convert_element_type3A, %cond3A : i32
      scf.if %cond3A_59 {
        %add3A_77 = arith.constant 2 : i32
        %add3A_78 = arith.addi %add3A_50, %add3A_77 : i32
        %dma_start3A_79 = arith.constant 0 : i32
        %dma_start3A_80 = tpu.memref_slice %arg10[%add3A_78, %dma_start3A_79] : memref<40x128xi32, #tpu.memory_space<vmem>> -> memref<1x128xi32, #tpu.memory_space<vmem>>
        %dma_start3A_81 = tpu.memref_squeeze %dma_start3A_80 : memref<1x128xi32, #tpu.memory_space<vmem>> -> memref<128xi32, #tpu.memory_space<vmem>>
        %dma_start3A_82 = arith.constant 0 : i32
        %dma_start3A_83 = arith.constant 0 : i32
        %dma_start3A_84 = tpu.memref_slice %arg2[%dma_start3A_82, %dma_start3A_83] : memref<10112x128xf32, #tpu.memory_space<hbm>> -> memref<10112x128xf32, #tpu.memory_space<hbm>>
        tpu.enqueue_indirect_dma source(%dma_start3A_84 : memref<10112x128xf32, #tpu.memory_space<hbm>>) target(%arg8 : memref<128x128xf32, #tpu.memory_space<vmem>>) offsets(%dma_start3A_81 : memref<128xi32, #tpu.memory_space<vmem>>) semaphore(%arg12 : memref<!tpu.dma_semaphore, #tpu.memory_space<semaphore_mem>>)
      } else {
      }
      %add3A_60 = arith.constant 1 : i32
      %add3A_61 = arith.addi %add3A_50, %add3A_60 : i32
      %dma_wait3A_62 = arith.constant 0 : i32
      %dma_wait3A_63 = tpu.memref_slice %arg10[%add3A_61, %dma_wait3A_62] : memref<40x128xi32, #tpu.memory_space<vmem>> -> memref<1x128xi32, #tpu.memory_space<vmem>>
      %dma_wait3A_64 = tpu.memref_squeeze %dma_wait3A_63 : memref<1x128xi32, #tpu.memory_space<vmem>> -> memref<128xi32, #tpu.memory_space<vmem>>
      %dma_wait3A_65 = arith.constant 0 : i32
      %dma_wait3A_66 = arith.constant 0 : i32
      %dma_wait3A_67 = tpu.memref_slice %arg2[%dma_wait3A_65, %dma_wait3A_66] : memref<10112x128xf32, #tpu.memory_space<hbm>> -> memref<10112x128xf32, #tpu.memory_space<hbm>>
      tpu.wait_indirect_dma semaphore(%arg13 : memref<!tpu.dma_semaphore, #tpu.memory_space<semaphore_mem>>) src(%dma_wait3A_67 : memref<10112x128xf32, #tpu.memory_space<hbm>>) dst(%arg9 : memref<128x128xf32, #tpu.memory_space<vmem>>)
      %add3A_68 = arith.constant 1 : i32
      %add3A_69 = arith.addi %add3A_50, %add3A_68 : i32
      "tpu.region"() ({
        %run_scoped3A = tpu.sem_alloc : memref<!tpu.dma_semaphore, #tpu.memory_space<semaphore_mem>>
        %dma_start3A_77 = arith.constant 0 : i32
        %dma_start3A_78 = tpu.memref_slice %arg11[%add3A_69, %dma_start3A_77] : memref<40x128xi32, #tpu.memory_space<vmem>> -> memref<1x128xi32, #tpu.memory_space<vmem>>
        %dma_start3A_79 = tpu.memref_squeeze %dma_start3A_78 : memref<1x128xi32, #tpu.memory_space<vmem>> -> memref<128xi32, #tpu.memory_space<vmem>>
        %dma_start3A_80 = arith.constant 0 : i32
        %dma_start3A_81 = arith.constant 0 : i32
        %dma_start3A_82 = tpu.memref_slice %arg7[%dma_start3A_80, %dma_start3A_81] : memref<10112x128xf32, #tpu.memory_space<vmem_shared>> -> memref<10112x128xf32, #tpu.memory_space<vmem_shared>>
        tpu.enqueue_indirect_dma source(%arg9 : memref<128x128xf32, #tpu.memory_space<vmem>>) target(%dma_start3A_82 : memref<10112x128xf32, #tpu.memory_space<vmem_shared>>) offsets(%dma_start3A_79 : memref<128xi32, #tpu.memory_space<vmem>>) semaphore(%run_scoped3A : memref<!tpu.dma_semaphore, #tpu.memory_space<semaphore_mem>>) {add = true}
        %dma_wait3A_83 = arith.constant 0 : i32
        %dma_wait3A_84 = tpu.memref_slice %arg11[%add3A_69, %dma_wait3A_83] : memref<40x128xi32, #tpu.memory_space<vmem>> -> memref<1x128xi32, #tpu.memory_space<vmem>>
        %dma_wait3A_85 = tpu.memref_squeeze %dma_wait3A_84 : memref<1x128xi32, #tpu.memory_space<vmem>> -> memref<128xi32, #tpu.memory_space<vmem>>
        %dma_wait3A_86 = arith.constant 0 : i32
        %dma_wait3A_87 = arith.constant 0 : i32
        %dma_wait3A_88 = tpu.memref_slice %arg7[%dma_wait3A_86, %dma_wait3A_87] : memref<10112x128xf32, #tpu.memory_space<vmem_shared>> -> memref<10112x128xf32, #tpu.memory_space<vmem_shared>>
        tpu.wait_indirect_dma semaphore(%run_scoped3A : memref<!tpu.dma_semaphore, #tpu.memory_space<semaphore_mem>>) src(%arg9 : memref<128x128xf32, #tpu.memory_space<vmem>>) dst(%dma_wait3A_88 : memref<10112x128xf32, #tpu.memory_space<vmem_shared>>)
        tpu.yield
      }) : () -> ()
      %add3A_70 = arith.constant 3 : i32
      %add3A_71 = arith.addi %add3A_50, %add3A_70 : i32
      %lt3A_72 = arith.constant 40 : i32
      %lt3A_73 = arith.cmpi slt, %add3A_71, %lt3A_72 : i32
      %convert_element_type3A_74 = arith.extui %lt3A_73 : i1 to i32
      %cond3A_75 = arith.constant 0 : i32
      %cond3A_76 = arith.cmpi ne, %convert_element_type3A_74, %cond3A_75 : i32
      scf.if %cond3A_76 {
        %add3A_77 = arith.constant 3 : i32
        %add3A_78 = arith.addi %add3A_50, %add3A_77 : i32
        %dma_start3A_79 = arith.constant 0 : i32
        %dma_start3A_80 = tpu.memref_slice %arg10[%add3A_78, %dma_start3A_79] : memref<40x128xi32, #tpu.memory_space<vmem>> -> memref<1x128xi32, #tpu.memory_space<vmem>>
        %dma_start3A_81 = tpu.memref_squeeze %dma_start3A_80 : memref<1x128xi32, #tpu.memory_space<vmem>> -> memref<128xi32, #tpu.memory_space<vmem>>
        %dma_start3A_82 = arith.constant 0 : i32
        %dma_start3A_83 = arith.constant 0 : i32
        %dma_start3A_84 = tpu.memref_slice %arg2[%dma_start3A_82, %dma_start3A_83] : memref<10112x128xf32, #tpu.memory_space<hbm>> -> memref<10112x128xf32, #tpu.memory_space<hbm>>
        tpu.enqueue_indirect_dma source(%dma_start3A_84 : memref<10112x128xf32, #tpu.memory_space<hbm>>) target(%arg9 : memref<128x128xf32, #tpu.memory_space<vmem>>) offsets(%dma_start3A_81 : memref<128xi32, #tpu.memory_space<vmem>>) semaphore(%arg13 : memref<!tpu.dma_semaphore, #tpu.memory_space<semaphore_mem>>)
      } else {
      }
    }
    %scan3A_21 = arith.constant 20 : i32
    "tpu.region"() ({
      %run_scoped3A = tpu.sem_alloc : memref<!tpu.dma_semaphore, #tpu.memory_space<semaphore_mem>>
      %dma_start3A_46 = arith.constant 40 : i32
      %dma_start3A_47 = arith.constant 0 : i32
      %dma_start3A_48 = tpu.memref_slice %arg3[%add3A, %dma_start3A_46, %dma_start3A_47] : memref<32x80x128xi32, #tpu.memory_space<hbm>> -> memref<1x40x128xi32, #tpu.memory_space<hbm>>
      %dma_start3A_49 = tpu.memref_squeeze %dma_start3A_48 : memref<1x40x128xi32, #tpu.memory_space<hbm>> -> memref<40x128xi32, #tpu.memory_space<hbm>>
      %dma_start3A_50 = arith.constant 40 : i32
      %dma_start3A_51 = arith.constant 0 : i32
      %dma_start3A_52 = tpu.memref_slice %arg3[%add3A, %dma_start3A_50, %dma_start3A_51] : memref<32x80x128xi32, #tpu.memory_space<hbm>> -> memref<1x40x128xi32, #tpu.memory_space<hbm>>
      %dma_start3A_53 = tpu.memref_squeeze %dma_start3A_52 : memref<1x40x128xi32, #tpu.memory_space<hbm>> -> memref<40x128xi32, #tpu.memory_space<hbm>>
      tpu.enqueue_dma source(%dma_start3A_53 : memref<40x128xi32, #tpu.memory_space<hbm>>) target(%arg10 : memref<40x128xi32, #tpu.memory_space<vmem>>) target_semaphore(%run_scoped3A : memref<!tpu.dma_semaphore, #tpu.memory_space<semaphore_mem>>)
      %dma_wait3A = arith.constant 40 : i32
      %dma_wait3A_54 = arith.constant 0 : i32
      %dma_wait3A_55 = tpu.memref_slice %arg3[%add3A, %dma_wait3A, %dma_wait3A_54] : memref<32x80x128xi32, #tpu.memory_space<hbm>> -> memref<1x40x128xi32, #tpu.memory_space<hbm>>
      %dma_wait3A_56 = tpu.memref_squeeze %dma_wait3A_55 : memref<1x40x128xi32, #tpu.memory_space<hbm>> -> memref<40x128xi32, #tpu.memory_space<hbm>>
      %dma_wait3A_57 = arith.constant 40 : i32
      %dma_wait3A_58 = arith.constant 0 : i32
      %dma_wait3A_59 = tpu.memref_slice %arg3[%add3A, %dma_wait3A_57, %dma_wait3A_58] : memref<32x80x128xi32, #tpu.memory_space<hbm>> -> memref<1x40x128xi32, #tpu.memory_space<hbm>>
      %dma_wait3A_60 = tpu.memref_squeeze %dma_wait3A_59 : memref<1x40x128xi32, #tpu.memory_space<hbm>> -> memref<40x128xi32, #tpu.memory_space<hbm>>
      tpu.wait_dma2 semaphore(%run_scoped3A : memref<!tpu.dma_semaphore, #tpu.memory_space<semaphore_mem>>) src(%dma_wait3A_60 : memref<40x128xi32, #tpu.memory_space<hbm>>) dst(%arg10 : memref<40x128xi32, #tpu.memory_space<vmem>>)
      tpu.yield
    }) : () -> ()
    "tpu.region"() ({
      %run_scoped3A = tpu.sem_alloc : memref<!tpu.dma_semaphore, #tpu.memory_space<semaphore_mem>>
      %dma_start3A_46 = arith.constant 40 : i32
      %dma_start3A_47 = arith.constant 0 : i32
      %dma_start3A_48 = tpu.memref_slice %arg4[%add3A, %dma_start3A_46, %dma_start3A_47] : memref<32x80x128xi32, #tpu.memory_space<hbm>> -> memref<1x40x128xi32, #tpu.memory_space<hbm>>
      %dma_start3A_49 = tpu.memref_squeeze %dma_start3A_48 : memref<1x40x128xi32, #tpu.memory_space<hbm>> -> memref<40x128xi32, #tpu.memory_space<hbm>>
      %dma_start3A_50 = arith.constant 40 : i32
      %dma_start3A_51 = arith.constant 0 : i32
      %dma_start3A_52 = tpu.memref_slice %arg4[%add3A, %dma_start3A_50, %dma_start3A_51] : memref<32x80x128xi32, #tpu.memory_space<hbm>> -> memref<1x40x128xi32, #tpu.memory_space<hbm>>
      %dma_start3A_53 = tpu.memref_squeeze %dma_start3A_52 : memref<1x40x128xi32, #tpu.memory_space<hbm>> -> memref<40x128xi32, #tpu.memory_space<hbm>>
      tpu.enqueue_dma source(%dma_start3A_53 : memref<40x128xi32, #tpu.memory_space<hbm>>) target(%arg11 : memref<40x128xi32, #tpu.memory_space<vmem>>) target_semaphore(%run_scoped3A : memref<!tpu.dma_semaphore, #tpu.memory_space<semaphore_mem>>)
      %dma_wait3A = arith.constant 40 : i32
      %dma_wait3A_54 = arith.constant 0 : i32
      %dma_wait3A_55 = tpu.memref_slice %arg4[%add3A, %dma_wait3A, %dma_wait3A_54] : memref<32x80x128xi32, #tpu.memory_space<hbm>> -> memref<1x40x128xi32, #tpu.memory_space<hbm>>
      %dma_wait3A_56 = tpu.memref_squeeze %dma_wait3A_55 : memref<1x40x128xi32, #tpu.memory_space<hbm>> -> memref<40x128xi32, #tpu.memory_space<hbm>>
      %dma_wait3A_57 = arith.constant 40 : i32
      %dma_wait3A_58 = arith.constant 0 : i32
      %dma_wait3A_59 = tpu.memref_slice %arg4[%add3A, %dma_wait3A_57, %dma_wait3A_58] : memref<32x80x128xi32, #tpu.memory_space<hbm>> -> memref<1x40x128xi32, #tpu.memory_space<hbm>>
      %dma_wait3A_60 = tpu.memref_squeeze %dma_wait3A_59 : memref<1x40x128xi32, #tpu.memory_space<hbm>> -> memref<40x128xi32, #tpu.memory_space<hbm>>
      tpu.wait_dma2 semaphore(%run_scoped3A : memref<!tpu.dma_semaphore, #tpu.memory_space<semaphore_mem>>) src(%dma_wait3A_60 : memref<40x128xi32, #tpu.memory_space<hbm>>) dst(%arg11 : memref<40x128xi32, #tpu.memory_space<vmem>>)
      tpu.yield
    }) : () -> ()
    %dma_start3A_22 = arith.constant 0 : i32
    %dma_start3A_23 = arith.constant 0 : i32
    %dma_start3A_24 = tpu.memref_slice %arg10[%dma_start3A_22, %dma_start3A_23] : memref<40x128xi32, #tpu.memory_space<vmem>> -> memref<1x128xi32, #tpu.memory_space<vmem>>
    %dma_start3A_25 = tpu.memref_squeeze %dma_start3A_24 : memref<1x128xi32, #tpu.memory_space<vmem>> -> memref<128xi32, #tpu.memory_space<vmem>>
    %dma_start3A_26 = arith.constant 0 : i32
    %dma_start3A_27 = arith.constant 0 : i32
    %dma_start3A_28 = tpu.memref_slice %arg2[%dma_start3A_26, %dma_start3A_27] : memref<10112x128xf32, #tpu.memory_space<hbm>> -> memref<10112x128xf32, #tpu.memory_space<hbm>>
    tpu.enqueue_indirect_dma source(%dma_start3A_28 : memref<10112x128xf32, #tpu.memory_space<hbm>>) target(%arg8 : memref<128x128xf32, #tpu.memory_space<vmem>>) offsets(%dma_start3A_25 : memref<128xi32, #tpu.memory_space<vmem>>) semaphore(%arg12 : memref<!tpu.dma_semaphore, #tpu.memory_space<semaphore_mem>>)
    %dma_start3A_29 = arith.constant 1 : i32
    %dma_start3A_30 = arith.constant 0 : i32
    %dma_start3A_31 = tpu.memref_slice %arg10[%dma_start3A_29, %dma_start3A_30] : memref<40x128xi32, #tpu.memory_space<vmem>> -> memref<1x128xi32, #tpu.memory_space<vmem>>
    %dma_start3A_32 = tpu.memref_squeeze %dma_start3A_31 : memref<1x128xi32, #tpu.memory_space<vmem>> -> memref<128xi32, #tpu.memory_space<vmem>>
    %dma_start3A_33 = arith.constant 0 : i32
    %dma_start3A_34 = arith.constant 0 : i32
    %dma_start3A_35 = tpu.memref_slice %arg2[%dma_start3A_33, %dma_start3A_34] : memref<10112x128xf32, #tpu.memory_space<hbm>> -> memref<10112x128xf32, #tpu.memory_space<hbm>>
    tpu.enqueue_indirect_dma source(%dma_start3A_35 : memref<10112x128xf32, #tpu.memory_space<hbm>>) target(%arg9 : memref<128x128xf32, #tpu.memory_space<vmem>>) offsets(%dma_start3A_32 : memref<128xi32, #tpu.memory_space<vmem>>) semaphore(%arg13 : memref<!tpu.dma_semaphore, #tpu.memory_space<semaphore_mem>>)
    %scan3A_36 = arith.constant 0 : i32
    %scan3A_37 = arith.constant 20 : i32
    %scan3A_38 = arith.addi %scan3A_36, %scan3A_37 : i32
    %scan3A_39 = arith.constant 1 : i32
    scf.for %scan3A_46 = %scan3A_36 to %scan3A_38 step %scan3A_39  : i32 {
      %mul3A_47 = arith.constant 2 : i32
      %mul3A_48 = arith.muli %scan3A_46, %mul3A_47 : i32
      %add3A_49 = arith.constant 0 : i32
      %add3A_50 = arith.addi %add3A_49, %mul3A_48 : i32
      %dma_wait3A = arith.constant 0 : i32
      %dma_wait3A_51 = tpu.memref_slice %arg10[%add3A_50, %dma_wait3A] : memref<40x128xi32, #tpu.memory_space<vmem>> -> memref<1x128xi32, #tpu.memory_space<vmem>>
      %dma_wait3A_52 = tpu.memref_squeeze %dma_wait3A_51 : memref<1x128xi32, #tpu.memory_space<vmem>> -> memref<128xi32, #tpu.memory_space<vmem>>
      %dma_wait3A_53 = arith.constant 0 : i32
      %dma_wait3A_54 = arith.constant 0 : i32
      %dma_wait3A_55 = tpu.memref_slice %arg2[%dma_wait3A_53, %dma_wait3A_54] : memref<10112x128xf32, #tpu.memory_space<hbm>> -> memref<10112x128xf32, #tpu.memory_space<hbm>>
      tpu.wait_indirect_dma semaphore(%arg12 : memref<!tpu.dma_semaphore, #tpu.memory_space<semaphore_mem>>) src(%dma_wait3A_55 : memref<10112x128xf32, #tpu.memory_space<hbm>>) dst(%arg8 : memref<128x128xf32, #tpu.memory_space<vmem>>)
      "tpu.region"() ({
        %run_scoped3A = tpu.sem_alloc : memref<!tpu.dma_semaphore, #tpu.memory_space<semaphore_mem>>
        %dma_start3A_77 = arith.constant 0 : i32
        %dma_start3A_78 = tpu.memref_slice %arg11[%add3A_50, %dma_start3A_77] : memref<40x128xi32, #tpu.memory_space<vmem>> -> memref<1x128xi32, #tpu.memory_space<vmem>>
        %dma_start3A_79 = tpu.memref_squeeze %dma_start3A_78 : memref<1x128xi32, #tpu.memory_space<vmem>> -> memref<128xi32, #tpu.memory_space<vmem>>
        %dma_start3A_80 = arith.constant 0 : i32
        %dma_start3A_81 = arith.constant 0 : i32
        %dma_start3A_82 = tpu.memref_slice %arg7[%dma_start3A_80, %dma_start3A_81] : memref<10112x128xf32, #tpu.memory_space<vmem_shared>> -> memref<10112x128xf32, #tpu.memory_space<vmem_shared>>
        tpu.enqueue_indirect_dma source(%arg8 : memref<128x128xf32, #tpu.memory_space<vmem>>) target(%dma_start3A_82 : memref<10112x128xf32, #tpu.memory_space<vmem_shared>>) offsets(%dma_start3A_79 : memref<128xi32, #tpu.memory_space<vmem>>) semaphore(%run_scoped3A : memref<!tpu.dma_semaphore, #tpu.memory_space<semaphore_mem>>) {add = true}
        %dma_wait3A_83 = arith.constant 0 : i32
        %dma_wait3A_84 = tpu.memref_slice %arg11[%add3A_50, %dma_wait3A_83] : memref<40x128xi32, #tpu.memory_space<vmem>> -> memref<1x128xi32, #tpu.memory_space<vmem>>
        %dma_wait3A_85 = tpu.memref_squeeze %dma_wait3A_84 : memref<1x128xi32, #tpu.memory_space<vmem>> -> memref<128xi32, #tpu.memory_space<vmem>>
        %dma_wait3A_86 = arith.constant 0 : i32
        %dma_wait3A_87 = arith.constant 0 : i32
        %dma_wait3A_88 = tpu.memref_slice %arg7[%dma_wait3A_86, %dma_wait3A_87] : memref<10112x128xf32, #tpu.memory_space<vmem_shared>> -> memref<10112x128xf32, #tpu.memory_space<vmem_shared>>
        tpu.wait_indirect_dma semaphore(%run_scoped3A : memref<!tpu.dma_semaphore, #tpu.memory_space<semaphore_mem>>) src(%arg8 : memref<128x128xf32, #tpu.memory_space<vmem>>) dst(%dma_wait3A_88 : memref<10112x128xf32, #tpu.memory_space<vmem_shared>>)
        tpu.yield
      }) : () -> ()
      %add3A_56 = arith.constant 2 : i32
      %add3A_57 = arith.addi %add3A_50, %add3A_56 : i32
      %lt3A = arith.constant 40 : i32
      %lt3A_58 = arith.cmpi slt, %add3A_57, %lt3A : i32
      %convert_element_type3A = arith.extui %lt3A_58 : i1 to i32
      %cond3A = arith.constant 0 : i32
      %cond3A_59 = arith.cmpi ne, %convert_element_type3A, %cond3A : i32
      scf.if %cond3A_59 {
        %add3A_77 = arith.constant 2 : i32
        %add3A_78 = arith.addi %add3A_50, %add3A_77 : i32
        %dma_start3A_79 = arith.constant 0 : i32
        %dma_start3A_80 = tpu.memref_slice %arg10[%add3A_78, %dma_start3A_79] : memref<40x128xi32, #tpu.memory_space<vmem>> -> memref<1x128xi32, #tpu.memory_space<vmem>>
        %dma_start3A_81 = tpu.memref_squeeze %dma_start3A_80 : memref<1x128xi32, #tpu.memory_space<vmem>> -> memref<128xi32, #tpu.memory_space<vmem>>
        %dma_start3A_82 = arith.constant 0 : i32
        %dma_start3A_83 = arith.constant 0 : i32
        %dma_start3A_84 = tpu.memref_slice %arg2[%dma_start3A_82, %dma_start3A_83] : memref<10112x128xf32, #tpu.memory_space<hbm>> -> memref<10112x128xf32, #tpu.memory_space<hbm>>
        tpu.enqueue_indirect_dma source(%dma_start3A_84 : memref<10112x128xf32, #tpu.memory_space<hbm>>) target(%arg8 : memref<128x128xf32, #tpu.memory_space<vmem>>) offsets(%dma_start3A_81 : memref<128xi32, #tpu.memory_space<vmem>>) semaphore(%arg12 : memref<!tpu.dma_semaphore, #tpu.memory_space<semaphore_mem>>)
      } else {
      }
      %add3A_60 = arith.constant 1 : i32
      %add3A_61 = arith.addi %add3A_50, %add3A_60 : i32
      %dma_wait3A_62 = arith.constant 0 : i32
      %dma_wait3A_63 = tpu.memref_slice %arg10[%add3A_61, %dma_wait3A_62] : memref<40x128xi32, #tpu.memory_space<vmem>> -> memref<1x128xi32, #tpu.memory_space<vmem>>
      %dma_wait3A_64 = tpu.memref_squeeze %dma_wait3A_63 : memref<1x128xi32, #tpu.memory_space<vmem>> -> memref<128xi32, #tpu.memory_space<vmem>>
      %dma_wait3A_65 = arith.constant 0 : i32
      %dma_wait3A_66 = arith.constant 0 : i32
      %dma_wait3A_67 = tpu.memref_slice %arg2[%dma_wait3A_65, %dma_wait3A_66] : memref<10112x128xf32, #tpu.memory_space<hbm>> -> memref<10112x128xf32, #tpu.memory_space<hbm>>
      tpu.wait_indirect_dma semaphore(%arg13 : memref<!tpu.dma_semaphore, #tpu.memory_space<semaphore_mem>>) src(%dma_wait3A_67 : memref<10112x128xf32, #tpu.memory_space<hbm>>) dst(%arg9 : memref<128x128xf32, #tpu.memory_space<vmem>>)
      %add3A_68 = arith.constant 1 : i32
      %add3A_69 = arith.addi %add3A_50, %add3A_68 : i32
      "tpu.region"() ({
        %run_scoped3A = tpu.sem_alloc : memref<!tpu.dma_semaphore, #tpu.memory_space<semaphore_mem>>
        %dma_start3A_77 = arith.constant 0 : i32
        %dma_start3A_78 = tpu.memref_slice %arg11[%add3A_69, %dma_start3A_77] : memref<40x128xi32, #tpu.memory_space<vmem>> -> memref<1x128xi32, #tpu.memory_space<vmem>>
        %dma_start3A_79 = tpu.memref_squeeze %dma_start3A_78 : memref<1x128xi32, #tpu.memory_space<vmem>> -> memref<128xi32, #tpu.memory_space<vmem>>
        %dma_start3A_80 = arith.constant 0 : i32
        %dma_start3A_81 = arith.constant 0 : i32
        %dma_start3A_82 = tpu.memref_slice %arg7[%dma_start3A_80, %dma_start3A_81] : memref<10112x128xf32, #tpu.memory_space<vmem_shared>> -> memref<10112x128xf32, #tpu.memory_space<vmem_shared>>
        tpu.enqueue_indirect_dma source(%arg9 : memref<128x128xf32, #tpu.memory_space<vmem>>) target(%dma_start3A_82 : memref<10112x128xf32, #tpu.memory_space<vmem_shared>>) offsets(%dma_start3A_79 : memref<128xi32, #tpu.memory_space<vmem>>) semaphore(%run_scoped3A : memref<!tpu.dma_semaphore, #tpu.memory_space<semaphore_mem>>) {add = true}
        %dma_wait3A_83 = arith.constant 0 : i32
        %dma_wait3A_84 = tpu.memref_slice %arg11[%add3A_69, %dma_wait3A_83] : memref<40x128xi32, #tpu.memory_space<vmem>> -> memref<1x128xi32, #tpu.memory_space<vmem>>
        %dma_wait3A_85 = tpu.memref_squeeze %dma_wait3A_84 : memref<1x128xi32, #tpu.memory_space<vmem>> -> memref<128xi32, #tpu.memory_space<vmem>>
        %dma_wait3A_86 = arith.constant 0 : i32
        %dma_wait3A_87 = arith.constant 0 : i32
        %dma_wait3A_88 = tpu.memref_slice %arg7[%dma_wait3A_86, %dma_wait3A_87] : memref<10112x128xf32, #tpu.memory_space<vmem_shared>> -> memref<10112x128xf32, #tpu.memory_space<vmem_shared>>
        tpu.wait_indirect_dma semaphore(%run_scoped3A : memref<!tpu.dma_semaphore, #tpu.memory_space<semaphore_mem>>) src(%arg9 : memref<128x128xf32, #tpu.memory_space<vmem>>) dst(%dma_wait3A_88 : memref<10112x128xf32, #tpu.memory_space<vmem_shared>>)
        tpu.yield
      }) : () -> ()
      %add3A_70 = arith.constant 3 : i32
      %add3A_71 = arith.addi %add3A_50, %add3A_70 : i32
      %lt3A_72 = arith.constant 40 : i32
      %lt3A_73 = arith.cmpi slt, %add3A_71, %lt3A_72 : i32
      %convert_element_type3A_74 = arith.extui %lt3A_73 : i1 to i32
      %cond3A_75 = arith.constant 0 : i32
      %cond3A_76 = arith.cmpi ne, %convert_element_type3A_74, %cond3A_75 : i32
      scf.if %cond3A_76 {
        %add3A_77 = arith.constant 3 : i32
        %add3A_78 = arith.addi %add3A_50, %add3A_77 : i32
        %dma_start3A_79 = arith.constant 0 : i32
        %dma_start3A_80 = tpu.memref_slice %arg10[%add3A_78, %dma_start3A_79] : memref<40x128xi32, #tpu.memory_space<vmem>> -> memref<1x128xi32, #tpu.memory_space<vmem>>
        %dma_start3A_81 = tpu.memref_squeeze %dma_start3A_80 : memref<1x128xi32, #tpu.memory_space<vmem>> -> memref<128xi32, #tpu.memory_space<vmem>>
        %dma_start3A_82 = arith.constant 0 : i32
        %dma_start3A_83 = arith.constant 0 : i32
        %dma_start3A_84 = tpu.memref_slice %arg2[%dma_start3A_82, %dma_start3A_83] : memref<10112x128xf32, #tpu.memory_space<hbm>> -> memref<10112x128xf32, #tpu.memory_space<hbm>>
        tpu.enqueue_indirect_dma source(%dma_start3A_84 : memref<10112x128xf32, #tpu.memory_space<hbm>>) target(%arg9 : memref<128x128xf32, #tpu.memory_space<vmem>>) offsets(%dma_start3A_81 : memref<128xi32, #tpu.memory_space<vmem>>) semaphore(%arg13 : memref<!tpu.dma_semaphore, #tpu.memory_space<semaphore_mem>>)
      } else {
      }
    }
    %scan3A_40 = arith.constant 20 : i32
    %barrier3A_41 = arith.constant 0 : index
    tpu.barrier barrier_id(%barrier3A_41)
    %mul3A_42 = arith.constant 632 : i32
    %mul3A_43 = arith.muli %arg1, %mul3A_42 : i32
    %mul3A_44 = arith.constant 632 : i32
    %mul3A_45 = arith.muli %arg1, %mul3A_44 : i32
    "tpu.region"() ({
      %run_scoped3A = tpu.sem_alloc : memref<!tpu.dma_semaphore, #tpu.memory_space<semaphore_mem>>
      %dma_start3A_46 = arith.constant 0 : i32
      %dma_start3A_47 = tpu.memref_slice %arg6[%arg0, %mul3A_45, %dma_start3A_46] : memref<2x10112x128xf32, #tpu.memory_space<hbm>> -> memref<1x632x128xf32, #tpu.memory_space<hbm>>
      %dma_start3A_48 = tpu.memref_squeeze %dma_start3A_47 : memref<1x632x128xf32, #tpu.memory_space<hbm>> -> memref<632x128xf32, #tpu.memory_space<hbm>>
      %dma_start3A_49 = arith.constant 0 : i32
      %dma_start3A_50 = tpu.memref_slice %arg7[%mul3A_43, %dma_start3A_49] : memref<10112x128xf32, #tpu.memory_space<vmem_shared>> -> memref<632x128xf32, #tpu.memory_space<vmem_shared>>
      tpu.enqueue_dma source(%dma_start3A_50 : memref<632x128xf32, #tpu.memory_space<vmem_shared>>) target(%dma_start3A_48 : memref<632x128xf32, #tpu.memory_space<hbm>>) target_semaphore(%run_scoped3A : memref<!tpu.dma_semaphore, #tpu.memory_space<semaphore_mem>>)
      %dma_wait3A = arith.constant 0 : i32
      %dma_wait3A_51 = tpu.memref_slice %arg6[%arg0, %mul3A_45, %dma_wait3A] : memref<2x10112x128xf32, #tpu.memory_space<hbm>> -> memref<1x632x128xf32, #tpu.memory_space<hbm>>
      %dma_wait3A_52 = tpu.memref_squeeze %dma_wait3A_51 : memref<1x632x128xf32, #tpu.memory_space<hbm>> -> memref<632x128xf32, #tpu.memory_space<hbm>>
      %dma_wait3A_53 = arith.constant 0 : i32
      %dma_wait3A_54 = tpu.memref_slice %arg7[%mul3A_43, %dma_wait3A_53] : memref<10112x128xf32, #tpu.memory_space<vmem_shared>> -> memref<632x128xf32, #tpu.memory_space<vmem_shared>>
      tpu.wait_dma2 semaphore(%run_scoped3A : memref<!tpu.dma_semaphore, #tpu.memory_space<semaphore_mem>>) src(%dma_wait3A_54 : memref<632x128xf32, #tpu.memory_space<vmem_shared>>) dst(%dma_wait3A_52 : memref<632x128xf32, #tpu.memory_space<hbm>>)
      tpu.yield
    }) : () -> ()
    return
  }
}

#map = affine_map<(d0, d1) -> (0, 0)>
#map1 = affine_map<(d0, d1) -> (0)>
module attributes {stable_mosaic.version = 14 : i64} {
  func.func @_bgather_body(%arg0: i32, %arg1: i32, %arg2: memref<10112x128xf32, #tpu.memory_space<hbm>>, %arg3: memref<8192xi32, #tpu.memory_space<hbm>>, %arg4: memref<8192x128xf32, #tpu.memory_space<hbm>>, %arg5: memref<128xi32, #tpu.memory_space<vmem>>, %arg6: memref<128x128xf32, #tpu.memory_space<vmem>>) attributes {dimension_semantics = [#tpu.dimension_semantics<core_parallel>, #tpu.dimension_semantics<subcore_parallel>], iteration_bounds = array<i64: 2, 16>, scalar_prefetch = 0 : i64, scratch_operands = 2 : i64, tpu.core_type = #tpu.core_type<sc_vector_subcore>, window_params = [{transform_indices = #map}, {transform_indices = #map1}, {transform_indices = #map}]} {
    %mul3A = arith.constant 16 : i32
    %mul3A_0 = arith.muli %arg0, %mul3A : i32
    %add3A = arith.addi %mul3A_0, %arg1 : i32
    %scan3A = arith.constant 0 : i32
    %scan3A_1 = arith.constant 2 : i32
    %scan3A_2 = arith.addi %scan3A, %scan3A_1 : i32
    %scan3A_3 = arith.constant 1 : i32
    scf.for %scan3A_5 = %scan3A to %scan3A_2 step %scan3A_3  : i32 {
      %mul3A_6 = arith.constant 1 : i32
      %mul3A_7 = arith.muli %scan3A_5, %mul3A_6 : i32
      %add3A_8 = arith.constant 0 : i32
      %add3A_9 = arith.addi %add3A_8, %mul3A_7 : i32
      %mul3A_10 = arith.constant 256 : i32
      %mul3A_11 = arith.muli %add3A, %mul3A_10 : i32
      %mul3A_12 = arith.constant 128 : i32
      %mul3A_13 = arith.muli %add3A_9, %mul3A_12 : i32
      %add3A_14 = arith.addi %mul3A_11, %mul3A_13 : i32
      "tpu.region"() ({
        %run_scoped3A = tpu.sem_alloc : memref<!tpu.dma_semaphore, #tpu.memory_space<semaphore_mem>>
        %dma_start3A = tpu.memref_slice %arg3[%add3A_14] : memref<8192xi32, #tpu.memory_space<hbm>> -> memref<128xi32, #tpu.memory_space<hbm>>
        %dma_start3A_15 = tpu.memref_slice %arg3[%add3A_14] : memref<8192xi32, #tpu.memory_space<hbm>> -> memref<128xi32, #tpu.memory_space<hbm>>
        tpu.enqueue_dma source(%dma_start3A_15 : memref<128xi32, #tpu.memory_space<hbm>>) target(%arg5 : memref<128xi32, #tpu.memory_space<vmem>>) target_semaphore(%run_scoped3A : memref<!tpu.dma_semaphore, #tpu.memory_space<semaphore_mem>>)
        %dma_wait3A = tpu.memref_slice %arg3[%add3A_14] : memref<8192xi32, #tpu.memory_space<hbm>> -> memref<128xi32, #tpu.memory_space<hbm>>
        %dma_wait3A_16 = tpu.memref_slice %arg3[%add3A_14] : memref<8192xi32, #tpu.memory_space<hbm>> -> memref<128xi32, #tpu.memory_space<hbm>>
        tpu.wait_dma2 semaphore(%run_scoped3A : memref<!tpu.dma_semaphore, #tpu.memory_space<semaphore_mem>>) src(%dma_wait3A_16 : memref<128xi32, #tpu.memory_space<hbm>>) dst(%arg5 : memref<128xi32, #tpu.memory_space<vmem>>)
        tpu.yield
      }) : () -> ()
      "tpu.region"() ({
        %run_scoped3A = tpu.sem_alloc : memref<!tpu.dma_semaphore, #tpu.memory_space<semaphore_mem>>
        %dma_start3A = arith.constant 0 : i32
        %dma_start3A_15 = arith.constant 0 : i32
        %dma_start3A_16 = tpu.memref_slice %arg2[%dma_start3A, %dma_start3A_15] : memref<10112x128xf32, #tpu.memory_space<hbm>> -> memref<10112x128xf32, #tpu.memory_space<hbm>>
        tpu.enqueue_indirect_dma source(%dma_start3A_16 : memref<10112x128xf32, #tpu.memory_space<hbm>>) target(%arg6 : memref<128x128xf32, #tpu.memory_space<vmem>>) offsets(%arg5 : memref<128xi32, #tpu.memory_space<vmem>>) semaphore(%run_scoped3A : memref<!tpu.dma_semaphore, #tpu.memory_space<semaphore_mem>>)
        %dma_wait3A = arith.constant 0 : i32
        %dma_wait3A_17 = arith.constant 0 : i32
        %dma_wait3A_18 = tpu.memref_slice %arg2[%dma_wait3A, %dma_wait3A_17] : memref<10112x128xf32, #tpu.memory_space<hbm>> -> memref<10112x128xf32, #tpu.memory_space<hbm>>
        tpu.wait_indirect_dma semaphore(%run_scoped3A : memref<!tpu.dma_semaphore, #tpu.memory_space<semaphore_mem>>) src(%dma_wait3A_18 : memref<10112x128xf32, #tpu.memory_space<hbm>>) dst(%arg6 : memref<128x128xf32, #tpu.memory_space<vmem>>)
        tpu.yield
      }) : () -> ()
      "tpu.region"() ({
        %run_scoped3A = tpu.sem_alloc : memref<!tpu.dma_semaphore, #tpu.memory_space<semaphore_mem>>
        %dma_start3A = arith.constant 0 : i32
        %dma_start3A_15 = tpu.memref_slice %arg4[%add3A_14, %dma_start3A] : memref<8192x128xf32, #tpu.memory_space<hbm>> -> memref<128x128xf32, #tpu.memory_space<hbm>>
        %dma_start3A_16 = arith.constant 0 : i32
        %dma_start3A_17 = tpu.memref_slice %arg4[%add3A_14, %dma_start3A_16] : memref<8192x128xf32, #tpu.memory_space<hbm>> -> memref<128x128xf32, #tpu.memory_space<hbm>>
        tpu.enqueue_dma source(%arg6 : memref<128x128xf32, #tpu.memory_space<vmem>>) target(%dma_start3A_17 : memref<128x128xf32, #tpu.memory_space<hbm>>) target_semaphore(%run_scoped3A : memref<!tpu.dma_semaphore, #tpu.memory_space<semaphore_mem>>)
        %dma_wait3A = arith.constant 0 : i32
        %dma_wait3A_18 = tpu.memref_slice %arg4[%add3A_14, %dma_wait3A] : memref<8192x128xf32, #tpu.memory_space<hbm>> -> memref<128x128xf32, #tpu.memory_space<hbm>>
        %dma_wait3A_19 = arith.constant 0 : i32
        %dma_wait3A_20 = tpu.memref_slice %arg4[%add3A_14, %dma_wait3A_19] : memref<8192x128xf32, #tpu.memory_space<hbm>> -> memref<128x128xf32, #tpu.memory_space<hbm>>
        tpu.wait_dma2 semaphore(%run_scoped3A : memref<!tpu.dma_semaphore, #tpu.memory_space<semaphore_mem>>) src(%arg6 : memref<128x128xf32, #tpu.memory_space<vmem>>) dst(%dma_wait3A_20 : memref<128x128xf32, #tpu.memory_space<hbm>>)
        tpu.yield
      }) : () -> ()
    }
    %scan3A_4 = arith.constant 2 : i32
    return
  }
}

module attributes {stable_mosaic.version = 14 : i64} {
  func.func @_prep_kernel(%arg0: memref<32x10112xf32, #tpu.memory_space<vmem>>, %arg1: memref<10112x128xf32, #tpu.memory_space<vmem>>, %arg2: memref<10112x128xf32, #tpu.memory_space<vmem>>, %arg3: memref<10112x128xf32, #tpu.memory_space<vmem>>) attributes {dimension_semantics = [], scalar_prefetch = 0 : i64, scratch_operands = 0 : i64, tpu.core_type = #tpu.core_type<tc>} {
    %get3A = arith.constant 0 : index
    %get3A_0 = arith.constant 0 : index
    %get3A_1 = vector.load %arg0[%get3A, %get3A_0] : memref<32x10112xf32, #tpu.memory_space<vmem>>, vector<32x10112xf32>
    %reduce_sum3A = arith.constant dense<0.000000e+00> : vector<10112xf32>
    %reduce_sum3A_2 = vector.multi_reduction <add>, %get3A_1, %reduce_sum3A [0] : vector<32x10112xf32> to vector<10112xf32>
    %gt3A = arith.constant 0.000000e+00 : f32
    %gt3A_3 = vector.broadcast %gt3A : f32 to vector<10112xf32>
    %gt3A_4 = arith.cmpf ogt, %reduce_sum3A_2, %gt3A_3 : vector<10112xf32>
    %rsqrt3A = math.rsqrt %reduce_sum3A_2 : vector<10112xf32>
    %jit3A = arith.constant 0.000000e+00 : f32
    %broadcast_in_dim3A = vector.broadcast %jit3A : f32 to vector<10112xf32>
    %select_n3A = arith.select %gt3A_4, %rsqrt3A, %broadcast_in_dim3A : vector<10112xi1>, vector<10112xf32>
    %broadcast_in_dim3A_5 = vector.shape_cast %select_n3A : vector<10112xf32> to vector<10112x1xf32>
    %broadcast_in_dim3A_6 = vector.shape_cast %broadcast_in_dim3A_5 : vector<10112x1xf32> to vector<10112x1xf32>
    %broadcast_in_dim3A_7 = vector.broadcast %broadcast_in_dim3A_6 : vector<10112x1xf32> to vector<10112x128xf32>
    %swap3A = arith.constant 0 : index
    %swap3A_8 = arith.constant 0 : index
    %swap3A_9 = vector.load %arg2[%swap3A, %swap3A_8] : memref<10112x128xf32, #tpu.memory_space<vmem>>, vector<10112x128xf32>
    tpu.vector_store %arg2[%swap3A, %swap3A_8], %broadcast_in_dim3A_7 {strides = array<i32>} : memref<10112x128xf32, #tpu.memory_space<vmem>>, vector<10112x128xf32>,
    %get3A_10 = arith.constant 0 : index
    %get3A_11 = arith.constant 0 : index
    %get3A_12 = vector.load %arg1[%get3A_10, %get3A_11] : memref<10112x128xf32, #tpu.memory_space<vmem>>, vector<10112x128xf32>
    %mul3A = arith.mulf %get3A_12, %broadcast_in_dim3A_7 : vector<10112x128xf32>
    %swap3A_13 = arith.constant 0 : index
    %swap3A_14 = arith.constant 0 : index
    %swap3A_15 = vector.load %arg3[%swap3A_13, %swap3A_14] : memref<10112x128xf32, #tpu.memory_space<vmem>>, vector<10112x128xf32>
    tpu.vector_store %arg3[%swap3A_13, %swap3A_14], %mul3A {strides = array<i32>} : memref<10112x128xf32, #tpu.memory_space<vmem>>, vector<10112x128xf32>,
    return
  }
}

module attributes {stable_mosaic.version = 14 : i64} {
  func.func @_combine_kernel(%arg0: memref<2x10112x128xf32, #tpu.memory_space<vmem>>, %arg1: memref<10112x128xf32, #tpu.memory_space<vmem>>, %arg2: memref<10112x128xf32, #tpu.memory_space<vmem>>, %arg3: memref<10112x128xf32, #tpu.memory_space<vmem>>, %arg4: memref<10112x128xf32, #tpu.memory_space<vmem>>) attributes {dimension_semantics = [], scalar_prefetch = 0 : i64, scratch_operands = 0 : i64, tpu.core_type = #tpu.core_type<tc>} {
    %get3A = arith.constant 0 : index
    %get3A_0 = arith.constant 0 : index
    %get3A_1 = arith.constant 0 : index
    %get3A_2 = vector.load %arg0[%get3A, %get3A_0, %get3A_1] : memref<2x10112x128xf32, #tpu.memory_space<vmem>>, vector<1x10112x128xf32>
    %get3A_3 = vector.shape_cast %get3A_2 : vector<1x10112x128xf32> to vector<10112x128xf32>
    %get3A_4 = arith.constant 1 : index
    %get3A_5 = arith.constant 0 : index
    %get3A_6 = arith.constant 0 : index
    %get3A_7 = vector.load %arg0[%get3A_4, %get3A_5, %get3A_6] : memref<2x10112x128xf32, #tpu.memory_space<vmem>>, vector<1x10112x128xf32>
    %get3A_8 = vector.shape_cast %get3A_7 : vector<1x10112x128xf32> to vector<10112x128xf32>
    %add3A = arith.addf %get3A_3, %get3A_8 : vector<10112x128xf32>
    %get3A_9 = arith.constant 0 : index
    %get3A_10 = arith.constant 0 : index
    %get3A_11 = vector.load %arg1[%get3A_9, %get3A_10] : memref<10112x128xf32, #tpu.memory_space<vmem>>, vector<10112x128xf32>
    %mul3A = arith.mulf %get3A_11, %add3A : vector<10112x128xf32>
    %mul3A_12 = arith.mulf %get3A_11, %mul3A : vector<10112x128xf32>
    %swap3A = arith.constant 0 : index
    %swap3A_13 = arith.constant 0 : index
    %swap3A_14 = vector.load %arg3[%swap3A, %swap3A_13] : memref<10112x128xf32, #tpu.memory_space<vmem>>, vector<10112x128xf32>
    tpu.vector_store %arg3[%swap3A, %swap3A_13], %mul3A_12 {strides = array<i32>} : memref<10112x128xf32, #tpu.memory_space<vmem>>, vector<10112x128xf32>,
    %get3A_15 = arith.constant 0 : index
    %get3A_16 = arith.constant 0 : index
    %get3A_17 = vector.load %arg2[%get3A_15, %get3A_16] : memref<10112x128xf32, #tpu.memory_space<vmem>>, vector<10112x128xf32>
    %add3A_18 = arith.addf %get3A_17, %mul3A : vector<10112x128xf32>
    %swap3A_19 = arith.constant 0 : index
    %swap3A_20 = arith.constant 0 : index
    %swap3A_21 = vector.load %arg4[%swap3A_19, %swap3A_20] : memref<10112x128xf32, #tpu.memory_space<vmem>>, vector<10112x128xf32>
    tpu.vector_store %arg4[%swap3A_19, %swap3A_20], %add3A_18 {strides = array<i32>} : memref<10112x128xf32, #tpu.memory_space<vmem>>, vector<10112x128xf32>,
    return
  }
}

module attributes {stable_mosaic.version = 14 : i64} {
  func.func @_combine_kernel(%arg0: memref<2x10112x128xf32, #tpu.memory_space<vmem>>, %arg1: memref<10112x128xf32, #tpu.memory_space<vmem>>, %arg2: memref<10112x128xf32, #tpu.memory_space<vmem>>, %arg3: memref<10112x128xf32, #tpu.memory_space<vmem>>, %arg4: memref<10112x128xf32, #tpu.memory_space<vmem>>) attributes {dimension_semantics = [], scalar_prefetch = 0 : i64, scratch_operands = 0 : i64, tpu.core_type = #tpu.core_type<tc>} {
    %get3A = arith.constant 0 : index
    %get3A_0 = arith.constant 0 : index
    %get3A_1 = arith.constant 0 : index
    %get3A_2 = vector.load %arg0[%get3A, %get3A_0, %get3A_1] : memref<2x10112x128xf32, #tpu.memory_space<vmem>>, vector<1x10112x128xf32>
    %get3A_3 = vector.shape_cast %get3A_2 : vector<1x10112x128xf32> to vector<10112x128xf32>
    %get3A_4 = arith.constant 1 : index
    %get3A_5 = arith.constant 0 : index
    %get3A_6 = arith.constant 0 : index
    %get3A_7 = vector.load %arg0[%get3A_4, %get3A_5, %get3A_6] : memref<2x10112x128xf32, #tpu.memory_space<vmem>>, vector<1x10112x128xf32>
    %get3A_8 = vector.shape_cast %get3A_7 : vector<1x10112x128xf32> to vector<10112x128xf32>
    %add3A = arith.addf %get3A_3, %get3A_8 : vector<10112x128xf32>
    %get3A_9 = arith.constant 0 : index
    %get3A_10 = arith.constant 0 : index
    %get3A_11 = vector.load %arg1[%get3A_9, %get3A_10] : memref<10112x128xf32, #tpu.memory_space<vmem>>, vector<10112x128xf32>
    %mul3A = arith.mulf %get3A_11, %add3A : vector<10112x128xf32>
    %mul3A_12 = arith.mulf %get3A_11, %mul3A : vector<10112x128xf32>
    %swap3A = arith.constant 0 : index
    %swap3A_13 = arith.constant 0 : index
    %swap3A_14 = vector.load %arg3[%swap3A, %swap3A_13] : memref<10112x128xf32, #tpu.memory_space<vmem>>, vector<10112x128xf32>
    tpu.vector_store %arg3[%swap3A, %swap3A_13], %mul3A_12 {strides = array<i32>} : memref<10112x128xf32, #tpu.memory_space<vmem>>, vector<10112x128xf32>,
    %get3A_15 = arith.constant 0 : index
    %get3A_16 = arith.constant 0 : index
    %get3A_17 = vector.load %arg2[%get3A_15, %get3A_16] : memref<10112x128xf32, #tpu.memory_space<vmem>>, vector<10112x128xf32>
    %add3A_18 = arith.addf %get3A_17, %mul3A : vector<10112x128xf32>
    %swap3A_19 = arith.constant 0 : index
    %swap3A_20 = arith.constant 0 : index
    %swap3A_21 = vector.load %arg4[%swap3A_19, %swap3A_20] : memref<10112x128xf32, #tpu.memory_space<vmem>>, vector<10112x128xf32>
    tpu.vector_store %arg4[%swap3A_19, %swap3A_20], %add3A_18 {strides = array<i32>} : memref<10112x128xf32, #tpu.memory_space<vmem>>, vector<10112x128xf32>,
    return
  }
}

module attributes {stable_mosaic.version = 14 : i64} {
  func.func @_dot_kernel(%arg0: memref<8192x128xf32, #tpu.memory_space<vmem>>, %arg1: memref<32x128xf32, #tpu.memory_space<vmem>>) attributes {dimension_semantics = [], scalar_prefetch = 0 : i64, scratch_operands = 0 : i64, tpu.core_type = #tpu.core_type<tc>} {
    %get3A = arith.constant 0 : index
    %get3A_0 = arith.constant 0 : index
    %get3A_1 = vector.load %arg0[%get3A, %get3A_0] : memref<8192x128xf32, #tpu.memory_space<vmem>>, vector<4096x128xf32>
    %get3A_2 = arith.constant 4096 : index
    %get3A_3 = arith.constant 0 : index
    %get3A_4 = vector.load %arg0[%get3A_2, %get3A_3] : memref<8192x128xf32, #tpu.memory_space<vmem>>, vector<4096x128xf32>
    %mul3A = arith.mulf %get3A_1, %get3A_4 : vector<4096x128xf32>
    %reduce_sum3A = arith.constant dense<0.000000e+00> : vector<4096xf32>
    %reduce_sum3A_5 = vector.multi_reduction <add>, %mul3A, %reduce_sum3A [1] : vector<4096x128xf32> to vector<4096xf32>
    %mul3A_6 = arith.constant 6.250000e-02 : f32
    %mul3A_7 = vector.broadcast %mul3A_6 : f32 to vector<4096xf32>
    %mul3A_8 = arith.mulf %reduce_sum3A_5, %mul3A_7 : vector<4096xf32>
    %reshape3A = vector.shape_cast %mul3A_8 : vector<4096xf32> to vector<32x128xf32>
    %swap3A = arith.constant 0 : index
    %swap3A_9 = arith.constant 0 : index
    %swap3A_10 = vector.load %arg1[%swap3A, %swap3A_9] : memref<32x128xf32, #tpu.memory_space<vmem>>, vector<32x128xf32>
    tpu.vector_store %arg1[%swap3A, %swap3A_9], %reshape3A {strides = array<i32>} : memref<32x128xf32, #tpu.memory_space<vmem>>, vector<32x128xf32>,
    return
  }
}

</mosaic_0001>

<sc_bundles>
// kernel: kernel.12.cloned.1.call-start
scs
__scs_entry_jumppad:
0x0: {  	(pc) =	sbr.rel $0x88, $3  }
0x1: {  	(tag) =	ssettag $0x0;
	lr =	simm.s32 $0x1  }
0x2: {  	[smem:$0x3F9C] =	sst lr;
	_ =	strace $0xD0000000  }
0x3: {  	_ = 	snop  }
0x4: {  	_ = 	snop  }
0x5: {  	_ = 	snop  }
0x6: {  	_ = 	snop  }
0x7: {  	_ = 	snop  }
__scs_overlays_trampoline_lowered:
0x8: {  	[smem:$0x3FAB] =	sst s0  }
0x9: {  	[smem:$0x3FAC] =	sst s1  }
0xa: {  	[smem:$0x3FAD] =	sst s2  }
0xb: {  	[smem:$0x3FAE] =	sst s3  }
0xc: {  	[smem:$0x3FAF] =	sst s4  }
0xd: {  	[smem:$0x3FB0] =	sst s5  }
0xe: {  	[smem:$0x3FB1] =	sst s6  }
0xf: {  	[smem:$0x3FB2] =	sst s7  }
0x10: {  	[smem:$0x3FB3] =	sst s8  }
0x11: {  	[smem:$0x3FB4] =	sst s9;
	s0 =	simm.s32 @!p0 $0x0  }
0x12: {  	s1 =	sld [smem:$0x3F9A];
	s0 =	simm.s32 @p0 $0x1  }
0x13: {  	[smem:$0x3FB5] =	sst s0;
	s0 =	simm.s32 @!p1 $0x0  }
0x14: {  	s2 =	sld [smem:$0x3F99];
	s0 =	simm.s32 @p1 $0x1  }
0x15: {  	[smem:$0x3FB6] =	sst s0;
	s0 =	simm.s32 @!p2 $0x0  }
0x16: {  	s3 =	sld [smem:$0x3FDB];
	s0 =	simm.s32 @p2 $0x1  }
0x17: {  	s4 =	simm.s32 $0x1BF5;
	[smem:$0x3FB8] =	sst s0  }
0x18: {  	s0 =	sld [smem:$0x3F9B];
	_ =	swait.ge [sflag:s4], $0x0  }
0x19: {  	s7 =	sld [smem:$0x3F9C]  }
0x1a: {  	s8 =	sadd.s32 $0xFFFFE003, lr  }
0x1b: {  	s9 =	sadd.s32 $0xFFFFFEF7, lr;
	s5 =	simm.s32 $0xFFFFFFFF;
	p2 =	slt.u32 s8, $0xFFFFF086  }
0x1c: {  	p1 =	slt.u32 s9, $0xF7A;
	s5 =	simm.s32 @!p2 $0x0  }
0x1d: {  	s5 =	simm.s32 @p1 $0x1;
	p0 =	seq.s32 s7, s2  }
0x1e: {  	s7 =	smul.u32 @!p0 $0xF7A, s2;
	p2 =	seq.s32 @!p0 s5, $0x0  }
0x1f: {  	s9 =	smul.u32 $0xF7A, s1;
	s8 =	simm.s32 @!p0 $0x1BF5;
	p2 =	por !p2, p0  }
0x20: {  	[sflag:s8] =	ssyncset.s32 @!p0 $0xFFFFF086;
	s6 =	sadd.s32 @!p0 s3, s7;
	s7 =	simm.s32 @!p0 $0x108  }
0x21: {  	s3 =	sadd.s32 s3, s9;
	s6 =	sadd.s32 @!p0 $0x88, s6;
	s7 =	simm.s32 @p2 $0x1082  }
0x22: {  	[simem:s7], [sflag:s8] =	dma.local @!p0 [hbm:s6], $0xF7A  }
0x23: {  	s9 =	sor.u32 $0xD0000000, s2;
	s6 =	simm.s32 $0x108;
	_ =	swait.ge @!p0 [sflag:s8], $0x0  }
0x24: {  	s3 =	sadd.s32 $0x88, s3;
	s6 =	simm.s32 @!p1 $0x1082;
	[sflag:s4] =	ssyncset.s32 $0xFFFFF086  }
0x25: {  	[simem:s6], [sflag:s4] =	dma.local [hbm:s3], $0xF7A  }
0x26: {  	[smem:$0x3F9C] =	sst s1;
	(tag) =	ssettag s2;
	_ =	strace s9  }
0x27: {  	s1 =	sld [smem:$0x3FAC]  }
0x28: {  	s2 =	sld [smem:$0x3FAD]  }
0x29: {  	s4 =	sld [smem:$0x3FAF]  }
0x2a: {  	p0 =	seq.s32 s5, $0x0;
	s5 =	sld [smem:$0x3FB0]  }
0x2b: {  	s6 =	sld [smem:$0x3FB1]  }
0x2c: {  	s7 =	sld [smem:$0x3FB2]  }
0x2d: {  	s3 =	simm.s32 $0x108;
	s8 =	sld [smem:$0x3FB3]  }
0x2e: {  	s3 =	simm.s32 @!p0 $0x1082;
	s9 =	sld [smem:$0x3FB4]  }
0x2f: {  	lr =	sadd.s32 s0, s3;
	s0 =	sld [smem:$0x3FAB]  }
0x30: {  	s3 =	sld [smem:$0x3FAE]  }
0x31: {  	[smem:$0x3FB7] =	sst s10  }
0x32: {  	s10 =	sld [smem:$0x3FB5];
	_ =	sdelay $0x3  }
0x33: {  	p0 =	seq.s32 s10, $0x1;
	s10 =	sld [smem:$0x3FB7];
	_ =	sdelay $0x3  }
0x34: {  	[smem:$0x3FB7] =	sst s10  }
0x35: {  	s10 =	sld [smem:$0x3FB6];
	_ =	sdelay $0x3  }
0x36: {  	p1 =	seq.s32 s10, $0x1;
	s10 =	sld [smem:$0x3FB7];
	_ =	sdelay $0x3  }
0x37: {  	[smem:$0x3FB7] =	sst s10  }
0x38: {  	s10 =	sld [smem:$0x3FB8]  }
0x39: {  	_ = 	snop;
	(pc) =	sbr.ind lr, $3  }
0x3a: {  	_ = 	snop  }
0x3b: {  	_ = 	snop  }
0x3c: {  	p2 =	seq.s32 s10, $0x1;
	s10 =	sld [smem:$0x3FB7]  }
0x3d: {  	_ =	shalt  }
0x3e: {  	_ =	shalt  }
0x3f: {  	_ =	shalt  }
0x40: {  	_ =	shalt  }
0x41: {  	_ =	shalt  }
0x42: {  	_ =	shalt  }
0x43: {  	_ =	shalt  }
0x44: {  	_ =	shalt  }
0x45: {  	_ =	shalt  }
0x46: {  	_ =	shalt  }
0x47: {  	_ =	shalt  }
0x48: {  	_ =	shalt  }
0x49: {  	_ =	shalt  }
0x4a: {  	_ =	shalt  }
0x4b: {  	_ =	shalt  }
0x4c: {  	_ =	shalt  }
0x4d: {  	_ =	shalt  }
0x4e: {  	_ =	shalt  }
0x4f: {  	_ =	shalt  }
0x50: {  	_ =	shalt  }
0x51: {  	_ =	shalt  }
0x52: {  	_ =	shalt  }
0x53: {  	_ =	shalt  }
0x54: {  	_ =	shalt  }
0x55: {  	_ =	shalt  }
0x56: {  	_ =	shalt  }
0x57: {  	_ =	shalt  }
0x58: {  	_ =	shalt  }
0x59: {  	_ =	shalt  }
0x5a: {  	_ =	shalt  }
0x5b: {  	_ =	shalt  }
0x5c: {  	_ =	shalt  }
0x5d: {  	_ =	shalt  }
0x5e: {  	_ =	shalt  }
0x5f: {  	_ =	shalt  }
0x60: {  	_ =	shalt  }
0x61: {  	_ =	shalt  }
0x62: {  	_ =	shalt  }
0x63: {  	_ =	shalt  }
0x64: {  	_ =	shalt  }
0x65: {  	_ =	shalt  }
0x66: {  	_ =	shalt  }
0x67: {  	_ =	shalt  }
0x68: {  	_ =	shalt  }
0x69: {  	_ =	shalt  }
0x6a: {  	_ =	shalt  }
0x6b: {  	_ =	shalt  }
0x6c: {  	_ =	shalt  }
0x6d: {  	_ =	shalt  }
0x6e: {  	_ =	shalt  }
0x6f: {  	_ =	shalt  }
0x70: {  	_ =	shalt  }
0x71: {  	_ =	shalt  }
0x72: {  	_ =	shalt  }
0x73: {  	_ =	shalt  }
0x74: {  	_ =	shalt  }
0x75: {  	_ =	shalt  }
0x76: {  	_ =	shalt  }
0x77: {  	_ =	shalt  }
0x78: {  	_ =	shalt  }
0x79: {  	_ =	shalt  }
0x7a: {  	_ =	shalt  }
0x7b: {  	_ =	shalt  }
0x7c: {  	_ =	shalt  }
0x7d: {  	_ =	shalt  }
0x7e: {  	_ =	shalt  }
0x7f: {  	_ =	shalt  }
0x80: {  	_ =	shalt  }
0x81: {  	_ =	shalt  }
0x82: {  	_ =	shalt  }
0x83: {  	_ =	shalt  }
0x84: {  	_ =	shalt  }
0x85: {  	_ =	shalt  }
0x86: {  	_ =	shalt  }
0x87: {  	_ =	shalt  }
.Lfunc_end0:
.L_simem_size_0:
called_computation_lowered:
.L_overlay_start_0:
0x88: {  	s2 =	sld [smem:$0x3FD9]  }
0x89: {  	s3 =	sld [smem:$0x3FFE];
	_ =	sdelay $0x1  }
0x8a: {  	s1 =	srdreg.scid  }
0x8b: {  	s0 =	sand.u32 $0x1, s1  }
0x8c: {  	s16 =	sshll.u32 s0, $0xA;
	s2 =	sadd.s32 s3, s2  }
0x8d: {  	s2 =	sadd.s32 s2, s16  }
0x8e: {  	[smem:$0x3FC3] =	sst s2  }
0x8f: {  	_ = 	snop  }
0x90: {  	(tm) =	ssettm $0x1  }
0x91: {  	s17 =	sld [smem:$0x3FFB];
	_ =	sdelay $0x3  }
0x92: {  	_ =	strace s17  }
0x93: {  	s2 =	sld [smem:$0x3FFC];
	_ =	sdelay $0x3  }
0x94: {  	_ =	strace s2  }
0x95: {  	s2 =	sld [smem:$0x3FFD];
	_ =	sdelay $0x3  }
0x96: {  	_ =	strace s2  }
0x97: {  	_ =	strace $0x8FFFFFFF  }
0x98: {  	s18 =	sld [smem:$0x3FDB];
	_ =	sdelay $0x1  }
0x99: {  	s19 =	simm.s32 $_scs_section_size  }
0x9a: {  	s4 =	simm.s32 $_size__tile_overlayer_lowered;
	s5 =	simm.s32 $_tile_overlayer_lowered  }
0x9b: {  	s22 =	simm.s32 $0x1BFF;
	s21 =	sshll.u32 s5, $0x1;
	s2 =	sadd.s32 s19, s18  }
0x9c: {  	s6 =	simm.s32 $0x0;
	s20 =	sshll.u32 s4, $0x1;
	s4 =	sadd.s32 s21, s2  }
0x9d: {  	[timem:s6], [sflag:s22] =	dma.local [hbm:s4], s20  }
0x9e: {  	_ =	swait.ge [sflag:s22], s20  }
0x9f: {  	s3 =	ssub.s32 $0x0, s20;
	[sflag:s22] =	ssyncset.done $0x0  }
0xa0: {  	[sflag:s22] =	ssyncadd.s32 s3;
	_ =	sdelay $0x1  }
0xa1: {  	s23 =	simm.s32 $0x1B8B  }
0xa2: {  	_ =	swait.ge [sflag:s23], $0x1  }
0xa3: {  	[sflag:s23] =	ssyncset.done $0x0  }
0xa4: {  	s25 =	simm.s32 $0x1B8E;
	s24 =	sld [smem:$0x3FFE];
	[sflag:s23] =	ssyncadd.s32 $0xFFFFFFFF  }
0xa5: {  	s26 =	simm.s32 $execute0_lowered;
	[smem:$0x3FD2] =	sst s25  }
0xa6: {  	s4 =	sshll.u32 s26, $0x1;
	_ =	strace $0x80000046;
	[dreg:$0x1] =	wrdreg $0xFFFFFFFF  }
0xa7: {  	s28 =	simm.s32 $_size_execute0_lowered;
	s2 =	sadd.s32 s2, s4;
	[dreg:$0x0] =	wrdreg $0x0  }
0xa8: {  	s4 =	sshll.u32 s28, $0x1;
	[dreg:$0x2] =	wrdreg s2  }
0xa9: {  	[dreg:$0x3] =	wrdreg s4  }
0xaa: {  	[dreg:$0x4] =	wrdreg $0xC0  }
0xab: {  	_ =	task [dreg:s6], $0x5FFFF  }
0xac: {  	[dreg:$0x1] =	wrdreg $0xFFFFFFFF  }
0xad: {  	[dreg:$0x0] =	wrdreg $0x60  }
0xae: {  	[dreg:$0x2] =	wrdreg s24  }
0xaf: {  	[dreg:$0x3] =	wrdreg $0x9  }
0xb0: {  	_ =	task.clear_ibuf [dreg:s6], $0x4FFFF;
	_ =	strace $0x90000046  }
0xb1: {  	s29 =	simm.s32 $0x9;
	_ =	strace $0x80000048  }
0xb2: {  	_ =	swait.ge [sflag:s29], $0x1  }
0xb3: {  	[sflag:s29] =	ssyncadd.s32 $0xFFFFFFFF  }
0xb4: {  	_ =	strace $0x90000048  }
0xb5: {  	_ =	sfence  }
0xb6: {  	s30 =	sld [smem:$0x0];
	_ =	sdelay $0x2  }
0xb7: {  	s31 =	sshll.u32 s1, $0xD;
	s1 =	sshrl.u32 s1, $0x2  }
0xb8: {  	s3 =	sand.u32 $0x4000, s31;
	s1 =	sadd.s32 s1, s30  }
0xb9: {  	s0 =	sor.u32 s3, s0;
	s1 =	sshll.u32 s1, $0x11  }
0xba: {  	s0 =	sor.u32 s1, s0  }
0xbb: {  	s0 =	sadd.s32 $0x8F2B, s0  }
0xbc: {  	[sflag:s0] =	ssyncadd.remote.s32 $0x1  }
0xbd: {  	_ =	sfence.sel $0xFFFF  }
0xbe: {  	[dreg:$0x0] =	wrdreg $0xFFFFFFFF;
	(pc) =	sbr.abs _section_cstart, $3  }
0xbf: {  	[dreg:$0x1] =	wrdreg $0xFFFFFFFF  }
0xc0: {  	_ =	task.clear_ibuf [dreg:s6], $0x2FFFF;
	_ =	strace $0x9FFFFFFF  }
0xc1: {  	(tm) =	ssettm $0x7FFFFFFF  }
tec
execute0_lowered:
.L_overlay_start_1:
0x0: {  	(tag) =	ssettag $0x1  }
0x1: {  	s0 =	srdreg.scid  }
0x2: {  	s5 =	rddreg [dreg:$0x0];
	s3 =	sand.u32 $0x1, s0  }
0x3: {  	s2 =	simm.s32 $0x0;
	s0 =	stileid.u32;
	s1 =	sshll.u32 s3, $0x4  }
0x4: {  	s8 =	simm.s32 $0x80;
	s9 =	simm.s32 $0x400;
	s4 =	sor.u32 s0, s1  }
0x5: {  	s10 =	simm.s32 $0x0;
	[smem:$0x7FF] =	sst s2;
	s1 =	sshrl.u32 s4, $0x3  }
0x6: {  	s7 =	sshll.u32 s0, $0x7;
	s3 =	ssub.s32 $0x2, s3;
	s6 =	smul.u32 $0x13C00, s1  }
0x7: {  	s7 =	sand.u32 $0x380, s7;
	s31 =	sshrl.u32 s3, $0x1;
	s4 =	smul.u32 $0x500, s4  }
0x8: {  	s1 =	rddreg [dreg:$0x1];
	_ =	strace $0x80000047;
	s6 =	sor.u32 s7, s6  }
0x9: {  	s4 =	sadd.s32 s4, s5;
	s7 =	simm.s32 $0x1;
	s6 =	sshrl.u32 s6, $0x3  }
0xa: {  	s5 =	sadd.s32 s6, s5;
	s6 =	ssub.s32 s3, s31;
	s3 =	sadd.s32 $0xCA00, s4  }
0xb: {  	v0 =	vimm.f32 $0.0e+00;
	v1 =	vimm.f32 $1.000000000e+00;
	s4 =	sadd.s32 $0x16A00, s5;
	s5 =	smax.u32 s6, $0x1;
	s6 =	simm.s32 $0x2780  }
.LBB2_1:
0xc: {  	s11 =	simm.s32 $0x40;
	s12 =	simm.s32 $0x0  }
.LBB2_2:
0xd: {  	p0 =	sne.s32 s11, $0x9DC0;
	[tilespmem:s12+$0x0] =	vst v0;
	s12 =	smov.u32 s11;
	s11 =	sadd.s32 $0x40, s11  }
.Ltmp0:
0xe: {  	(pc) =	sbr.rel @p0 .LBB2_2-.Ltmp0, $2  }
0xf: {  	_ =	sdelay $0x2  }
0x10: {  	s12 =	sshra.s32 s12, $0x2  }
0x11: {  	[tilespmem:s12+$0x0] =	vst v0  }
0x12: {  	[tilespmem:s6], [sflag:$0x1] =	stream.linear.gather [hbm4b:s3+s2], $0x2800, $0x38;
	[tilespmem:$0x4F80] =	vst v63  }
0x13: {  	_ =	swait.ge [sflag:s7], $0x2800  }
0x14: {  	[sflag:s7] =	ssyncset.done $0x0  }
0x15: {  	s11 =	simm.s32 $0x1C0;
	[sflag:s7] =	ssyncadd.s32 $0xFFFFD800  }
.LBB2_4:
0x16: {  	s12 =	sshra.s32 s11, $0x2  }
0x17: {  	v2 =	vld [tilespmem:s12+$0x2710];
	_ =	sdelay $0x7  }
0x18: {  	[tilespmem:v2+s2+$0x0] =	vst.idx.add.f32.msk $0xffff, v1  }
0x19: {  	v2 =	vld [tilespmem:s12+$0x2720];
	_ =	sdelay $0x7  }
0x1a: {  	[tilespmem:v2+s2+$0x0] =	vst.idx.add.f32.msk $0xffff, v1  }
0x1b: {  	v2 =	vld [tilespmem:s12+$0x2730];
	_ =	sdelay $0x7  }
0x1c: {  	[tilespmem:v2+s2+$0x0] =	vst.idx.add.f32.msk $0xffff, v1  }
0x1d: {  	v2 =	vld [tilespmem:s12+$0x2740];
	_ =	sdelay $0x7  }
0x1e: {  	[tilespmem:v2+s2+$0x0] =	vst.idx.add.f32.msk $0xffff, v1  }
0x1f: {  	v2 =	vld [tilespmem:s12+$0x2750];
	_ =	sdelay $0x7  }
0x20: {  	[tilespmem:v2+s2+$0x0] =	vst.idx.add.f32.msk $0xffff, v1  }
0x21: {  	v2 =	vld [tilespmem:s12+$0x2760];
	_ =	sdelay $0x7  }
0x22: {  	[tilespmem:v2+s2+$0x0] =	vst.idx.add.f32.msk $0xffff, v1  }
0x23: {  	v2 =	vld [tilespmem:s12+$0x2770];
	_ =	sdelay $0x7  }
0x24: {  	[tilespmem:v2+s2+$0x0] =	vst.idx.add.f32.msk $0xffff, v1  }
0x25: {  	v2 =	vld [tilespmem:s12+$0x2780];
	_ =	sdelay $0x2  }
0x26: {  	p0 =	sne.s32 s11, $0x9FC0  }
.Ltmp1:
0x27: {  	_ = 	snop;
	(pc) =	sbr.rel @p0 .LBB2_4-.Ltmp1, $2  }
0x28: {  	_ =	sdelay $0x2  }
0x29: {  	s11 =	sadd.s32 $0x200, s11;
	[tilespmem:v2+s2+$0x0] =	vst.idx.add.f32.msk $0xffff, v1  }
0x2a: {  	s10 =	sadd.s32 $0x1, s10  }
0x2b: {  	p0 =	sne.s32 s10, s5  }
.Ltmp2:
0x2c: {  	_ = 	snop;
	(pc) =	sbr.rel @p0 .LBB2_1-.Ltmp2, $4  }
0x2d: {  	[hbm4b:s4+s8] =	stream.strided.scatter [tilespmem:s2], [sflag:$0x1], $0x2780, s9, s8, $0x38;
	[tilespmem:$0x4F80] =	vst v63  }
0x2e: {  	_ =	swait.ge [sflag:s7], $0x2780  }
0x2f: {  	[sflag:s7] =	ssyncset.done $0x0  }
0x30: {  	[sflag:s7] =	ssyncadd.s32 $0xFFFFD880  }
0x31: {  	_ =	sfence.sel $0x180000  }
0x32: {  	[bflag:$0x0] =	sbarrier.arrive $0xFFFF  }
0x33: {  	p0 =	sne.s32 s0, $0x0;
	_ =	strace $0x90000047  }
0x34: {  	s0 =	sadd.s32 @!p0 $0x100000, s1;
	[bflag:$0x2] =	sbarrier.arrive $0xFFFF  }
0x35: {  	[sflag:s0] =	ssyncadd.tile.s32 @!p0 $0x1;
	_ =	shalt  }
.Lfunc_end2:
_tile_overlayer_lowered:
.L_overlay_start_2:
0x36: {  	(tag) =	ssettag $0x2  }
0x37: {  	s0 =	rddreg [dreg:$0x0];
	s2 =	stileid.u32  }
0x38: {  	s1 =	rddreg [dreg:$0x1];
	p0 =	sne.s32 s2, $0x0  }
0x39: {  	s3 =	rddreg [dreg:$0x2];
	[bflag:$0x3] =	sbarrier.arrive $0xFFFF;
	s2 =	simm.s32 @!p0 $0x1C01  }
0x3a: {  	[timem:s3], [sflag:s2] =	dma.local @!p0 [hbm:s0], s1  }
0x3b: {  	s0 =	simm.s32 @!p0 $0x1  }
0x3c: {  	_ =	swait.ge @!p0 [sflag:s0], s1  }
0x3d: {  	s1 =	ssub.s32 @!p0 $0x0, s1;
	[sflag:s0] =	ssyncset.done @!p0 $0x0  }
0x3e: {  	[sflag:s0] =	ssyncadd.s32 @!p0 s1  }
0x3f: {  	[bflag:$0x3] =	sbarrier.arrive $0xFFFF  }
0x40: {  	_ =	shalt  }

// kernel: kernel.15.cloned.1.call-start
scs
__scs_entry_jumppad:
0x0: {  	(pc) =	sbr.rel $0x88, $3  }
0x1: {  	(tag) =	ssettag $0x0;
	lr =	simm.s32 $0x1  }
0x2: {  	[smem:$0x3F9C] =	sst lr;
	_ =	strace $0xD0000000  }
0x3: {  	_ = 	snop  }
0x4: {  	_ = 	snop  }
0x5: {  	_ = 	snop  }
0x6: {  	_ = 	snop  }
0x7: {  	_ = 	snop  }
__scs_overlays_trampoline_lowered:
0x8: {  	[smem:$0x3FAB] =	sst s0  }
0x9: {  	[smem:$0x3FAC] =	sst s1  }
0xa: {  	[smem:$0x3FAD] =	sst s2  }
0xb: {  	[smem:$0x3FAE] =	sst s3  }
0xc: {  	[smem:$0x3FAF] =	sst s4  }
0xd: {  	[smem:$0x3FB0] =	sst s5  }
0xe: {  	[smem:$0x3FB1] =	sst s6  }
0xf: {  	[smem:$0x3FB2] =	sst s7  }
0x10: {  	[smem:$0x3FB3] =	sst s8  }
0x11: {  	[smem:$0x3FB4] =	sst s9;
	s0 =	simm.s32 @!p0 $0x0  }
0x12: {  	s1 =	sld [smem:$0x3F9A];
	s0 =	simm.s32 @p0 $0x1  }
0x13: {  	[smem:$0x3FB5] =	sst s0;
	s0 =	simm.s32 @!p1 $0x0  }
0x14: {  	s2 =	sld [smem:$0x3F99];
	s0 =	simm.s32 @p1 $0x1  }
0x15: {  	[smem:$0x3FB6] =	sst s0;
	s0 =	simm.s32 @!p2 $0x0  }
0x16: {  	s3 =	sld [smem:$0x3FDB];
	s0 =	simm.s32 @p2 $0x1  }
0x17: {  	s4 =	simm.s32 $0x1BF5;
	[smem:$0x3FB8] =	sst s0  }
0x18: {  	s0 =	sld [smem:$0x3F9B];
	_ =	swait.ge [sflag:s4], $0x0  }
0x19: {  	s7 =	sld [smem:$0x3F9C]  }
0x1a: {  	s8 =	sadd.s32 $0xFFFFE003, lr  }
0x1b: {  	s9 =	sadd.s32 $0xFFFFFEF7, lr;
	s5 =	simm.s32 $0xFFFFFFFF;
	p2 =	slt.u32 s8, $0xFFFFF086  }
0x1c: {  	p1 =	slt.u32 s9, $0xF7A;
	s5 =	simm.s32 @!p2 $0x0  }
0x1d: {  	s5 =	simm.s32 @p1 $0x1;
	p0 =	seq.s32 s7, s2  }
0x1e: {  	s7 =	smul.u32 @!p0 $0xF7A, s2;
	p2 =	seq.s32 @!p0 s5, $0x0  }
0x1f: {  	s9 =	smul.u32 $0xF7A, s1;
	s8 =	simm.s32 @!p0 $0x1BF5;
	p2 =	por !p2, p0  }
0x20: {  	[sflag:s8] =	ssyncset.s32 @!p0 $0xFFFFF086;
	s6 =	sadd.s32 @!p0 s3, s7;
	s7 =	simm.s32 @!p0 $0x108  }
0x21: {  	s3 =	sadd.s32 s3, s9;
	s6 =	sadd.s32 @!p0 $0x88, s6;
	s7 =	simm.s32 @p2 $0x1082  }
0x22: {  	[simem:s7], [sflag:s8] =	dma.local @!p0 [hbm:s6], $0xF7A  }
0x23: {  	s9 =	sor.u32 $0xD0000000, s2;
	s6 =	simm.s32 $0x108;
	_ =	swait.ge @!p0 [sflag:s8], $0x0  }
0x24: {  	s3 =	sadd.s32 $0x88, s3;
	s6 =	simm.s32 @!p1 $0x1082;
	[sflag:s4] =	ssyncset.s32 $0xFFFFF086  }
0x25: {  	[simem:s6], [sflag:s4] =	dma.local [hbm:s3], $0xF7A  }
0x26: {  	[smem:$0x3F9C] =	sst s1;
	(tag) =	ssettag s2;
	_ =	strace s9  }
0x27: {  	s1 =	sld [smem:$0x3FAC]  }
0x28: {  	s2 =	sld [smem:$0x3FAD]  }
0x29: {  	s4 =	sld [smem:$0x3FAF]  }
0x2a: {  	p0 =	seq.s32 s5, $0x0;
	s5 =	sld [smem:$0x3FB0]  }
0x2b: {  	s6 =	sld [smem:$0x3FB1]  }
0x2c: {  	s7 =	sld [smem:$0x3FB2]  }
0x2d: {  	s3 =	simm.s32 $0x108;
	s8 =	sld [smem:$0x3FB3]  }
0x2e: {  	s3 =	simm.s32 @!p0 $0x1082;
	s9 =	sld [smem:$0x3FB4]  }
0x2f: {  	lr =	sadd.s32 s0, s3;
	s0 =	sld [smem:$0x3FAB]  }
0x30: {  	s3 =	sld [smem:$0x3FAE]  }
0x31: {  	[smem:$0x3FB7] =	sst s10  }
0x32: {  	s10 =	sld [smem:$0x3FB5];
	_ =	sdelay $0x3  }
0x33: {  	p0 =	seq.s32 s10, $0x1;
	s10 =	sld [smem:$0x3FB7];
	_ =	sdelay $0x3  }
0x34: {  	[smem:$0x3FB7] =	sst s10  }
0x35: {  	s10 =	sld [smem:$0x3FB6];
	_ =	sdelay $0x3  }
0x36: {  	p1 =	seq.s32 s10, $0x1;
	s10 =	sld [smem:$0x3FB7];
	_ =	sdelay $0x3  }
0x37: {  	[smem:$0x3FB7] =	sst s10  }
0x38: {  	s10 =	sld [smem:$0x3FB8]  }
0x39: {  	_ = 	snop;
	(pc) =	sbr.ind lr, $3  }
0x3a: {  	_ = 	snop  }
0x3b: {  	_ = 	snop  }
0x3c: {  	p2 =	seq.s32 s10, $0x1;
	s10 =	sld [smem:$0x3FB7]  }
0x3d: {  	_ =	shalt  }
0x3e: {  	_ =	shalt  }
0x3f: {  	_ =	shalt  }
0x40: {  	_ =	shalt  }
0x41: {  	_ =	shalt  }
0x42: {  	_ =	shalt  }
0x43: {  	_ =	shalt  }
0x44: {  	_ =	shalt  }
0x45: {  	_ =	shalt  }
0x46: {  	_ =	shalt  }
0x47: {  	_ =	shalt  }
0x48: {  	_ =	shalt  }
0x49: {  	_ =	shalt  }
0x4a: {  	_ =	shalt  }
0x4b: {  	_ =	shalt  }
0x4c: {  	_ =	shalt  }
0x4d: {  	_ =	shalt  }
0x4e: {  	_ =	shalt  }
0x4f: {  	_ =	shalt  }
0x50: {  	_ =	shalt  }
0x51: {  	_ =	shalt  }
0x52: {  	_ =	shalt  }
0x53: {  	_ =	shalt  }
0x54: {  	_ =	shalt  }
0x55: {  	_ =	shalt  }
0x56: {  	_ =	shalt  }
0x57: {  	_ =	shalt  }
0x58: {  	_ =	shalt  }
0x59: {  	_ =	shalt  }
0x5a: {  	_ =	shalt  }
0x5b: {  	_ =	shalt  }
0x5c: {  	_ =	shalt  }
0x5d: {  	_ =	shalt  }
0x5e: {  	_ =	shalt  }
0x5f: {  	_ =	shalt  }
0x60: {  	_ =	shalt  }
0x61: {  	_ =	shalt  }
0x62: {  	_ =	shalt  }
0x63: {  	_ =	shalt  }
0x64: {  	_ =	shalt  }
0x65: {  	_ =	shalt  }
0x66: {  	_ =	shalt  }
0x67: {  	_ =	shalt  }
0x68: {  	_ =	shalt  }
0x69: {  	_ =	shalt  }
0x6a: {  	_ =	shalt  }
0x6b: {  	_ =	shalt  }
0x6c: {  	_ =	shalt  }
0x6d: {  	_ =	shalt  }
0x6e: {  	_ =	shalt  }
0x6f: {  	_ =	shalt  }
0x70: {  	_ =	shalt  }
0x71: {  	_ =	shalt  }
0x72: {  	_ =	shalt  }
0x73: {  	_ =	shalt  }
0x74: {  	_ =	shalt  }
0x75: {  	_ =	shalt  }
0x76: {  	_ =	shalt  }
0x77: {  	_ =	shalt  }
0x78: {  	_ =	shalt  }
0x79: {  	_ =	shalt  }
0x7a: {  	_ =	shalt  }
0x7b: {  	_ =	shalt  }
0x7c: {  	_ =	shalt  }
0x7d: {  	_ =	shalt  }
0x7e: {  	_ =	shalt  }
0x7f: {  	_ =	shalt  }
0x80: {  	_ =	shalt  }
0x81: {  	_ =	shalt  }
0x82: {  	_ =	shalt  }
0x83: {  	_ =	shalt  }
0x84: {  	_ =	shalt  }
0x85: {  	_ =	shalt  }
0x86: {  	_ =	shalt  }
0x87: {  	_ =	shalt  }
.Lfunc_end0:
.L_simem_size_0:
called_computation.1_lowered:
.L_overlay_start_0:
0x88: {  	s2 =	sld [smem:$0x3FD9]  }
0x89: {  	s3 =	sld [smem:$0x3FFE];
	_ =	sdelay $0x1  }
0x8a: {  	s1 =	srdreg.scid  }
0x8b: {  	s0 =	sand.u32 $0x1, s1  }
0x8c: {  	s16 =	sshll.u32 s0, $0xA;
	s2 =	sadd.s32 s3, s2  }
0x8d: {  	s2 =	sadd.s32 s2, s16  }
0x8e: {  	[smem:$0x3FC3] =	sst s2  }
0x8f: {  	_ = 	snop  }
0x90: {  	(tm) =	ssettm $0x1  }
0x91: {  	s17 =	sld [smem:$0x3FFB];
	_ =	sdelay $0x3  }
0x92: {  	_ =	strace s17  }
0x93: {  	s2 =	sld [smem:$0x3FFC];
	_ =	sdelay $0x3  }
0x94: {  	_ =	strace s2  }
0x95: {  	s2 =	sld [smem:$0x3FFD];
	_ =	sdelay $0x3  }
0x96: {  	_ =	strace s2  }
0x97: {  	_ =	strace $0x8FFFFFFF  }
0x98: {  	s18 =	sld [smem:$0x3FDB];
	_ =	sdelay $0x1  }
0x99: {  	s19 =	simm.s32 $_scs_section_size  }
0x9a: {  	s4 =	simm.s32 $_size__tile_overlayer_lowered;
	s5 =	simm.s32 $_tile_overlayer_lowered  }
0x9b: {  	s22 =	simm.s32 $0x1BFF;
	s21 =	sshll.u32 s5, $0x1;
	s2 =	sadd.s32 s19, s18  }
0x9c: {  	s6 =	simm.s32 $0x0;
	s20 =	sshll.u32 s4, $0x1;
	s4 =	sadd.s32 s21, s2  }
0x9d: {  	[timem:s6], [sflag:s22] =	dma.local [hbm:s4], s20  }
0x9e: {  	_ =	swait.ge [sflag:s22], s20  }
0x9f: {  	s3 =	ssub.s32 $0x0, s20;
	[sflag:s22] =	ssyncset.done $0x0  }
0xa0: {  	[sflag:s22] =	ssyncadd.s32 s3;
	_ =	sdelay $0x1  }
0xa1: {  	s23 =	simm.s32 $0x1B8B  }
0xa2: {  	_ =	swait.ge [sflag:s23], $0x1  }
0xa3: {  	[sflag:s23] =	ssyncset.done $0x0  }
0xa4: {  	s25 =	simm.s32 $0x1B8E;
	s24 =	sld [smem:$0x3FFE];
	[sflag:s23] =	ssyncadd.s32 $0xFFFFFFFF  }
0xa5: {  	s26 =	simm.s32 $execute0_lowered;
	[smem:$0x3FD2] =	sst s25  }
0xa6: {  	s4 =	sshll.u32 s26, $0x1;
	_ =	strace $0x80000049;
	[dreg:$0x1] =	wrdreg $0xFFFFFFFF  }
0xa7: {  	s28 =	simm.s32 $_size_execute0_lowered;
	s2 =	sadd.s32 s2, s4;
	[dreg:$0x0] =	wrdreg $0x0  }
0xa8: {  	s4 =	sshll.u32 s28, $0x1;
	[dreg:$0x2] =	wrdreg s2  }
0xa9: {  	[dreg:$0x3] =	wrdreg s4  }
0xaa: {  	[dreg:$0x4] =	wrdreg $0xC0  }
0xab: {  	_ =	task [dreg:s6], $0x5FFFF  }
0xac: {  	[dreg:$0x1] =	wrdreg $0xFFFFFFFF  }
0xad: {  	[dreg:$0x0] =	wrdreg $0x60  }
0xae: {  	[dreg:$0x2] =	wrdreg s24  }
0xaf: {  	[dreg:$0x3] =	wrdreg $0x0  }
0xb0: {  	[dreg:$0x4] =	wrdreg $0x9  }
0xb1: {  	_ =	task.clear_ibuf [dreg:s6], $0x5FFFF;
	_ =	strace $0x90000049  }
0xb2: {  	s29 =	simm.s32 $0x9;
	_ =	strace $0x8000004B  }
0xb3: {  	_ =	swait.ge [sflag:s29], $0x1  }
0xb4: {  	[sflag:s29] =	ssyncadd.s32 $0xFFFFFFFF  }
0xb5: {  	_ =	strace $0x9000004B  }
0xb6: {  	_ =	sfence  }
0xb7: {  	s30 =	sld [smem:$0x0];
	_ =	sdelay $0x2  }
0xb8: {  	s31 =	sshll.u32 s1, $0xD;
	s1 =	sshrl.u32 s1, $0x2  }
0xb9: {  	s3 =	sand.u32 $0x4000, s31;
	s1 =	sadd.s32 s1, s30  }
0xba: {  	s0 =	sor.u32 s3, s0;
	s1 =	sshll.u32 s1, $0x11  }
0xbb: {  	s0 =	sor.u32 s1, s0  }
0xbc: {  	s0 =	sadd.s32 $0x8F2B, s0  }
0xbd: {  	[sflag:s0] =	ssyncadd.remote.s32 $0x1  }
0xbe: {  	_ =	sfence.sel $0xFFFF  }
0xbf: {  	[dreg:$0x0] =	wrdreg $0xFFFFFFFF;
	(pc) =	sbr.abs _section_cstart, $3  }
0xc0: {  	[dreg:$0x1] =	wrdreg $0xFFFFFFFF  }
0xc1: {  	_ =	task.clear_ibuf [dreg:s6], $0x2FFFF;
	_ =	strace $0x9FFFFFFF  }
0xc2: {  	(tm) =	ssettm $0x7FFFFFFF  }
0xc3: {  	_ =	shalt  }
tec
execute0_lowered:
.L_overlay_start_1:
0x0: {  	(tag) =	ssettag $0x1  }
0x1: {  	s5 =	rddreg [dreg:$0x0]  }
0x2: {  	s2 =	rddreg [dreg:$0x1]  }
0x3: {  	s0 =	rddreg [dreg:$0x2];
	s3 =	simm.s32 $0x0  }
0x4: {  	s1 =	stileid.u32;
	s4 =	srdreg.scid;
	s16 =	simm.s32 $0x1D000  }
0x5: {  	s17 =	simm.s32 $0x80;
	s18 =	simm.s32 $0x13C00;
	s19 =	simm.s32 $0x1BC80  }
0x6: {  	s20 =	simm.s32 $0x17C00;
	s21 =	simm.s32 $0x1;
	s22 =	simm.s32 $0x2  }
0x7: {  	s23 =	simm.s32 $0x1E300;
	s24 =	simm.s32 $0x1E380;
	s25 =	simm.s32 $0x0  }
0x8: {  	[smem:$0x7FF] =	sst s3;
	s6 =	smul.u32 $0x13C00, s1;
	s7 =	sand.u32 $0x1, s4  }
0x9: {  	s4 =	sadd.s32 $0x16A00, s5;
	s10 =	sadd.s32 $0xCA00, s5;
	s11 =	sadd.s32 $0x2A00, s5  }
0xa: {  	s29 =	smul.u32 $0x4F000, s1;
	s30 =	sshll.u32 s1, $0x6;
	_ =	strace $0x8000004A  }
0xb: {  	s9 =	smul.u32 $0x13C000, s7;
	s12 =	sshll.u32 s7, $0x4;
	s7 =	ssub.s32 $0x2, s7  }
0xc: {  	s8 =	sshrl.u32 s6, $0x3;
	s12 =	sor.u32 s1, s12;
	s13 =	sshrl.u32 s7, $0x1  }
0xd: {  	s8 =	sadd.s32 s8, s5;
	s6 =	sadd.s32 s6, s9;
	s12 =	smul.u32 $0x2800, s12  }
0xe: {  	s9 =	sshrl.u32 s29, $0x2;
	s13 =	ssub.s32 s7, s13;
	s6 =	sshrl.u32 s6, $0x3  }
0xf: {  	s15 =	sadd.s32 s9, s2;
	s14 =	sadd.s32 s6, s5;
	s31 =	sshrl.u32 s12, $0x3  }
0x10: {  	s5 =	sadd.s32 $0x3E200, s8;
	s6 =	sor.u32 $0x1C03, s30;
	s12 =	sadd.s32 $0x280, s31  }
0x11: {  	s7 =	sadd.s32 s10, s31;
	s8 =	sadd.s32 s11, s31;
	s9 =	sadd.s32 s10, s12  }
0x12: {  	s10 =	sadd.s32 s11, s12;
	s11 =	sadd.s32 $0x65A00, s14;
	s12 =	smax.u32 s13, $0x1  }
0x13: {  	s13 =	sshrl.u32 s15, $0x3;
	s14 =	simm.s32 $0x3;
	s15 =	simm.s32 $0x1BC00  }
.LBB2_1:
0x14: {  	[spmem:s13], [sflag:s6] =	dma.local [hbm:s5], $0x2780  }
0x15: {  	_ =	swait.ge [sflag:s14], $0x2780  }
0x16: {  	[sflag:s14] =	ssyncset.done $0x0  }
0x17: {  	[sflag:s14] =	ssyncadd.s32 $0xFFFFD880  }
0x18: {  	[bflag:$0x0] =	sbarrier.arrive $0xFFFF  }
0x19: {  	[tilespmem:s15], [sflag:$0x3] =	stream.linear.gather [hbm4b:s7+s3], $0x1400, $0x38;
	[tilespmem:$0x1E400] =	vst v63  }
0x1a: {  	_ =	swait.ge [sflag:s14], $0x1400  }
0x1b: {  	[sflag:s14] =	ssyncset.done $0x0  }
0x1c: {  	[sflag:s14] =	ssyncadd.s32 $0xFFFFEC00  }
0x1d: {  	[tilespmem:s16], [sflag:$0x3] =	stream.linear.gather [hbm4b:s8+s3], $0x1400, $0x38;
	[tilespmem:$0x1E400] =	vst v63  }
0x1e: {  	_ =	swait.ge [sflag:s14], $0x1400  }
0x1f: {  	[sflag:s14] =	ssyncset.done $0x0  }
0x20: {  	[sflag:s14] =	ssyncadd.s32 $0xFFFFEC00  }
0x21: {  	[tilespmem:s18], [sflag:$0x1] =	stream.indirect.gather [hbm4b:s4+s17], $0x80, s15, s17, $0xb8;
	[tilespmem:$0x1E400] =	vst v63  }
0x22: {  	_ = 	snop  }
0x23: {  	[tilespmem:s20], [sflag:$0x2] =	stream.indirect.gather [hbm4b:s4+s17], $0x80, s19, s17, $0xb8;
	[tilespmem:$0x1E400] =	vst v63  }
0x24: {  	_ =	swait.ge [sflag:s21], $0x4000  }
0x25: {  	[sflag:s21] =	ssyncset.done $0x0  }
0x26: {  	s26 =	simm.s32 $0x1D000;
	[sflag:s21] =	ssyncadd.s32 $0xFFFFC000  }
0x27: {  	[spmem:s2] =	stream.indirect.scatter.add.f32 [tilespmem:s18], [sflag:$0x3], $0x80, s26, s17, $0xb8;
	[tilespmem:$0x1E400] =	vst v63  }
0x28: {  	_ =	swait.ge [sflag:s14], $0x4000  }
0x29: {  	[sflag:s14] =	ssyncset.done $0x0  }
0x2a: {  	s30 =	simm.s32 $0x1BD00;
	[sflag:s14] =	ssyncadd.s32 $0xFFFFC000  }
0x2b: {  	[tilespmem:s18], [sflag:$0x1] =	stream.indirect.gather [hbm4b:s4+s17], $0x80, s30, s17, $0xb8;
	[tilespmem:$0x1E400] =	vst v63  }
0x2c: {  	_ =	swait.ge [sflag:s22], $0x4000  }
0x2d: {  	[sflag:s22] =	ssyncset.done $0x0  }
0x2e: {  	s31 =	simm.s32 $0x1D080;
	[sflag:s22] =	ssyncadd.s32 $0xFFFFC000  }
0x2f: {  	[spmem:s2] =	stream.indirect.scatter.add.f32 [tilespmem:s20], [sflag:$0x3], $0x80, s31, s17, $0xb8;
	[tilespmem:$0x1E400] =	vst v63  }
0x30: {  	_ =	swait.ge [sflag:s14], $0x4000  }
0x31: {  	[sflag:s14] =	ssyncset.done $0x0  }
0x32: {  	s28 =	simm.s32 $0x1BD80;
	s26 =	simm.s32 $0x400;
	[sflag:s14] =	ssyncadd.s32 $0xFFFFC000  }
.LBB2_2:
0x33: {  	[tilespmem:s20], [sflag:$0x2] =	stream.indirect.gather [hbm4b:s4+s17], $0x80, s28, s17, $0xb8;
	[tilespmem:$0x1E400] =	vst v63  }
0x34: {  	s28 =	smov.u32 s26  }
0x35: {  	p0 =	sne.s32 s26, $0x4800;
	s26 =	sadd.s32 $0x400, s26;
	_ =	swait.ge [sflag:s21], $0x4000  }
0x36: {  	s28 =	sshra.s32 s28, $0x2;
	[sflag:s21] =	ssyncset.done $0x0  }
0x37: {  	s29 =	sadd.s32 $0x1D000, s28;
	[sflag:s21] =	ssyncadd.s32 $0xFFFFC000  }
0x38: {  	[spmem:s2] =	stream.indirect.scatter.add.f32 [tilespmem:s18], [sflag:$0x3], $0x80, s29, s17, $0xb8;
	[tilespmem:$0x1E400] =	vst v63  }
0x39: {  	_ =	swait.ge [sflag:s14], $0x4000  }
0x3a: {  	[sflag:s14] =	ssyncset.done $0x0  }
0x3b: {  	s29 =	sadd.s32 $0x1BD00, s28;
	[sflag:s14] =	ssyncadd.s32 $0xFFFFC000  }
0x3c: {  	[tilespmem:s18], [sflag:$0x1] =	stream.indirect.gather [hbm4b:s4+s17], $0x80, s29, s17, $0xb8;
	[tilespmem:$0x1E400] =	vst v63  }
0x3d: {  	_ =	swait.ge [sflag:s22], $0x4000  }
0x3e: {  	[sflag:s22] =	ssyncset.done $0x0  }
.Ltmp0:
0x3f: {  	s29 =	sadd.s32 $0x1D080, s28;
	[sflag:s22] =	ssyncadd.s32 $0xFFFFC000;
	(pc) =	sbr.rel @p0 .LBB2_2-.Ltmp0, $4  }
0x40: {  	[spmem:s2] =	stream.indirect.scatter.add.f32 [tilespmem:s20], [sflag:$0x3], $0x80, s29, s17, $0xb8;
	[tilespmem:$0x1E400] =	vst v63  }
0x41: {  	_ =	swait.ge [sflag:s14], $0x4000  }
0x42: {  	[sflag:s14] =	ssyncset.done $0x0  }
0x43: {  	s28 =	sadd.s32 $0x1BD80, s28;
	[sflag:s14] =	ssyncadd.s32 $0xFFFFC000  }
0x44: {  	[tilespmem:s20], [sflag:$0x2] =	stream.indirect.gather [hbm4b:s4+s17], $0x80, s28, s17, $0xb8;
	[tilespmem:$0x1E400] =	vst v63  }
0x45: {  	_ =	swait.ge [sflag:s21], $0x4000  }
0x46: {  	[sflag:s21] =	ssyncset.done $0x0  }
0x47: {  	[sflag:s21] =	ssyncadd.s32 $0xFFFFC000  }
0x48: {  	[spmem:s2] =	stream.indirect.scatter.add.f32 [tilespmem:s18], [sflag:$0x3], $0x80, s23, s17, $0xb8;
	[tilespmem:$0x1E400] =	vst v63  }
0x49: {  	_ =	swait.ge [sflag:s14], $0x4000  }
0x4a: {  	[sflag:s14] =	ssyncset.done $0x0  }
0x4b: {  	[sflag:s14] =	ssyncadd.s32 $0xFFFFC000  }
0x4c: {  	_ =	swait.ge [sflag:s22], $0x4000  }
0x4d: {  	[sflag:s22] =	ssyncset.done $0x0  }
0x4e: {  	[sflag:s22] =	ssyncadd.s32 $0xFFFFC000  }
0x4f: {  	[spmem:s2] =	stream.indirect.scatter.add.f32 [tilespmem:s20], [sflag:$0x3], $0x80, s24, s17, $0xb8;
	[tilespmem:$0x1E400] =	vst v63  }
0x50: {  	_ =	swait.ge [sflag:s14], $0x4000  }
0x51: {  	[sflag:s14] =	ssyncset.done $0x0  }
0x52: {  	s26 =	simm.s32 $0x0;
	[sflag:s14] =	ssyncadd.s32 $0xFFFFC000  }
0x53: {  	[tilespmem:s15], [sflag:$0x3] =	stream.linear.gather [hbm4b:s9+s26], $0x1400, $0x38;
	[tilespmem:$0x1E400] =	vst v63  }
0x54: {  	_ =	swait.ge [sflag:s14], $0x1400  }
0x55: {  	[sflag:s14] =	ssyncset.done $0x0  }
0x56: {  	[sflag:s14] =	ssyncadd.s32 $0xFFFFEC00  }
0x57: {  	[tilespmem:s16], [sflag:$0x3] =	stream.linear.gather [hbm4b:s10+s26], $0x1400, $0x38;
	[tilespmem:$0x1E400] =	vst v63  }
0x58: {  	_ =	swait.ge [sflag:s14], $0x1400  }
0x59: {  	[sflag:s14] =	ssyncset.done $0x0  }
0x5a: {  	[sflag:s14] =	ssyncadd.s32 $0xFFFFEC00  }
0x5b: {  	[tilespmem:s18], [sflag:$0x1] =	stream.indirect.gather [hbm4b:s4+s17], $0x80, s15, s17, $0xb8;
	[tilespmem:$0x1E400] =	vst v63  }
0x5c: {  	_ = 	snop  }
0x5d: {  	[tilespmem:s20], [sflag:$0x2] =	stream.indirect.gather [hbm4b:s4+s17], $0x80, s19, s17, $0xb8;
	[tilespmem:$0x1E400] =	vst v63  }
0x5e: {  	_ =	swait.ge [sflag:s21], $0x4000  }
0x5f: {  	[sflag:s21] =	ssyncset.done $0x0  }
0x60: {  	s29 =	simm.s32 $0x1D000;
	[sflag:s21] =	ssyncadd.s32 $0xFFFFC000  }
0x61: {  	[spmem:s2] =	stream.indirect.scatter.add.f32 [tilespmem:s18], [sflag:$0x3], $0x80, s29, s17, $0xb8;
	[tilespmem:$0x1E400] =	vst v63  }
0x62: {  	_ =	swait.ge [sflag:s14], $0x4000  }
0x63: {  	[sflag:s14] =	ssyncset.done $0x0  }
0x64: {  	s30 =	simm.s32 $0x1BD00;
	[sflag:s14] =	ssyncadd.s32 $0xFFFFC000  }
0x65: {  	[tilespmem:s18], [sflag:$0x1] =	stream.indirect.gather [hbm4b:s4+s17], $0x80, s30, s17, $0xb8;
	[tilespmem:$0x1E400] =	vst v63  }
0x66: {  	_ =	swait.ge [sflag:s22], $0x4000  }
0x67: {  	[sflag:s22] =	ssyncset.done $0x0  }
0x68: {  	s31 =	simm.s32 $0x1D080;
	[sflag:s22] =	ssyncadd.s32 $0xFFFFC000  }
0x69: {  	[spmem:s2] =	stream.indirect.scatter.add.f32 [tilespmem:s20], [sflag:$0x3], $0x80, s31, s17, $0xb8;
	[tilespmem:$0x1E400] =	vst v63  }
0x6a: {  	_ =	swait.ge [sflag:s14], $0x4000  }
0x6b: {  	[sflag:s14] =	ssyncset.done $0x0  }
0x6c: {  	s28 =	simm.s32 $0x1BD80;
	s26 =	simm.s32 $0x400;
	[sflag:s14] =	ssyncadd.s32 $0xFFFFC000  }
.LBB2_4:
0x6d: {  	[tilespmem:s20], [sflag:$0x2] =	stream.indirect.gather [hbm4b:s4+s17], $0x80, s28, s17, $0xb8;
	[tilespmem:$0x1E400] =	vst v63  }
0x6e: {  	s28 =	smov.u32 s26  }
0x6f: {  	p0 =	sne.s32 s26, $0x4800;
	s26 =	sadd.s32 $0x400, s26;
	_ =	swait.ge [sflag:s21], $0x4000  }
0x70: {  	s28 =	sshra.s32 s28, $0x2;
	[sflag:s21] =	ssyncset.done $0x0  }
0x71: {  	s29 =	sadd.s32 $0x1D000, s28;
	[sflag:s21] =	ssyncadd.s32 $0xFFFFC000  }
0x72: {  	[spmem:s2] =	stream.indirect.scatter.add.f32 [tilespmem:s18], [sflag:$0x3], $0x80, s29, s17, $0xb8;
	[tilespmem:$0x1E400] =	vst v63  }
0x73: {  	_ =	swait.ge [sflag:s14], $0x4000  }
0x74: {  	[sflag:s14] =	ssyncset.done $0x0  }
0x75: {  	s29 =	sadd.s32 $0x1BD00, s28;
	[sflag:s14] =	ssyncadd.s32 $0xFFFFC000  }
0x76: {  	[tilespmem:s18], [sflag:$0x1] =	stream.indirect.gather [hbm4b:s4+s17], $0x80, s29, s17, $0xb8;
	[tilespmem:$0x1E400] =	vst v63  }
0x77: {  	_ =	swait.ge [sflag:s22], $0x4000  }
0x78: {  	[sflag:s22] =	ssyncset.done $0x0  }
.Ltmp1:
0x79: {  	s29 =	sadd.s32 $0x1D080, s28;
	[sflag:s22] =	ssyncadd.s32 $0xFFFFC000;
	(pc) =	sbr.rel @p0 .LBB2_4-.Ltmp1, $4  }
0x7a: {  	[spmem:s2] =	stream.indirect.scatter.add.f32 [tilespmem:s20], [sflag:$0x3], $0x80, s29, s17, $0xb8;
	[tilespmem:$0x1E400] =	vst v63  }
0x7b: {  	_ =	swait.ge [sflag:s14], $0x4000  }
0x7c: {  	[sflag:s14] =	ssyncset.done $0x0  }
0x7d: {  	s28 =	sadd.s32 $0x1BD80, s28;
	[sflag:s14] =	ssyncadd.s32 $0xFFFFC000  }
0x7e: {  	[tilespmem:s20], [sflag:$0x2] =	stream.indirect.gather [hbm4b:s4+s17], $0x80, s28, s17, $0xb8;
	[tilespmem:$0x1E400] =	vst v63  }
0x7f: {  	_ =	swait.ge [sflag:s21], $0x4000  }
0x80: {  	[sflag:s21] =	ssyncset.done $0x0  }
0x81: {  	[sflag:s21] =	ssyncadd.s32 $0xFFFFC000  }
0x82: {  	[spmem:s2] =	stream.indirect.scatter.add.f32 [tilespmem:s18], [sflag:$0x3], $0x80, s23, s17, $0xb8;
	[tilespmem:$0x1E400] =	vst v63  }
0x83: {  	_ =	swait.ge [sflag:s14], $0x4000  }
0x84: {  	[sflag:s14] =	ssyncset.done $0x0  }
0x85: {  	[sflag:s14] =	ssyncadd.s32 $0xFFFFC000  }
0x86: {  	_ =	swait.ge [sflag:s22], $0x4000  }
0x87: {  	[sflag:s22] =	ssyncset.done $0x0  }
0x88: {  	[sflag:s22] =	ssyncadd.s32 $0xFFFFC000  }
0x89: {  	[spmem:s2] =	stream.indirect.scatter.add.f32 [tilespmem:s20], [sflag:$0x3], $0x80, s24, s17, $0xb8;
	[tilespmem:$0x1E400] =	vst v63  }
0x8a: {  	_ =	swait.ge [sflag:s14], $0x4000  }
0x8b: {  	s25 =	sadd.s32 $0x1, s25;
	[sflag:s14] =	ssyncset.done $0x0  }
0x8c: {  	p0 =	sne.s32 s25, s12;
	[sflag:s14] =	ssyncadd.s32 $0xFFFFC000  }
.Ltmp2:
0x8d: {  	[bflag:$0x0] =	sbarrier.arrive $0xFFFF;
	(pc) =	sbr.rel @p0 .LBB2_1-.Ltmp2, $4  }
0x8e: {  	[hbm:s11], [sflag:s6] =	dma.local [spmem:s13], $0x2780  }
0x8f: {  	_ =	swait.ge [sflag:s14], $0x2780  }
0x90: {  	[sflag:s14] =	ssyncset.done $0x0  }
0x91: {  	[sflag:s14] =	ssyncadd.s32 $0xFFFFD880  }
0x92: {  	_ =	sfence.sel $0x180000  }
0x93: {  	[bflag:$0x0] =	sbarrier.arrive $0xFFFF  }
0x94: {  	p0 =	sne.s32 s1, $0x0;
	_ =	strace $0x9000004A  }
0x95: {  	s0 =	sadd.s32 @!p0 $0x100000, s0;
	[bflag:$0x2] =	sbarrier.arrive $0xFFFF  }
0x96: {  	[sflag:s0] =	ssyncadd.tile.s32 @!p0 $0x1;
	_ =	shalt  }
.Lfunc_end2:
_tile_overlayer_lowered:
.L_overlay_start_2:
0x97: {  	(tag) =	ssettag $0x2  }
0x98: {  	s0 =	rddreg [dreg:$0x0];
	s2 =	stileid.u32  }
0x99: {  	s1 =	rddreg [dreg:$0x1];
	p0 =	sne.s32 s2, $0x0  }
0x9a: {  	s3 =	rddreg [dreg:$0x2];
	[bflag:$0x3] =	sbarrier.arrive $0xFFFF;
	s2 =	simm.s32 @!p0 $0x1C03  }
0x9b: {  	[timem:s3], [sflag:s2] =	dma.local @!p0 [hbm:s0], s1  }
0x9c: {  	s0 =	simm.s32 @!p0 $0x3  }
0x9d: {  	_ =	swait.ge @!p0 [sflag:s0], s1  }
0x9e: {  	s1 =	ssub.s32 @!p0 $0x0, s1;
	[sflag:s0] =	ssyncset.done @!p0 $0x0  }
0x9f: {  	[sflag:s0] =	ssyncadd.s32 @!p0 s1  }
0xa0: {  	[bflag:$0x3] =	sbarrier.arrive $0xFFFF  }
0xa1: {  	_ =	shalt  }

// kernel: kernel.18.cloned.1.call-start
scs
__scs_entry_jumppad:
0x0: {  	(pc) =	sbr.rel $0x88, $3  }
0x1: {  	(tag) =	ssettag $0x0;
	lr =	simm.s32 $0x1  }
0x2: {  	[smem:$0x3F9C] =	sst lr;
	_ =	strace $0xD0000000  }
0x3: {  	_ = 	snop  }
0x4: {  	_ = 	snop  }
0x5: {  	_ = 	snop  }
0x6: {  	_ = 	snop  }
0x7: {  	_ = 	snop  }
__scs_overlays_trampoline_lowered:
0x8: {  	[smem:$0x3FAB] =	sst s0  }
0x9: {  	[smem:$0x3FAC] =	sst s1  }
0xa: {  	[smem:$0x3FAD] =	sst s2  }
0xb: {  	[smem:$0x3FAE] =	sst s3  }
0xc: {  	[smem:$0x3FAF] =	sst s4  }
0xd: {  	[smem:$0x3FB0] =	sst s5  }
0xe: {  	[smem:$0x3FB1] =	sst s6  }
0xf: {  	[smem:$0x3FB2] =	sst s7  }
0x10: {  	[smem:$0x3FB3] =	sst s8  }
0x11: {  	[smem:$0x3FB4] =	sst s9;
	s0 =	simm.s32 @!p0 $0x0  }
0x12: {  	s1 =	sld [smem:$0x3F9A];
	s0 =	simm.s32 @p0 $0x1  }
0x13: {  	[smem:$0x3FB5] =	sst s0;
	s0 =	simm.s32 @!p1 $0x0  }
0x14: {  	s2 =	sld [smem:$0x3F99];
	s0 =	simm.s32 @p1 $0x1  }
0x15: {  	[smem:$0x3FB6] =	sst s0;
	s0 =	simm.s32 @!p2 $0x0  }
0x16: {  	s3 =	sld [smem:$0x3FDB];
	s0 =	simm.s32 @p2 $0x1  }
0x17: {  	s4 =	simm.s32 $0x1BF5;
	[smem:$0x3FB8] =	sst s0  }
0x18: {  	s0 =	sld [smem:$0x3F9B];
	_ =	swait.ge [sflag:s4], $0x0  }
0x19: {  	s7 =	sld [smem:$0x3F9C]  }
0x1a: {  	s8 =	sadd.s32 $0xFFFFE003, lr  }
0x1b: {  	s9 =	sadd.s32 $0xFFFFFEF7, lr;
	s5 =	simm.s32 $0xFFFFFFFF;
	p2 =	slt.u32 s8, $0xFFFFF086  }
0x1c: {  	p1 =	slt.u32 s9, $0xF7A;
	s5 =	simm.s32 @!p2 $0x0  }
0x1d: {  	s5 =	simm.s32 @p1 $0x1;
	p0 =	seq.s32 s7, s2  }
0x1e: {  	s7 =	smul.u32 @!p0 $0xF7A, s2;
	p2 =	seq.s32 @!p0 s5, $0x0  }
0x1f: {  	s9 =	smul.u32 $0xF7A, s1;
	s8 =	simm.s32 @!p0 $0x1BF5;
	p2 =	por !p2, p0  }
0x20: {  	[sflag:s8] =	ssyncset.s32 @!p0 $0xFFFFF086;
	s6 =	sadd.s32 @!p0 s3, s7;
	s7 =	simm.s32 @!p0 $0x108  }
0x21: {  	s3 =	sadd.s32 s3, s9;
	s6 =	sadd.s32 @!p0 $0x88, s6;
	s7 =	simm.s32 @p2 $0x1082  }
0x22: {  	[simem:s7], [sflag:s8] =	dma.local @!p0 [hbm:s6], $0xF7A  }
0x23: {  	s9 =	sor.u32 $0xD0000000, s2;
	s6 =	simm.s32 $0x108;
	_ =	swait.ge @!p0 [sflag:s8], $0x0  }
0x24: {  	s3 =	sadd.s32 $0x88, s3;
	s6 =	simm.s32 @!p1 $0x1082;
	[sflag:s4] =	ssyncset.s32 $0xFFFFF086  }
0x25: {  	[simem:s6], [sflag:s4] =	dma.local [hbm:s3], $0xF7A  }
0x26: {  	[smem:$0x3F9C] =	sst s1;
	(tag) =	ssettag s2;
	_ =	strace s9  }
0x27: {  	s1 =	sld [smem:$0x3FAC]  }
0x28: {  	s2 =	sld [smem:$0x3FAD]  }
0x29: {  	s4 =	sld [smem:$0x3FAF]  }
0x2a: {  	p0 =	seq.s32 s5, $0x0;
	s5 =	sld [smem:$0x3FB0]  }
0x2b: {  	s6 =	sld [smem:$0x3FB1]  }
0x2c: {  	s7 =	sld [smem:$0x3FB2]  }
0x2d: {  	s3 =	simm.s32 $0x108;
	s8 =	sld [smem:$0x3FB3]  }
0x2e: {  	s3 =	simm.s32 @!p0 $0x1082;
	s9 =	sld [smem:$0x3FB4]  }
0x2f: {  	lr =	sadd.s32 s0, s3;
	s0 =	sld [smem:$0x3FAB]  }
0x30: {  	s3 =	sld [smem:$0x3FAE]  }
0x31: {  	[smem:$0x3FB7] =	sst s10  }
0x32: {  	s10 =	sld [smem:$0x3FB5];
	_ =	sdelay $0x3  }
0x33: {  	p0 =	seq.s32 s10, $0x1;
	s10 =	sld [smem:$0x3FB7];
	_ =	sdelay $0x3  }
0x34: {  	[smem:$0x3FB7] =	sst s10  }
0x35: {  	s10 =	sld [smem:$0x3FB6];
	_ =	sdelay $0x3  }
0x36: {  	p1 =	seq.s32 s10, $0x1;
	s10 =	sld [smem:$0x3FB7];
	_ =	sdelay $0x3  }
0x37: {  	[smem:$0x3FB7] =	sst s10  }
0x38: {  	s10 =	sld [smem:$0x3FB8]  }
0x39: {  	_ = 	snop;
	(pc) =	sbr.ind lr, $3  }
0x3a: {  	_ = 	snop  }
0x3b: {  	_ = 	snop  }
0x3c: {  	p2 =	seq.s32 s10, $0x1;
	s10 =	sld [smem:$0x3FB7]  }
0x3d: {  	_ =	shalt  }
0x3e: {  	_ =	shalt  }
0x3f: {  	_ =	shalt  }
0x40: {  	_ =	shalt  }
0x41: {  	_ =	shalt  }
0x42: {  	_ =	shalt  }
0x43: {  	_ =	shalt  }
0x44: {  	_ =	shalt  }
0x45: {  	_ =	shalt  }
0x46: {  	_ =	shalt  }
0x47: {  	_ =	shalt  }
0x48: {  	_ =	shalt  }
0x49: {  	_ =	shalt  }
0x4a: {  	_ =	shalt  }
0x4b: {  	_ =	shalt  }
0x4c: {  	_ =	shalt  }
0x4d: {  	_ =	shalt  }
0x4e: {  	_ =	shalt  }
0x4f: {  	_ =	shalt  }
0x50: {  	_ =	shalt  }
0x51: {  	_ =	shalt  }
0x52: {  	_ =	shalt  }
0x53: {  	_ =	shalt  }
0x54: {  	_ =	shalt  }
0x55: {  	_ =	shalt  }
0x56: {  	_ =	shalt  }
0x57: {  	_ =	shalt  }
0x58: {  	_ =	shalt  }
0x59: {  	_ =	shalt  }
0x5a: {  	_ =	shalt  }
0x5b: {  	_ =	shalt  }
0x5c: {  	_ =	shalt  }
0x5d: {  	_ =	shalt  }
0x5e: {  	_ =	shalt  }
0x5f: {  	_ =	shalt  }
0x60: {  	_ =	shalt  }
0x61: {  	_ =	shalt  }
0x62: {  	_ =	shalt  }
0x63: {  	_ =	shalt  }
0x64: {  	_ =	shalt  }
0x65: {  	_ =	shalt  }
0x66: {  	_ =	shalt  }
0x67: {  	_ =	shalt  }
0x68: {  	_ =	shalt  }
0x69: {  	_ =	shalt  }
0x6a: {  	_ =	shalt  }
0x6b: {  	_ =	shalt  }
0x6c: {  	_ =	shalt  }
0x6d: {  	_ =	shalt  }
0x6e: {  	_ =	shalt  }
0x6f: {  	_ =	shalt  }
0x70: {  	_ =	shalt  }
0x71: {  	_ =	shalt  }
0x72: {  	_ =	shalt  }
0x73: {  	_ =	shalt  }
0x74: {  	_ =	shalt  }
0x75: {  	_ =	shalt  }
0x76: {  	_ =	shalt  }
0x77: {  	_ =	shalt  }
0x78: {  	_ =	shalt  }
0x79: {  	_ =	shalt  }
0x7a: {  	_ =	shalt  }
0x7b: {  	_ =	shalt  }
0x7c: {  	_ =	shalt  }
0x7d: {  	_ =	shalt  }
0x7e: {  	_ =	shalt  }
0x7f: {  	_ =	shalt  }
0x80: {  	_ =	shalt  }
0x81: {  	_ =	shalt  }
0x82: {  	_ =	shalt  }
0x83: {  	_ =	shalt  }
0x84: {  	_ =	shalt  }
0x85: {  	_ =	shalt  }
0x86: {  	_ =	shalt  }
0x87: {  	_ =	shalt  }
.Lfunc_end0:
.L_simem_size_0:
called_computation.2_lowered:
.L_overlay_start_0:
0x88: {  	s2 =	sld [smem:$0x3FD9]  }
0x89: {  	s3 =	sld [smem:$0x3FFE];
	_ =	sdelay $0x1  }
0x8a: {  	s1 =	srdreg.scid  }
0x8b: {  	s0 =	sand.u32 $0x1, s1  }
0x8c: {  	s16 =	sshll.u32 s0, $0xA;
	s2 =	sadd.s32 s3, s2  }
0x8d: {  	s2 =	sadd.s32 s2, s16  }
0x8e: {  	[smem:$0x3FC3] =	sst s2  }
0x8f: {  	_ = 	snop  }
0x90: {  	(tm) =	ssettm $0x1  }
0x91: {  	s17 =	sld [smem:$0x3FFB];
	_ =	sdelay $0x3  }
0x92: {  	_ =	strace s17  }
0x93: {  	s2 =	sld [smem:$0x3FFC];
	_ =	sdelay $0x3  }
0x94: {  	_ =	strace s2  }
0x95: {  	s2 =	sld [smem:$0x3FFD];
	_ =	sdelay $0x3  }
0x96: {  	_ =	strace s2  }
0x97: {  	_ =	strace $0x8FFFFFFF  }
0x98: {  	s18 =	sld [smem:$0x3FDB];
	_ =	sdelay $0x1  }
0x99: {  	s19 =	simm.s32 $_scs_section_size  }
0x9a: {  	s4 =	simm.s32 $_size__tile_overlayer_lowered;
	s5 =	simm.s32 $_tile_overlayer_lowered  }
0x9b: {  	s22 =	simm.s32 $0x1BFF;
	s21 =	sshll.u32 s5, $0x1;
	s2 =	sadd.s32 s19, s18  }
0x9c: {  	s6 =	simm.s32 $0x0;
	s20 =	sshll.u32 s4, $0x1;
	s4 =	sadd.s32 s21, s2  }
0x9d: {  	[timem:s6], [sflag:s22] =	dma.local [hbm:s4], s20  }
0x9e: {  	_ =	swait.ge [sflag:s22], s20  }
0x9f: {  	s3 =	ssub.s32 $0x0, s20;
	[sflag:s22] =	ssyncset.done $0x0  }
0xa0: {  	[sflag:s22] =	ssyncadd.s32 s3;
	_ =	sdelay $0x1  }
0xa1: {  	s23 =	simm.s32 $0x1B8B  }
0xa2: {  	_ =	swait.ge [sflag:s23], $0x1  }
0xa3: {  	[sflag:s23] =	ssyncset.done $0x0  }
0xa4: {  	s25 =	simm.s32 $0x1B8E;
	s24 =	sld [smem:$0x3FFE];
	[sflag:s23] =	ssyncadd.s32 $0xFFFFFFFF  }
0xa5: {  	s26 =	simm.s32 $execute0_lowered;
	[smem:$0x3FD2] =	sst s25  }
0xa6: {  	s4 =	sshll.u32 s26, $0x1;
	_ =	strace $0x8000004C;
	[dreg:$0x1] =	wrdreg $0xFFFFFFFF  }
0xa7: {  	s28 =	simm.s32 $_size_execute0_lowered;
	s2 =	sadd.s32 s2, s4;
	[dreg:$0x0] =	wrdreg $0x0  }
0xa8: {  	s4 =	sshll.u32 s28, $0x1;
	[dreg:$0x2] =	wrdreg s2  }
0xa9: {  	[dreg:$0x3] =	wrdreg s4  }
0xaa: {  	[dreg:$0x4] =	wrdreg $0xC0  }
0xab: {  	_ =	task [dreg:s6], $0x5FFFF  }
0xac: {  	[dreg:$0x1] =	wrdreg $0xFFFFFFFF  }
0xad: {  	[dreg:$0x0] =	wrdreg $0x60  }
0xae: {  	[dreg:$0x2] =	wrdreg s24  }
0xaf: {  	[dreg:$0x3] =	wrdreg $0x0  }
0xb0: {  	[dreg:$0x4] =	wrdreg $0x9  }
0xb1: {  	_ =	task.clear_ibuf [dreg:s6], $0x5FFFF;
	_ =	strace $0x9000004C  }
0xb2: {  	s29 =	simm.s32 $0x9;
	_ =	strace $0x8000004E  }
0xb3: {  	_ =	swait.ge [sflag:s29], $0x1  }
0xb4: {  	[sflag:s29] =	ssyncadd.s32 $0xFFFFFFFF  }
0xb5: {  	_ =	strace $0x9000004E  }
0xb6: {  	_ =	sfence  }
0xb7: {  	s30 =	sld [smem:$0x0];
	_ =	sdelay $0x2  }
0xb8: {  	s31 =	sshll.u32 s1, $0xD;
	s1 =	sshrl.u32 s1, $0x2  }
0xb9: {  	s3 =	sand.u32 $0x4000, s31;
	s1 =	sadd.s32 s1, s30  }
0xba: {  	s0 =	sor.u32 s3, s0;
	s1 =	sshll.u32 s1, $0x11  }
0xbb: {  	s0 =	sor.u32 s1, s0  }
0xbc: {  	s0 =	sadd.s32 $0x8F2B, s0  }
0xbd: {  	[sflag:s0] =	ssyncadd.remote.s32 $0x1  }
0xbe: {  	_ =	sfence.sel $0xFFFF  }
0xbf: {  	[dreg:$0x0] =	wrdreg $0xFFFFFFFF;
	(pc) =	sbr.abs _section_cstart, $3  }
0xc0: {  	[dreg:$0x1] =	wrdreg $0xFFFFFFFF  }
0xc1: {  	_ =	task.clear_ibuf [dreg:s6], $0x2FFFF;
	_ =	strace $0x9FFFFFFF  }
0xc2: {  	(tm) =	ssettm $0x7FFFFFFF  }
0xc3: {  	_ =	shalt  }
tec
execute0_lowered:
.L_overlay_start_1:
0x0: {  	(tag) =	ssettag $0x1  }
0x1: {  	s5 =	rddreg [dreg:$0x0]  }
0x2: {  	s2 =	rddreg [dreg:$0x1]  }
0x3: {  	s0 =	rddreg [dreg:$0x2];
	s3 =	simm.s32 $0x0  }
0x4: {  	s1 =	stileid.u32;
	s4 =	srdreg.scid;
	s16 =	simm.s32 $0x1D000  }
0x5: {  	s17 =	simm.s32 $0x80;
	s18 =	simm.s32 $0x13C00;
	s19 =	simm.s32 $0x1BC80  }
0x6: {  	s20 =	simm.s32 $0x17C00;
	s21 =	simm.s32 $0x1;
	s22 =	simm.s32 $0x2  }
0x7: {  	s23 =	simm.s32 $0x1E300;
	s24 =	simm.s32 $0x1E380;
	s25 =	simm.s32 $0x0  }
0x8: {  	[smem:$0x7FF] =	sst s3;
	s6 =	smul.u32 $0x13C00, s1;
	s7 =	sand.u32 $0x1, s4  }
0x9: {  	s4 =	sadd.s32 $0x16A00, s5;
	s10 =	sadd.s32 $0xCA00, s5;
	s11 =	sadd.s32 $0x2A00, s5  }
0xa: {  	s29 =	smul.u32 $0x4F000, s1;
	s30 =	sshll.u32 s1, $0x6;
	_ =	strace $0x8000004D  }
0xb: {  	s9 =	smul.u32 $0x13C000, s7;
	s12 =	sshll.u32 s7, $0x4;
	s7 =	ssub.s32 $0x2, s7  }
0xc: {  	s8 =	sshrl.u32 s6, $0x3;
	s12 =	sor.u32 s1, s12;
	s13 =	sshrl.u32 s7, $0x1  }
0xd: {  	s8 =	sadd.s32 s8, s5;
	s6 =	sadd.s32 s6, s9;
	s12 =	smul.u32 $0x2800, s12  }
0xe: {  	s9 =	sshrl.u32 s29, $0x2;
	s13 =	ssub.s32 s7, s13;
	s6 =	sshrl.u32 s6, $0x3  }
0xf: {  	s15 =	sadd.s32 s9, s2;
	s14 =	sadd.s32 s6, s5;
	s31 =	sshrl.u32 s12, $0x3  }
0x10: {  	s5 =	sadd.s32 $0x3E200, s8;
	s6 =	sor.u32 $0x1C03, s30;
	s12 =	sadd.s32 $0x280, s31  }
0x11: {  	s7 =	sadd.s32 s10, s31;
	s8 =	sadd.s32 s11, s31;
	s9 =	sadd.s32 s10, s12  }
0x12: {  	s10 =	sadd.s32 s11, s12;
	s11 =	sadd.s32 $0x65A00, s14;
	s12 =	smax.u32 s13, $0x1  }
0x13: {  	s13 =	sshrl.u32 s15, $0x3;
	s14 =	simm.s32 $0x3;
	s15 =	simm.s32 $0x1BC00  }
.LBB2_1:
0x14: {  	[spmem:s13], [sflag:s6] =	dma.local [hbm:s5], $0x2780  }
0x15: {  	_ =	swait.ge [sflag:s14], $0x2780  }
0x16: {  	[sflag:s14] =	ssyncset.done $0x0  }
0x17: {  	[sflag:s14] =	ssyncadd.s32 $0xFFFFD880  }
0x18: {  	[bflag:$0x0] =	sbarrier.arrive $0xFFFF  }
0x19: {  	[tilespmem:s15], [sflag:$0x3] =	stream.linear.gather [hbm4b:s7+s3], $0x1400, $0x38;
	[tilespmem:$0x1E400] =	vst v63  }
0x1a: {  	_ =	swait.ge [sflag:s14], $0x1400  }
0x1b: {  	[sflag:s14] =	ssyncset.done $0x0  }
0x1c: {  	[sflag:s14] =	ssyncadd.s32 $0xFFFFEC00  }
0x1d: {  	[tilespmem:s16], [sflag:$0x3] =	stream.linear.gather [hbm4b:s8+s3], $0x1400, $0x38;
	[tilespmem:$0x1E400] =	vst v63  }
0x1e: {  	_ =	swait.ge [sflag:s14], $0x1400  }
0x1f: {  	[sflag:s14] =	ssyncset.done $0x0  }
0x20: {  	[sflag:s14] =	ssyncadd.s32 $0xFFFFEC00  }
0x21: {  	[tilespmem:s18], [sflag:$0x1] =	stream.indirect.gather [hbm4b:s4+s17], $0x80, s15, s17, $0xb8;
	[tilespmem:$0x1E400] =	vst v63  }
0x22: {  	_ = 	snop  }
0x23: {  	[tilespmem:s20], [sflag:$0x2] =	stream.indirect.gather [hbm4b:s4+s17], $0x80, s19, s17, $0xb8;
	[tilespmem:$0x1E400] =	vst v63  }
0x24: {  	_ =	swait.ge [sflag:s21], $0x4000  }
0x25: {  	[sflag:s21] =	ssyncset.done $0x0  }
0x26: {  	s26 =	simm.s32 $0x1D000;
	[sflag:s21] =	ssyncadd.s32 $0xFFFFC000  }
0x27: {  	[spmem:s2] =	stream.indirect.scatter.add.f32 [tilespmem:s18], [sflag:$0x3], $0x80, s26, s17, $0xb8;
	[tilespmem:$0x1E400] =	vst v63  }
0x28: {  	_ =	swait.ge [sflag:s14], $0x4000  }
0x29: {  	[sflag:s14] =	ssyncset.done $0x0  }
0x2a: {  	s30 =	simm.s32 $0x1BD00;
	[sflag:s14] =	ssyncadd.s32 $0xFFFFC000  }
0x2b: {  	[tilespmem:s18], [sflag:$0x1] =	stream.indirect.gather [hbm4b:s4+s17], $0x80, s30, s17, $0xb8;
	[tilespmem:$0x1E400] =	vst v63  }
0x2c: {  	_ =	swait.ge [sflag:s22], $0x4000  }
0x2d: {  	[sflag:s22] =	ssyncset.done $0x0  }
0x2e: {  	s31 =	simm.s32 $0x1D080;
	[sflag:s22] =	ssyncadd.s32 $0xFFFFC000  }
0x2f: {  	[spmem:s2] =	stream.indirect.scatter.add.f32 [tilespmem:s20], [sflag:$0x3], $0x80, s31, s17, $0xb8;
	[tilespmem:$0x1E400] =	vst v63  }
0x30: {  	_ =	swait.ge [sflag:s14], $0x4000  }
0x31: {  	[sflag:s14] =	ssyncset.done $0x0  }
0x32: {  	s28 =	simm.s32 $0x1BD80;
	s26 =	simm.s32 $0x400;
	[sflag:s14] =	ssyncadd.s32 $0xFFFFC000  }
.LBB2_2:
0x33: {  	[tilespmem:s20], [sflag:$0x2] =	stream.indirect.gather [hbm4b:s4+s17], $0x80, s28, s17, $0xb8;
	[tilespmem:$0x1E400] =	vst v63  }
0x34: {  	s28 =	smov.u32 s26  }
0x35: {  	p0 =	sne.s32 s26, $0x4800;
	s26 =	sadd.s32 $0x400, s26;
	_ =	swait.ge [sflag:s21], $0x4000  }
0x36: {  	s28 =	sshra.s32 s28, $0x2;
	[sflag:s21] =	ssyncset.done $0x0  }
0x37: {  	s29 =	sadd.s32 $0x1D000, s28;
	[sflag:s21] =	ssyncadd.s32 $0xFFFFC000  }
0x38: {  	[spmem:s2] =	stream.indirect.scatter.add.f32 [tilespmem:s18], [sflag:$0x3], $0x80, s29, s17, $0xb8;
	[tilespmem:$0x1E400] =	vst v63  }
0x39: {  	_ =	swait.ge [sflag:s14], $0x4000  }
0x3a: {  	[sflag:s14] =	ssyncset.done $0x0  }
0x3b: {  	s29 =	sadd.s32 $0x1BD00, s28;
	[sflag:s14] =	ssyncadd.s32 $0xFFFFC000  }
0x3c: {  	[tilespmem:s18], [sflag:$0x1] =	stream.indirect.gather [hbm4b:s4+s17], $0x80, s29, s17, $0xb8;
	[tilespmem:$0x1E400] =	vst v63  }
0x3d: {  	_ =	swait.ge [sflag:s22], $0x4000  }
0x3e: {  	[sflag:s22] =	ssyncset.done $0x0  }
.Ltmp0:
0x3f: {  	s29 =	sadd.s32 $0x1D080, s28;
	[sflag:s22] =	ssyncadd.s32 $0xFFFFC000;
	(pc) =	sbr.rel @p0 .LBB2_2-.Ltmp0, $4  }
0x40: {  	[spmem:s2] =	stream.indirect.scatter.add.f32 [tilespmem:s20], [sflag:$0x3], $0x80, s29, s17, $0xb8;
	[tilespmem:$0x1E400] =	vst v63  }
0x41: {  	_ =	swait.ge [sflag:s14], $0x4000  }
0x42: {  	[sflag:s14] =	ssyncset.done $0x0  }
0x43: {  	s28 =	sadd.s32 $0x1BD80, s28;
	[sflag:s14] =	ssyncadd.s32 $0xFFFFC000  }
0x44: {  	[tilespmem:s20], [sflag:$0x2] =	stream.indirect.gather [hbm4b:s4+s17], $0x80, s28, s17, $0xb8;
	[tilespmem:$0x1E400] =	vst v63  }
0x45: {  	_ =	swait.ge [sflag:s21], $0x4000  }
0x46: {  	[sflag:s21] =	ssyncset.done $0x0  }
0x47: {  	[sflag:s21] =	ssyncadd.s32 $0xFFFFC000  }
0x48: {  	[spmem:s2] =	stream.indirect.scatter.add.f32 [tilespmem:s18], [sflag:$0x3], $0x80, s23, s17, $0xb8;
	[tilespmem:$0x1E400] =	vst v63  }
0x49: {  	_ =	swait.ge [sflag:s14], $0x4000  }
0x4a: {  	[sflag:s14] =	ssyncset.done $0x0  }
0x4b: {  	[sflag:s14] =	ssyncadd.s32 $0xFFFFC000  }
0x4c: {  	_ =	swait.ge [sflag:s22], $0x4000  }
0x4d: {  	[sflag:s22] =	ssyncset.done $0x0  }
0x4e: {  	[sflag:s22] =	ssyncadd.s32 $0xFFFFC000  }
0x4f: {  	[spmem:s2] =	stream.indirect.scatter.add.f32 [tilespmem:s20], [sflag:$0x3], $0x80, s24, s17, $0xb8;
	[tilespmem:$0x1E400] =	vst v63  }
0x50: {  	_ =	swait.ge [sflag:s14], $0x4000  }
0x51: {  	[sflag:s14] =	ssyncset.done $0x0  }
0x52: {  	s26 =	simm.s32 $0x0;
	[sflag:s14] =	ssyncadd.s32 $0xFFFFC000  }
0x53: {  	[tilespmem:s15], [sflag:$0x3] =	stream.linear.gather [hbm4b:s9+s26], $0x1400, $0x38;
	[tilespmem:$0x1E400] =	vst v63  }
0x54: {  	_ =	swait.ge [sflag:s14], $0x1400  }
0x55: {  	[sflag:s14] =	ssyncset.done $0x0  }
0x56: {  	[sflag:s14] =	ssyncadd.s32 $0xFFFFEC00  }
0x57: {  	[tilespmem:s16], [sflag:$0x3] =	stream.linear.gather [hbm4b:s10+s26], $0x1400, $0x38;
	[tilespmem:$0x1E400] =	vst v63  }
0x58: {  	_ =	swait.ge [sflag:s14], $0x1400  }
0x59: {  	[sflag:s14] =	ssyncset.done $0x0  }
0x5a: {  	[sflag:s14] =	ssyncadd.s32 $0xFFFFEC00  }
0x5b: {  	[tilespmem:s18], [sflag:$0x1] =	stream.indirect.gather [hbm4b:s4+s17], $0x80, s15, s17, $0xb8;
	[tilespmem:$0x1E400] =	vst v63  }
0x5c: {  	_ = 	snop  }
0x5d: {  	[tilespmem:s20], [sflag:$0x2] =	stream.indirect.gather [hbm4b:s4+s17], $0x80, s19, s17, $0xb8;
	[tilespmem:$0x1E400] =	vst v63  }
0x5e: {  	_ =	swait.ge [sflag:s21], $0x4000  }
0x5f: {  	[sflag:s21] =	ssyncset.done $0x0  }
0x60: {  	s29 =	simm.s32 $0x1D000;
	[sflag:s21] =	ssyncadd.s32 $0xFFFFC000  }
0x61: {  	[spmem:s2] =	stream.indirect.scatter.add.f32 [tilespmem:s18], [sflag:$0x3], $0x80, s29, s17, $0xb8;
	[tilespmem:$0x1E400] =	vst v63  }
0x62: {  	_ =	swait.ge [sflag:s14], $0x4000  }
0x63: {  	[sflag:s14] =	ssyncset.done $0x0  }
0x64: {  	s30 =	simm.s32 $0x1BD00;
	[sflag:s14] =	ssyncadd.s32 $0xFFFFC000  }
0x65: {  	[tilespmem:s18], [sflag:$0x1] =	stream.indirect.gather [hbm4b:s4+s17], $0x80, s30, s17, $0xb8;
	[tilespmem:$0x1E400] =	vst v63  }
0x66: {  	_ =	swait.ge [sflag:s22], $0x4000  }
0x67: {  	[sflag:s22] =	ssyncset.done $0x0  }
0x68: {  	s31 =	simm.s32 $0x1D080;
	[sflag:s22] =	ssyncadd.s32 $0xFFFFC000  }
0x69: {  	[spmem:s2] =	stream.indirect.scatter.add.f32 [tilespmem:s20], [sflag:$0x3], $0x80, s31, s17, $0xb8;
	[tilespmem:$0x1E400] =	vst v63  }
0x6a: {  	_ =	swait.ge [sflag:s14], $0x4000  }
0x6b: {  	[sflag:s14] =	ssyncset.done $0x0  }
0x6c: {  	s28 =	simm.s32 $0x1BD80;
	s26 =	simm.s32 $0x400;
	[sflag:s14] =	ssyncadd.s32 $0xFFFFC000  }
.LBB2_4:
0x6d: {  	[tilespmem:s20], [sflag:$0x2] =	stream.indirect.gather [hbm4b:s4+s17], $0x80, s28, s17, $0xb8;
	[tilespmem:$0x1E400] =	vst v63  }
0x6e: {  	s28 =	smov.u32 s26  }
0x6f: {  	p0 =	sne.s32 s26, $0x4800;
	s26 =	sadd.s32 $0x400, s26;
	_ =	swait.ge [sflag:s21], $0x4000  }
0x70: {  	s28 =	sshra.s32 s28, $0x2;
	[sflag:s21] =	ssyncset.done $0x0  }
0x71: {  	s29 =	sadd.s32 $0x1D000, s28;
	[sflag:s21] =	ssyncadd.s32 $0xFFFFC000  }
0x72: {  	[spmem:s2] =	stream.indirect.scatter.add.f32 [tilespmem:s18], [sflag:$0x3], $0x80, s29, s17, $0xb8;
	[tilespmem:$0x1E400] =	vst v63  }
0x73: {  	_ =	swait.ge [sflag:s14], $0x4000  }
0x74: {  	[sflag:s14] =	ssyncset.done $0x0  }
0x75: {  	s29 =	sadd.s32 $0x1BD00, s28;
	[sflag:s14] =	ssyncadd.s32 $0xFFFFC000  }
0x76: {  	[tilespmem:s18], [sflag:$0x1] =	stream.indirect.gather [hbm4b:s4+s17], $0x80, s29, s17, $0xb8;
	[tilespmem:$0x1E400] =	vst v63  }
0x77: {  	_ =	swait.ge [sflag:s22], $0x4000  }
0x78: {  	[sflag:s22] =	ssyncset.done $0x0  }
.Ltmp1:
0x79: {  	s29 =	sadd.s32 $0x1D080, s28;
	[sflag:s22] =	ssyncadd.s32 $0xFFFFC000;
	(pc) =	sbr.rel @p0 .LBB2_4-.Ltmp1, $4  }
0x7a: {  	[spmem:s2] =	stream.indirect.scatter.add.f32 [tilespmem:s20], [sflag:$0x3], $0x80, s29, s17, $0xb8;
	[tilespmem:$0x1E400] =	vst v63  }
0x7b: {  	_ =	swait.ge [sflag:s14], $0x4000  }
0x7c: {  	[sflag:s14] =	ssyncset.done $0x0  }
0x7d: {  	s28 =	sadd.s32 $0x1BD80, s28;
	[sflag:s14] =	ssyncadd.s32 $0xFFFFC000  }
0x7e: {  	[tilespmem:s20], [sflag:$0x2] =	stream.indirect.gather [hbm4b:s4+s17], $0x80, s28, s17, $0xb8;
	[tilespmem:$0x1E400] =	vst v63  }
0x7f: {  	_ =	swait.ge [sflag:s21], $0x4000  }
0x80: {  	[sflag:s21] =	ssyncset.done $0x0  }
0x81: {  	[sflag:s21] =	ssyncadd.s32 $0xFFFFC000  }
0x82: {  	[spmem:s2] =	stream.indirect.scatter.add.f32 [tilespmem:s18], [sflag:$0x3], $0x80, s23, s17, $0xb8;
	[tilespmem:$0x1E400] =	vst v63  }
0x83: {  	_ =	swait.ge [sflag:s14], $0x4000  }
0x84: {  	[sflag:s14] =	ssyncset.done $0x0  }
0x85: {  	[sflag:s14] =	ssyncadd.s32 $0xFFFFC000  }
0x86: {  	_ =	swait.ge [sflag:s22], $0x4000  }
0x87: {  	[sflag:s22] =	ssyncset.done $0x0  }
0x88: {  	[sflag:s22] =	ssyncadd.s32 $0xFFFFC000  }
0x89: {  	[spmem:s2] =	stream.indirect.scatter.add.f32 [tilespmem:s20], [sflag:$0x3], $0x80, s24, s17, $0xb8;
	[tilespmem:$0x1E400] =	vst v63  }
0x8a: {  	_ =	swait.ge [sflag:s14], $0x4000  }
0x8b: {  	s25 =	sadd.s32 $0x1, s25;
	[sflag:s14] =	ssyncset.done $0x0  }
0x8c: {  	p0 =	sne.s32 s25, s12;
	[sflag:s14] =	ssyncadd.s32 $0xFFFFC000  }
.Ltmp2:
0x8d: {  	[bflag:$0x0] =	sbarrier.arrive $0xFFFF;
	(pc) =	sbr.rel @p0 .LBB2_1-.Ltmp2, $4  }
0x8e: {  	[hbm:s11], [sflag:s6] =	dma.local [spmem:s13], $0x2780  }
0x8f: {  	_ =	swait.ge [sflag:s14], $0x2780  }
0x90: {  	[sflag:s14] =	ssyncset.done $0x0  }
0x91: {  	[sflag:s14] =	ssyncadd.s32 $0xFFFFD880  }
0x92: {  	_ =	sfence.sel $0x180000  }
0x93: {  	[bflag:$0x0] =	sbarrier.arrive $0xFFFF  }
0x94: {  	p0 =	sne.s32 s1, $0x0;
	_ =	strace $0x9000004D  }
0x95: {  	s0 =	sadd.s32 @!p0 $0x100000, s0;
	[bflag:$0x2] =	sbarrier.arrive $0xFFFF  }
0x96: {  	[sflag:s0] =	ssyncadd.tile.s32 @!p0 $0x1;
	_ =	shalt  }
.Lfunc_end2:
_tile_overlayer_lowered:
.L_overlay_start_2:
0x97: {  	(tag) =	ssettag $0x2  }
0x98: {  	s0 =	rddreg [dreg:$0x0];
	s2 =	stileid.u32  }
0x99: {  	s1 =	rddreg [dreg:$0x1];
	p0 =	sne.s32 s2, $0x0  }
0x9a: {  	s3 =	rddreg [dreg:$0x2];
	[bflag:$0x3] =	sbarrier.arrive $0xFFFF;
	s2 =	simm.s32 @!p0 $0x1C03  }
0x9b: {  	[timem:s3], [sflag:s2] =	dma.local @!p0 [hbm:s0], s1  }
0x9c: {  	s0 =	simm.s32 @!p0 $0x3  }
0x9d: {  	_ =	swait.ge @!p0 [sflag:s0], s1  }
0x9e: {  	s1 =	ssub.s32 @!p0 $0x0, s1;
	[sflag:s0] =	ssyncset.done @!p0 $0x0  }
0x9f: {  	[sflag:s0] =	ssyncadd.s32 @!p0 s1  }
0xa0: {  	[bflag:$0x3] =	sbarrier.arrive $0xFFFF  }
0xa1: {  	_ =	shalt  }

// kernel: kernel.21.cloned.1.call-start
scs
__scs_entry_jumppad:
0x0: {  	(pc) =	sbr.rel $0x88, $3  }
0x1: {  	(tag) =	ssettag $0x0;
	lr =	simm.s32 $0x1  }
0x2: {  	[smem:$0x3F9C] =	sst lr;
	_ =	strace $0xD0000000  }
0x3: {  	_ = 	snop  }
0x4: {  	_ = 	snop  }
0x5: {  	_ = 	snop  }
0x6: {  	_ = 	snop  }
0x7: {  	_ = 	snop  }
__scs_overlays_trampoline_lowered:
0x8: {  	[smem:$0x3FAB] =	sst s0  }
0x9: {  	[smem:$0x3FAC] =	sst s1  }
0xa: {  	[smem:$0x3FAD] =	sst s2  }
0xb: {  	[smem:$0x3FAE] =	sst s3  }
0xc: {  	[smem:$0x3FAF] =	sst s4  }
0xd: {  	[smem:$0x3FB0] =	sst s5  }
0xe: {  	[smem:$0x3FB1] =	sst s6  }
0xf: {  	[smem:$0x3FB2] =	sst s7  }
0x10: {  	[smem:$0x3FB3] =	sst s8  }
0x11: {  	[smem:$0x3FB4] =	sst s9;
	s0 =	simm.s32 @!p0 $0x0  }
0x12: {  	s1 =	sld [smem:$0x3F9A];
	s0 =	simm.s32 @p0 $0x1  }
0x13: {  	[smem:$0x3FB5] =	sst s0;
	s0 =	simm.s32 @!p1 $0x0  }
0x14: {  	s2 =	sld [smem:$0x3F99];
	s0 =	simm.s32 @p1 $0x1  }
0x15: {  	[smem:$0x3FB6] =	sst s0;
	s0 =	simm.s32 @!p2 $0x0  }
0x16: {  	s3 =	sld [smem:$0x3FDB];
	s0 =	simm.s32 @p2 $0x1  }
0x17: {  	s4 =	simm.s32 $0x1BF5;
	[smem:$0x3FB8] =	sst s0  }
0x18: {  	s0 =	sld [smem:$0x3F9B];
	_ =	swait.ge [sflag:s4], $0x0  }
0x19: {  	s7 =	sld [smem:$0x3F9C]  }
0x1a: {  	s8 =	sadd.s32 $0xFFFFE003, lr  }
0x1b: {  	s9 =	sadd.s32 $0xFFFFFEF7, lr;
	s5 =	simm.s32 $0xFFFFFFFF;
	p2 =	slt.u32 s8, $0xFFFFF086  }
0x1c: {  	p1 =	slt.u32 s9, $0xF7A;
	s5 =	simm.s32 @!p2 $0x0  }
0x1d: {  	s5 =	simm.s32 @p1 $0x1;
	p0 =	seq.s32 s7, s2  }
0x1e: {  	s7 =	smul.u32 @!p0 $0xF7A, s2;
	p2 =	seq.s32 @!p0 s5, $0x0  }
0x1f: {  	s9 =	smul.u32 $0xF7A, s1;
	s8 =	simm.s32 @!p0 $0x1BF5;
	p2 =	por !p2, p0  }
0x20: {  	[sflag:s8] =	ssyncset.s32 @!p0 $0xFFFFF086;
	s6 =	sadd.s32 @!p0 s3, s7;
	s7 =	simm.s32 @!p0 $0x108  }
0x21: {  	s3 =	sadd.s32 s3, s9;
	s6 =	sadd.s32 @!p0 $0x88, s6;
	s7 =	simm.s32 @p2 $0x1082  }
0x22: {  	[simem:s7], [sflag:s8] =	dma.local @!p0 [hbm:s6], $0xF7A  }
0x23: {  	s9 =	sor.u32 $0xD0000000, s2;
	s6 =	simm.s32 $0x108;
	_ =	swait.ge @!p0 [sflag:s8], $0x0  }
0x24: {  	s3 =	sadd.s32 $0x88, s3;
	s6 =	simm.s32 @!p1 $0x1082;
	[sflag:s4] =	ssyncset.s32 $0xFFFFF086  }
0x25: {  	[simem:s6], [sflag:s4] =	dma.local [hbm:s3], $0xF7A  }
0x26: {  	[smem:$0x3F9C] =	sst s1;
	(tag) =	ssettag s2;
	_ =	strace s9  }
0x27: {  	s1 =	sld [smem:$0x3FAC]  }
0x28: {  	s2 =	sld [smem:$0x3FAD]  }
0x29: {  	s4 =	sld [smem:$0x3FAF]  }
0x2a: {  	p0 =	seq.s32 s5, $0x0;
	s5 =	sld [smem:$0x3FB0]  }
0x2b: {  	s6 =	sld [smem:$0x3FB1]  }
0x2c: {  	s7 =	sld [smem:$0x3FB2]  }
0x2d: {  	s3 =	simm.s32 $0x108;
	s8 =	sld [smem:$0x3FB3]  }
0x2e: {  	s3 =	simm.s32 @!p0 $0x1082;
	s9 =	sld [smem:$0x3FB4]  }
0x2f: {  	lr =	sadd.s32 s0, s3;
	s0 =	sld [smem:$0x3FAB]  }
0x30: {  	s3 =	sld [smem:$0x3FAE]  }
0x31: {  	[smem:$0x3FB7] =	sst s10  }
0x32: {  	s10 =	sld [smem:$0x3FB5];
	_ =	sdelay $0x3  }
0x33: {  	p0 =	seq.s32 s10, $0x1;
	s10 =	sld [smem:$0x3FB7];
	_ =	sdelay $0x3  }
0x34: {  	[smem:$0x3FB7] =	sst s10  }
0x35: {  	s10 =	sld [smem:$0x3FB6];
	_ =	sdelay $0x3  }
0x36: {  	p1 =	seq.s32 s10, $0x1;
	s10 =	sld [smem:$0x3FB7];
	_ =	sdelay $0x3  }
0x37: {  	[smem:$0x3FB7] =	sst s10  }
0x38: {  	s10 =	sld [smem:$0x3FB8]  }
0x39: {  	_ = 	snop;
	(pc) =	sbr.ind lr, $3  }
0x3a: {  	_ = 	snop  }
0x3b: {  	_ = 	snop  }
0x3c: {  	p2 =	seq.s32 s10, $0x1;
	s10 =	sld [smem:$0x3FB7]  }
0x3d: {  	_ =	shalt  }
0x3e: {  	_ =	shalt  }
0x3f: {  	_ =	shalt  }
0x40: {  	_ =	shalt  }
0x41: {  	_ =	shalt  }
0x42: {  	_ =	shalt  }
0x43: {  	_ =	shalt  }
0x44: {  	_ =	shalt  }
0x45: {  	_ =	shalt  }
0x46: {  	_ =	shalt  }
0x47: {  	_ =	shalt  }
0x48: {  	_ =	shalt  }
0x49: {  	_ =	shalt  }
0x4a: {  	_ =	shalt  }
0x4b: {  	_ =	shalt  }
0x4c: {  	_ =	shalt  }
0x4d: {  	_ =	shalt  }
0x4e: {  	_ =	shalt  }
0x4f: {  	_ =	shalt  }
0x50: {  	_ =	shalt  }
0x51: {  	_ =	shalt  }
0x52: {  	_ =	shalt  }
0x53: {  	_ =	shalt  }
0x54: {  	_ =	shalt  }
0x55: {  	_ =	shalt  }
0x56: {  	_ =	shalt  }
0x57: {  	_ =	shalt  }
0x58: {  	_ =	shalt  }
0x59: {  	_ =	shalt  }
0x5a: {  	_ =	shalt  }
0x5b: {  	_ =	shalt  }
0x5c: {  	_ =	shalt  }
0x5d: {  	_ =	shalt  }
0x5e: {  	_ =	shalt  }
0x5f: {  	_ =	shalt  }
0x60: {  	_ =	shalt  }
0x61: {  	_ =	shalt  }
0x62: {  	_ =	shalt  }
0x63: {  	_ =	shalt  }
0x64: {  	_ =	shalt  }
0x65: {  	_ =	shalt  }
0x66: {  	_ =	shalt  }
0x67: {  	_ =	shalt  }
0x68: {  	_ =	shalt  }
0x69: {  	_ =	shalt  }
0x6a: {  	_ =	shalt  }
0x6b: {  	_ =	shalt  }
0x6c: {  	_ =	shalt  }
0x6d: {  	_ =	shalt  }
0x6e: {  	_ =	shalt  }
0x6f: {  	_ =	shalt  }
0x70: {  	_ =	shalt  }
0x71: {  	_ =	shalt  }
0x72: {  	_ =	shalt  }
0x73: {  	_ =	shalt  }
0x74: {  	_ =	shalt  }
0x75: {  	_ =	shalt  }
0x76: {  	_ =	shalt  }
0x77: {  	_ =	shalt  }
0x78: {  	_ =	shalt  }
0x79: {  	_ =	shalt  }
0x7a: {  	_ =	shalt  }
0x7b: {  	_ =	shalt  }
0x7c: {  	_ =	shalt  }
0x7d: {  	_ =	shalt  }
0x7e: {  	_ =	shalt  }
0x7f: {  	_ =	shalt  }
0x80: {  	_ =	shalt  }
0x81: {  	_ =	shalt  }
0x82: {  	_ =	shalt  }
0x83: {  	_ =	shalt  }
0x84: {  	_ =	shalt  }
0x85: {  	_ =	shalt  }
0x86: {  	_ =	shalt  }
0x87: {  	_ =	shalt  }
.Lfunc_end0:
.L_simem_size_0:
called_computation.3_lowered:
.L_overlay_start_0:
0x88: {  	s2 =	sld [smem:$0x3FD9]  }
0x89: {  	s3 =	sld [smem:$0x3FFE];
	_ =	sdelay $0x1  }
0x8a: {  	s1 =	srdreg.scid  }
0x8b: {  	s0 =	sand.u32 $0x1, s1  }
0x8c: {  	s16 =	sshll.u32 s0, $0xA;
	s2 =	sadd.s32 s3, s2  }
0x8d: {  	s2 =	sadd.s32 s2, s16  }
0x8e: {  	[smem:$0x3FC3] =	sst s2  }
0x8f: {  	_ = 	snop  }
0x90: {  	(tm) =	ssettm $0x1  }
0x91: {  	s17 =	sld [smem:$0x3FFB];
	_ =	sdelay $0x3  }
0x92: {  	_ =	strace s17  }
0x93: {  	s2 =	sld [smem:$0x3FFC];
	_ =	sdelay $0x3  }
0x94: {  	_ =	strace s2  }
0x95: {  	s2 =	sld [smem:$0x3FFD];
	_ =	sdelay $0x3  }
0x96: {  	_ =	strace s2  }
0x97: {  	_ =	strace $0x8FFFFFFF  }
0x98: {  	s18 =	sld [smem:$0x3FDB];
	_ =	sdelay $0x1  }
0x99: {  	s19 =	simm.s32 $_scs_section_size  }
0x9a: {  	s4 =	simm.s32 $_size__tile_overlayer_lowered;
	s5 =	simm.s32 $_tile_overlayer_lowered  }
0x9b: {  	s22 =	simm.s32 $0x1BFF;
	s21 =	sshll.u32 s5, $0x1;
	s2 =	sadd.s32 s19, s18  }
0x9c: {  	s6 =	simm.s32 $0x0;
	s20 =	sshll.u32 s4, $0x1;
	s4 =	sadd.s32 s21, s2  }
0x9d: {  	[timem:s6], [sflag:s22] =	dma.local [hbm:s4], s20  }
0x9e: {  	_ =	swait.ge [sflag:s22], s20  }
0x9f: {  	s3 =	ssub.s32 $0x0, s20;
	[sflag:s22] =	ssyncset.done $0x0  }
0xa0: {  	[sflag:s22] =	ssyncadd.s32 s3;
	_ =	sdelay $0x1  }
0xa1: {  	s23 =	simm.s32 $0x1B8B  }
0xa2: {  	_ =	swait.ge [sflag:s23], $0x1  }
0xa3: {  	[sflag:s23] =	ssyncset.done $0x0  }
0xa4: {  	s25 =	simm.s32 $0x1B8E;
	s24 =	sld [smem:$0x3FFE];
	[sflag:s23] =	ssyncadd.s32 $0xFFFFFFFF  }
0xa5: {  	s26 =	simm.s32 $execute0_lowered;
	[smem:$0x3FD2] =	sst s25  }
0xa6: {  	s4 =	sshll.u32 s26, $0x1;
	_ =	strace $0x8000004F;
	[dreg:$0x1] =	wrdreg $0xFFFFFFFF  }
0xa7: {  	s28 =	simm.s32 $_size_execute0_lowered;
	s2 =	sadd.s32 s2, s4;
	[dreg:$0x0] =	wrdreg $0x0  }
0xa8: {  	s4 =	sshll.u32 s28, $0x1;
	[dreg:$0x2] =	wrdreg s2  }
0xa9: {  	[dreg:$0x3] =	wrdreg s4  }
0xaa: {  	[dreg:$0x4] =	wrdreg $0xC0  }
0xab: {  	_ =	task [dreg:s6], $0x5FFFF  }
0xac: {  	[dreg:$0x1] =	wrdreg $0xFFFFFFFF  }
0xad: {  	[dreg:$0x0] =	wrdreg $0x60  }
0xae: {  	[dreg:$0x2] =	wrdreg s24  }
0xaf: {  	[dreg:$0x3] =	wrdreg $0x0  }
0xb0: {  	[dreg:$0x4] =	wrdreg $0x9  }
0xb1: {  	_ =	task.clear_ibuf [dreg:s6], $0x5FFFF;
	_ =	strace $0x9000004F  }
0xb2: {  	s29 =	simm.s32 $0x9;
	_ =	strace $0x80000051  }
0xb3: {  	_ =	swait.ge [sflag:s29], $0x1  }
0xb4: {  	[sflag:s29] =	ssyncadd.s32 $0xFFFFFFFF  }
0xb5: {  	_ =	strace $0x90000051  }
0xb6: {  	_ =	sfence  }
0xb7: {  	s30 =	sld [smem:$0x0];
	_ =	sdelay $0x2  }
0xb8: {  	s31 =	sshll.u32 s1, $0xD;
	s1 =	sshrl.u32 s1, $0x2  }
0xb9: {  	s3 =	sand.u32 $0x4000, s31;
	s1 =	sadd.s32 s1, s30  }
0xba: {  	s0 =	sor.u32 s3, s0;
	s1 =	sshll.u32 s1, $0x11  }
0xbb: {  	s0 =	sor.u32 s1, s0  }
0xbc: {  	s0 =	sadd.s32 $0x8F2B, s0  }
0xbd: {  	[sflag:s0] =	ssyncadd.remote.s32 $0x1  }
0xbe: {  	_ =	sfence.sel $0xFFFF  }
0xbf: {  	[dreg:$0x0] =	wrdreg $0xFFFFFFFF;
	(pc) =	sbr.abs _section_cstart, $3  }
0xc0: {  	[dreg:$0x1] =	wrdreg $0xFFFFFFFF  }
0xc1: {  	_ =	task.clear_ibuf [dreg:s6], $0x2FFFF;
	_ =	strace $0x9FFFFFFF  }
0xc2: {  	(tm) =	ssettm $0x7FFFFFFF  }
0xc3: {  	_ =	shalt  }
tec
execute0_lowered:
.L_overlay_start_1:
0x0: {  	(tag) =	ssettag $0x1  }
0x1: {  	s5 =	rddreg [dreg:$0x0]  }
0x2: {  	s2 =	rddreg [dreg:$0x1]  }
0x3: {  	s0 =	rddreg [dreg:$0x2];
	s3 =	simm.s32 $0x0  }
0x4: {  	s1 =	stileid.u32;
	s4 =	srdreg.scid;
	s16 =	simm.s32 $0x1D000  }
0x5: {  	s17 =	simm.s32 $0x80;
	s18 =	simm.s32 $0x13C00;
	s19 =	simm.s32 $0x1BC80  }
0x6: {  	s20 =	simm.s32 $0x17C00;
	s21 =	simm.s32 $0x1;
	s22 =	simm.s32 $0x2  }
0x7: {  	s23 =	simm.s32 $0x1E300;
	s24 =	simm.s32 $0x1E380;
	s25 =	simm.s32 $0x0  }
0x8: {  	[smem:$0x7FF] =	sst s3;
	s6 =	smul.u32 $0x13C00, s1;
	s7 =	sand.u32 $0x1, s4  }
0x9: {  	s4 =	sadd.s32 $0x16A00, s5;
	s10 =	sadd.s32 $0xCA00, s5;
	s11 =	sadd.s32 $0x2A00, s5  }
0xa: {  	s29 =	smul.u32 $0x4F000, s1;
	s30 =	sshll.u32 s1, $0x6;
	_ =	strace $0x80000050  }
0xb: {  	s9 =	smul.u32 $0x13C000, s7;
	s12 =	sshll.u32 s7, $0x4;
	s7 =	ssub.s32 $0x2, s7  }
0xc: {  	s8 =	sshrl.u32 s6, $0x3;
	s12 =	sor.u32 s1, s12;
	s13 =	sshrl.u32 s7, $0x1  }
0xd: {  	s8 =	sadd.s32 s8, s5;
	s6 =	sadd.s32 s6, s9;
	s12 =	smul.u32 $0x2800, s12  }
0xe: {  	s9 =	sshrl.u32 s29, $0x2;
	s13 =	ssub.s32 s7, s13;
	s6 =	sshrl.u32 s6, $0x3  }
0xf: {  	s15 =	sadd.s32 s9, s2;
	s14 =	sadd.s32 s6, s5;
	s31 =	sshrl.u32 s12, $0x3  }
0x10: {  	s5 =	sadd.s32 $0x3E200, s8;
	s6 =	sor.u32 $0x1C03, s30;
	s12 =	sadd.s32 $0x280, s31  }
0x11: {  	s7 =	sadd.s32 s10, s31;
	s8 =	sadd.s32 s11, s31;
	s9 =	sadd.s32 s10, s12  }
0x12: {  	s10 =	sadd.s32 s11, s12;
	s11 =	sadd.s32 $0x65A00, s14;
	s12 =	smax.u32 s13, $0x1  }
0x13: {  	s13 =	sshrl.u32 s15, $0x3;
	s14 =	simm.s32 $0x3;
	s15 =	simm.s32 $0x1BC00  }
.LBB2_1:
0x14: {  	[spmem:s13], [sflag:s6] =	dma.local [hbm:s5], $0x2780  }
0x15: {  	_ =	swait.ge [sflag:s14], $0x2780  }
0x16: {  	[sflag:s14] =	ssyncset.done $0x0  }
0x17: {  	[sflag:s14] =	ssyncadd.s32 $0xFFFFD880  }
0x18: {  	[bflag:$0x0] =	sbarrier.arrive $0xFFFF  }
0x19: {  	[tilespmem:s15], [sflag:$0x3] =	stream.linear.gather [hbm4b:s7+s3], $0x1400, $0x38;
	[tilespmem:$0x1E400] =	vst v63  }
0x1a: {  	_ =	swait.ge [sflag:s14], $0x1400  }
0x1b: {  	[sflag:s14] =	ssyncset.done $0x0  }
0x1c: {  	[sflag:s14] =	ssyncadd.s32 $0xFFFFEC00  }
0x1d: {  	[tilespmem:s16], [sflag:$0x3] =	stream.linear.gather [hbm4b:s8+s3], $0x1400, $0x38;
	[tilespmem:$0x1E400] =	vst v63  }
0x1e: {  	_ =	swait.ge [sflag:s14], $0x1400  }
0x1f: {  	[sflag:s14] =	ssyncset.done $0x0  }
0x20: {  	[sflag:s14] =	ssyncadd.s32 $0xFFFFEC00  }
0x21: {  	[tilespmem:s18], [sflag:$0x1] =	stream.indirect.gather [hbm4b:s4+s17], $0x80, s15, s17, $0xb8;
	[tilespmem:$0x1E400] =	vst v63  }
0x22: {  	_ = 	snop  }
0x23: {  	[tilespmem:s20], [sflag:$0x2] =	stream.indirect.gather [hbm4b:s4+s17], $0x80, s19, s17, $0xb8;
	[tilespmem:$0x1E400] =	vst v63  }
0x24: {  	_ =	swait.ge [sflag:s21], $0x4000  }
0x25: {  	[sflag:s21] =	ssyncset.done $0x0  }
0x26: {  	s26 =	simm.s32 $0x1D000;
	[sflag:s21] =	ssyncadd.s32 $0xFFFFC000  }
0x27: {  	[spmem:s2] =	stream.indirect.scatter.add.f32 [tilespmem:s18], [sflag:$0x3], $0x80, s26, s17, $0xb8;
	[tilespmem:$0x1E400] =	vst v63  }
0x28: {  	_ =	swait.ge [sflag:s14], $0x4000  }
0x29: {  	[sflag:s14] =	ssyncset.done $0x0  }
0x2a: {  	s30 =	simm.s32 $0x1BD00;
	[sflag:s14] =	ssyncadd.s32 $0xFFFFC000  }
0x2b: {  	[tilespmem:s18], [sflag:$0x1] =	stream.indirect.gather [hbm4b:s4+s17], $0x80, s30, s17, $0xb8;
	[tilespmem:$0x1E400] =	vst v63  }
0x2c: {  	_ =	swait.ge [sflag:s22], $0x4000  }
0x2d: {  	[sflag:s22] =	ssyncset.done $0x0  }
0x2e: {  	s31 =	simm.s32 $0x1D080;
	[sflag:s22] =	ssyncadd.s32 $0xFFFFC000  }
0x2f: {  	[spmem:s2] =	stream.indirect.scatter.add.f32 [tilespmem:s20], [sflag:$0x3], $0x80, s31, s17, $0xb8;
	[tilespmem:$0x1E400] =	vst v63  }
0x30: {  	_ =	swait.ge [sflag:s14], $0x4000  }
0x31: {  	[sflag:s14] =	ssyncset.done $0x0  }
0x32: {  	s28 =	simm.s32 $0x1BD80;
	s26 =	simm.s32 $0x400;
	[sflag:s14] =	ssyncadd.s32 $0xFFFFC000  }
.LBB2_2:
0x33: {  	[tilespmem:s20], [sflag:$0x2] =	stream.indirect.gather [hbm4b:s4+s17], $0x80, s28, s17, $0xb8;
	[tilespmem:$0x1E400] =	vst v63  }
0x34: {  	s28 =	smov.u32 s26  }
0x35: {  	p0 =	sne.s32 s26, $0x4800;
	s26 =	sadd.s32 $0x400, s26;
	_ =	swait.ge [sflag:s21], $0x4000  }
0x36: {  	s28 =	sshra.s32 s28, $0x2;
	[sflag:s21] =	ssyncset.done $0x0  }
0x37: {  	s29 =	sadd.s32 $0x1D000, s28;
	[sflag:s21] =	ssyncadd.s32 $0xFFFFC000  }
0x38: {  	[spmem:s2] =	stream.indirect.scatter.add.f32 [tilespmem:s18], [sflag:$0x3], $0x80, s29, s17, $0xb8;
	[tilespmem:$0x1E400] =	vst v63  }
0x39: {  	_ =	swait.ge [sflag:s14], $0x4000  }
0x3a: {  	[sflag:s14] =	ssyncset.done $0x0  }
0x3b: {  	s29 =	sadd.s32 $0x1BD00, s28;
	[sflag:s14] =	ssyncadd.s32 $0xFFFFC000  }
0x3c: {  	[tilespmem:s18], [sflag:$0x1] =	stream.indirect.gather [hbm4b:s4+s17], $0x80, s29, s17, $0xb8;
	[tilespmem:$0x1E400] =	vst v63  }
0x3d: {  	_ =	swait.ge [sflag:s22], $0x4000  }
0x3e: {  	[sflag:s22] =	ssyncset.done $0x0  }
.Ltmp0:
0x3f: {  	s29 =	sadd.s32 $0x1D080, s28;
	[sflag:s22] =	ssyncadd.s32 $0xFFFFC000;
	(pc) =	sbr.rel @p0 .LBB2_2-.Ltmp0, $4  }
0x40: {  	[spmem:s2] =	stream.indirect.scatter.add.f32 [tilespmem:s20], [sflag:$0x3], $0x80, s29, s17, $0xb8;
	[tilespmem:$0x1E400] =	vst v63  }
0x41: {  	_ =	swait.ge [sflag:s14], $0x4000  }
0x42: {  	[sflag:s14] =	ssyncset.done $0x0  }
0x43: {  	s28 =	sadd.s32 $0x1BD80, s28;
	[sflag:s14] =	ssyncadd.s32 $0xFFFFC000  }
0x44: {  	[tilespmem:s20], [sflag:$0x2] =	stream.indirect.gather [hbm4b:s4+s17], $0x80, s28, s17, $0xb8;
	[tilespmem:$0x1E400] =	vst v63  }
0x45: {  	_ =	swait.ge [sflag:s21], $0x4000  }
0x46: {  	[sflag:s21] =	ssyncset.done $0x0  }
0x47: {  	[sflag:s21] =	ssyncadd.s32 $0xFFFFC000  }
0x48: {  	[spmem:s2] =	stream.indirect.scatter.add.f32 [tilespmem:s18], [sflag:$0x3], $0x80, s23, s17, $0xb8;
	[tilespmem:$0x1E400] =	vst v63  }
0x49: {  	_ =	swait.ge [sflag:s14], $0x4000  }
0x4a: {  	[sflag:s14] =	ssyncset.done $0x0  }
0x4b: {  	[sflag:s14] =	ssyncadd.s32 $0xFFFFC000  }
0x4c: {  	_ =	swait.ge [sflag:s22], $0x4000  }
0x4d: {  	[sflag:s22] =	ssyncset.done $0x0  }
0x4e: {  	[sflag:s22] =	ssyncadd.s32 $0xFFFFC000  }
0x4f: {  	[spmem:s2] =	stream.indirect.scatter.add.f32 [tilespmem:s20], [sflag:$0x3], $0x80, s24, s17, $0xb8;
	[tilespmem:$0x1E400] =	vst v63  }
0x50: {  	_ =	swait.ge [sflag:s14], $0x4000  }
0x51: {  	[sflag:s14] =	ssyncset.done $0x0  }
0x52: {  	s26 =	simm.s32 $0x0;
	[sflag:s14] =	ssyncadd.s32 $0xFFFFC000  }
0x53: {  	[tilespmem:s15], [sflag:$0x3] =	stream.linear.gather [hbm4b:s9+s26], $0x1400, $0x38;
	[tilespmem:$0x1E400] =	vst v63  }
0x54: {  	_ =	swait.ge [sflag:s14], $0x1400  }
0x55: {  	[sflag:s14] =	ssyncset.done $0x0  }
0x56: {  	[sflag:s14] =	ssyncadd.s32 $0xFFFFEC00  }
0x57: {  	[tilespmem:s16], [sflag:$0x3] =	stream.linear.gather [hbm4b:s10+s26], $0x1400, $0x38;
	[tilespmem:$0x1E400] =	vst v63  }
0x58: {  	_ =	swait.ge [sflag:s14], $0x1400  }
0x59: {  	[sflag:s14] =	ssyncset.done $0x0  }
0x5a: {  	[sflag:s14] =	ssyncadd.s32 $0xFFFFEC00  }
0x5b: {  	[tilespmem:s18], [sflag:$0x1] =	stream.indirect.gather [hbm4b:s4+s17], $0x80, s15, s17, $0xb8;
	[tilespmem:$0x1E400] =	vst v63  }
0x5c: {  	_ = 	snop  }
0x5d: {  	[tilespmem:s20], [sflag:$0x2] =	stream.indirect.gather [hbm4b:s4+s17], $0x80, s19, s17, $0xb8;
	[tilespmem:$0x1E400] =	vst v63  }
0x5e: {  	_ =	swait.ge [sflag:s21], $0x4000  }
0x5f: {  	[sflag:s21] =	ssyncset.done $0x0  }
0x60: {  	s29 =	simm.s32 $0x1D000;
	[sflag:s21] =	ssyncadd.s32 $0xFFFFC000  }
0x61: {  	[spmem:s2] =	stream.indirect.scatter.add.f32 [tilespmem:s18], [sflag:$0x3], $0x80, s29, s17, $0xb8;
	[tilespmem:$0x1E400] =	vst v63  }
0x62: {  	_ =	swait.ge [sflag:s14], $0x4000  }
0x63: {  	[sflag:s14] =	ssyncset.done $0x0  }
0x64: {  	s30 =	simm.s32 $0x1BD00;
	[sflag:s14] =	ssyncadd.s32 $0xFFFFC000  }
0x65: {  	[tilespmem:s18], [sflag:$0x1] =	stream.indirect.gather [hbm4b:s4+s17], $0x80, s30, s17, $0xb8;
	[tilespmem:$0x1E400] =	vst v63  }
0x66: {  	_ =	swait.ge [sflag:s22], $0x4000  }
0x67: {  	[sflag:s22] =	ssyncset.done $0x0  }
0x68: {  	s31 =	simm.s32 $0x1D080;
	[sflag:s22] =	ssyncadd.s32 $0xFFFFC000  }
0x69: {  	[spmem:s2] =	stream.indirect.scatter.add.f32 [tilespmem:s20], [sflag:$0x3], $0x80, s31, s17, $0xb8;
	[tilespmem:$0x1E400] =	vst v63  }
0x6a: {  	_ =	swait.ge [sflag:s14], $0x4000  }
0x6b: {  	[sflag:s14] =	ssyncset.done $0x0  }
0x6c: {  	s28 =	simm.s32 $0x1BD80;
	s26 =	simm.s32 $0x400;
	[sflag:s14] =	ssyncadd.s32 $0xFFFFC000  }
.LBB2_4:
0x6d: {  	[tilespmem:s20], [sflag:$0x2] =	stream.indirect.gather [hbm4b:s4+s17], $0x80, s28, s17, $0xb8;
	[tilespmem:$0x1E400] =	vst v63  }
0x6e: {  	s28 =	smov.u32 s26  }
0x6f: {  	p0 =	sne.s32 s26, $0x4800;
	s26 =	sadd.s32 $0x400, s26;
	_ =	swait.ge [sflag:s21], $0x4000  }
0x70: {  	s28 =	sshra.s32 s28, $0x2;
	[sflag:s21] =	ssyncset.done $0x0  }
0x71: {  	s29 =	sadd.s32 $0x1D000, s28;
	[sflag:s21] =	ssyncadd.s32 $0xFFFFC000  }
0x72: {  	[spmem:s2] =	stream.indirect.scatter.add.f32 [tilespmem:s18], [sflag:$0x3], $0x80, s29, s17, $0xb8;
	[tilespmem:$0x1E400] =	vst v63  }
0x73: {  	_ =	swait.ge [sflag:s14], $0x4000  }
0x74: {  	[sflag:s14] =	ssyncset.done $0x0  }
0x75: {  	s29 =	sadd.s32 $0x1BD00, s28;
	[sflag:s14] =	ssyncadd.s32 $0xFFFFC000  }
0x76: {  	[tilespmem:s18], [sflag:$0x1] =	stream.indirect.gather [hbm4b:s4+s17], $0x80, s29, s17, $0xb8;
	[tilespmem:$0x1E400] =	vst v63  }
0x77: {  	_ =	swait.ge [sflag:s22], $0x4000  }
0x78: {  	[sflag:s22] =	ssyncset.done $0x0  }
.Ltmp1:
0x79: {  	s29 =	sadd.s32 $0x1D080, s28;
	[sflag:s22] =	ssyncadd.s32 $0xFFFFC000;
	(pc) =	sbr.rel @p0 .LBB2_4-.Ltmp1, $4  }
0x7a: {  	[spmem:s2] =	stream.indirect.scatter.add.f32 [tilespmem:s20], [sflag:$0x3], $0x80, s29, s17, $0xb8;
	[tilespmem:$0x1E400] =	vst v63  }
0x7b: {  	_ =	swait.ge [sflag:s14], $0x4000  }
0x7c: {  	[sflag:s14] =	ssyncset.done $0x0  }
0x7d: {  	s28 =	sadd.s32 $0x1BD80, s28;
	[sflag:s14] =	ssyncadd.s32 $0xFFFFC000  }
0x7e: {  	[tilespmem:s20], [sflag:$0x2] =	stream.indirect.gather [hbm4b:s4+s17], $0x80, s28, s17, $0xb8;
	[tilespmem:$0x1E400] =	vst v63  }
0x7f: {  	_ =	swait.ge [sflag:s21], $0x4000  }
0x80: {  	[sflag:s21] =	ssyncset.done $0x0  }
0x81: {  	[sflag:s21] =	ssyncadd.s32 $0xFFFFC000  }
0x82: {  	[spmem:s2] =	stream.indirect.scatter.add.f32 [tilespmem:s18], [sflag:$0x3], $0x80, s23, s17, $0xb8;
	[tilespmem:$0x1E400] =	vst v63  }
0x83: {  	_ =	swait.ge [sflag:s14], $0x4000  }
0x84: {  	[sflag:s14] =	ssyncset.done $0x0  }
0x85: {  	[sflag:s14] =	ssyncadd.s32 $0xFFFFC000  }
0x86: {  	_ =	swait.ge [sflag:s22], $0x4000  }
0x87: {  	[sflag:s22] =	ssyncset.done $0x0  }
0x88: {  	[sflag:s22] =	ssyncadd.s32 $0xFFFFC000  }
0x89: {  	[spmem:s2] =	stream.indirect.scatter.add.f32 [tilespmem:s20], [sflag:$0x3], $0x80, s24, s17, $0xb8;
	[tilespmem:$0x1E400] =	vst v63  }
0x8a: {  	_ =	swait.ge [sflag:s14], $0x4000  }
0x8b: {  	s25 =	sadd.s32 $0x1, s25;
	[sflag:s14] =	ssyncset.done $0x0  }
0x8c: {  	p0 =	sne.s32 s25, s12;
	[sflag:s14] =	ssyncadd.s32 $0xFFFFC000  }
.Ltmp2:
0x8d: {  	[bflag:$0x0] =	sbarrier.arrive $0xFFFF;
	(pc) =	sbr.rel @p0 .LBB2_1-.Ltmp2, $4  }
0x8e: {  	[hbm:s11], [sflag:s6] =	dma.local [spmem:s13], $0x2780  }
0x8f: {  	_ =	swait.ge [sflag:s14], $0x2780  }
0x90: {  	[sflag:s14] =	ssyncset.done $0x0  }
0x91: {  	[sflag:s14] =	ssyncadd.s32 $0xFFFFD880  }
0x92: {  	_ =	sfence.sel $0x180000  }
0x93: {  	[bflag:$0x0] =	sbarrier.arrive $0xFFFF  }
0x94: {  	p0 =	sne.s32 s1, $0x0;
	_ =	strace $0x90000050  }
0x95: {  	s0 =	sadd.s32 @!p0 $0x100000, s0;
	[bflag:$0x2] =	sbarrier.arrive $0xFFFF  }
0x96: {  	[sflag:s0] =	ssyncadd.tile.s32 @!p0 $0x1;
	_ =	shalt  }
.Lfunc_end2:
_tile_overlayer_lowered:
.L_overlay_start_2:
0x97: {  	(tag) =	ssettag $0x2  }
0x98: {  	s0 =	rddreg [dreg:$0x0];
	s2 =	stileid.u32  }
0x99: {  	s1 =	rddreg [dreg:$0x1];
	p0 =	sne.s32 s2, $0x0  }
0x9a: {  	s3 =	rddreg [dreg:$0x2];
	[bflag:$0x3] =	sbarrier.arrive $0xFFFF;
	s2 =	simm.s32 @!p0 $0x1C03  }
0x9b: {  	[timem:s3], [sflag:s2] =	dma.local @!p0 [hbm:s0], s1  }
0x9c: {  	s0 =	simm.s32 @!p0 $0x3  }
0x9d: {  	_ =	swait.ge @!p0 [sflag:s0], s1  }
0x9e: {  	s1 =	ssub.s32 @!p0 $0x0, s1;
	[sflag:s0] =	ssyncset.done @!p0 $0x0  }
0x9f: {  	[sflag:s0] =	ssyncadd.s32 @!p0 s1  }
0xa0: {  	[bflag:$0x3] =	sbarrier.arrive $0xFFFF  }
0xa1: {  	_ =	shalt  }

// kernel: kernel.24.cloned.1.call-start
scs
__scs_entry_jumppad:
0x0: {  	(pc) =	sbr.rel $0x88, $3  }
0x1: {  	(tag) =	ssettag $0x0;
	lr =	simm.s32 $0x1  }
0x2: {  	[smem:$0x3F9C] =	sst lr;
	_ =	strace $0xD0000000  }
0x3: {  	_ = 	snop  }
0x4: {  	_ = 	snop  }
0x5: {  	_ = 	snop  }
0x6: {  	_ = 	snop  }
0x7: {  	_ = 	snop  }
__scs_overlays_trampoline_lowered:
0x8: {  	[smem:$0x3FAB] =	sst s0  }
0x9: {  	[smem:$0x3FAC] =	sst s1  }
0xa: {  	[smem:$0x3FAD] =	sst s2  }
0xb: {  	[smem:$0x3FAE] =	sst s3  }
0xc: {  	[smem:$0x3FAF] =	sst s4  }
0xd: {  	[smem:$0x3FB0] =	sst s5  }
0xe: {  	[smem:$0x3FB1] =	sst s6  }
0xf: {  	[smem:$0x3FB2] =	sst s7  }
0x10: {  	[smem:$0x3FB3] =	sst s8  }
0x11: {  	[smem:$0x3FB4] =	sst s9;
	s0 =	simm.s32 @!p0 $0x0  }
0x12: {  	s1 =	sld [smem:$0x3F9A];
	s0 =	simm.s32 @p0 $0x1  }
0x13: {  	[smem:$0x3FB5] =	sst s0;
	s0 =	simm.s32 @!p1 $0x0  }
0x14: {  	s2 =	sld [smem:$0x3F99];
	s0 =	simm.s32 @p1 $0x1  }
0x15: {  	[smem:$0x3FB6] =	sst s0;
	s0 =	simm.s32 @!p2 $0x0  }
0x16: {  	s3 =	sld [smem:$0x3FDB];
	s0 =	simm.s32 @p2 $0x1  }
0x17: {  	s4 =	simm.s32 $0x1BF5;
	[smem:$0x3FB8] =	sst s0  }
0x18: {  	s0 =	sld [smem:$0x3F9B];
	_ =	swait.ge [sflag:s4], $0x0  }
0x19: {  	s7 =	sld [smem:$0x3F9C]  }
0x1a: {  	s8 =	sadd.s32 $0xFFFFE003, lr  }
0x1b: {  	s9 =	sadd.s32 $0xFFFFFEF7, lr;
	s5 =	simm.s32 $0xFFFFFFFF;
	p2 =	slt.u32 s8, $0xFFFFF086  }
0x1c: {  	p1 =	slt.u32 s9, $0xF7A;
	s5 =	simm.s32 @!p2 $0x0  }
0x1d: {  	s5 =	simm.s32 @p1 $0x1;
	p0 =	seq.s32 s7, s2  }
0x1e: {  	s7 =	smul.u32 @!p0 $0xF7A, s2;
	p2 =	seq.s32 @!p0 s5, $0x0  }
0x1f: {  	s9 =	smul.u32 $0xF7A, s1;
	s8 =	simm.s32 @!p0 $0x1BF5;
	p2 =	por !p2, p0  }
0x20: {  	[sflag:s8] =	ssyncset.s32 @!p0 $0xFFFFF086;
	s6 =	sadd.s32 @!p0 s3, s7;
	s7 =	simm.s32 @!p0 $0x108  }
0x21: {  	s3 =	sadd.s32 s3, s9;
	s6 =	sadd.s32 @!p0 $0x88, s6;
	s7 =	simm.s32 @p2 $0x1082  }
0x22: {  	[simem:s7], [sflag:s8] =	dma.local @!p0 [hbm:s6], $0xF7A  }
0x23: {  	s9 =	sor.u32 $0xD0000000, s2;
	s6 =	simm.s32 $0x108;
	_ =	swait.ge @!p0 [sflag:s8], $0x0  }
0x24: {  	s3 =	sadd.s32 $0x88, s3;
	s6 =	simm.s32 @!p1 $0x1082;
	[sflag:s4] =	ssyncset.s32 $0xFFFFF086  }
0x25: {  	[simem:s6], [sflag:s4] =	dma.local [hbm:s3], $0xF7A  }
0x26: {  	[smem:$0x3F9C] =	sst s1;
	(tag) =	ssettag s2;
	_ =	strace s9  }
0x27: {  	s1 =	sld [smem:$0x3FAC]  }
0x28: {  	s2 =	sld [smem:$0x3FAD]  }
0x29: {  	s4 =	sld [smem:$0x3FAF]  }
0x2a: {  	p0 =	seq.s32 s5, $0x0;
	s5 =	sld [smem:$0x3FB0]  }
0x2b: {  	s6 =	sld [smem:$0x3FB1]  }
0x2c: {  	s7 =	sld [smem:$0x3FB2]  }
0x2d: {  	s3 =	simm.s32 $0x108;
	s8 =	sld [smem:$0x3FB3]  }
0x2e: {  	s3 =	simm.s32 @!p0 $0x1082;
	s9 =	sld [smem:$0x3FB4]  }
0x2f: {  	lr =	sadd.s32 s0, s3;
	s0 =	sld [smem:$0x3FAB]  }
0x30: {  	s3 =	sld [smem:$0x3FAE]  }
0x31: {  	[smem:$0x3FB7] =	sst s10  }
0x32: {  	s10 =	sld [smem:$0x3FB5];
	_ =	sdelay $0x3  }
0x33: {  	p0 =	seq.s32 s10, $0x1;
	s10 =	sld [smem:$0x3FB7];
	_ =	sdelay $0x3  }
0x34: {  	[smem:$0x3FB7] =	sst s10  }
0x35: {  	s10 =	sld [smem:$0x3FB6];
	_ =	sdelay $0x3  }
0x36: {  	p1 =	seq.s32 s10, $0x1;
	s10 =	sld [smem:$0x3FB7];
	_ =	sdelay $0x3  }
0x37: {  	[smem:$0x3FB7] =	sst s10  }
0x38: {  	s10 =	sld [smem:$0x3FB8]  }
0x39: {  	_ = 	snop;
	(pc) =	sbr.ind lr, $3  }
0x3a: {  	_ = 	snop  }
0x3b: {  	_ = 	snop  }
0x3c: {  	p2 =	seq.s32 s10, $0x1;
	s10 =	sld [smem:$0x3FB7]  }
0x3d: {  	_ =	shalt  }
0x3e: {  	_ =	shalt  }
0x3f: {  	_ =	shalt  }
0x40: {  	_ =	shalt  }
0x41: {  	_ =	shalt  }
0x42: {  	_ =	shalt  }
0x43: {  	_ =	shalt  }
0x44: {  	_ =	shalt  }
0x45: {  	_ =	shalt  }
0x46: {  	_ =	shalt  }
0x47: {  	_ =	shalt  }
0x48: {  	_ =	shalt  }
0x49: {  	_ =	shalt  }
0x4a: {  	_ =	shalt  }
0x4b: {  	_ =	shalt  }
0x4c: {  	_ =	shalt  }
0x4d: {  	_ =	shalt  }
0x4e: {  	_ =	shalt  }
0x4f: {  	_ =	shalt  }
0x50: {  	_ =	shalt  }
0x51: {  	_ =	shalt  }
0x52: {  	_ =	shalt  }
0x53: {  	_ =	shalt  }
0x54: {  	_ =	shalt  }
0x55: {  	_ =	shalt  }
0x56: {  	_ =	shalt  }
0x57: {  	_ =	shalt  }
0x58: {  	_ =	shalt  }
0x59: {  	_ =	shalt  }
0x5a: {  	_ =	shalt  }
0x5b: {  	_ =	shalt  }
0x5c: {  	_ =	shalt  }
0x5d: {  	_ =	shalt  }
0x5e: {  	_ =	shalt  }
0x5f: {  	_ =	shalt  }
0x60: {  	_ =	shalt  }
0x61: {  	_ =	shalt  }
0x62: {  	_ =	shalt  }
0x63: {  	_ =	shalt  }
0x64: {  	_ =	shalt  }
0x65: {  	_ =	shalt  }
0x66: {  	_ =	shalt  }
0x67: {  	_ =	shalt  }
0x68: {  	_ =	shalt  }
0x69: {  	_ =	shalt  }
0x6a: {  	_ =	shalt  }
0x6b: {  	_ =	shalt  }
0x6c: {  	_ =	shalt  }
0x6d: {  	_ =	shalt  }
0x6e: {  	_ =	shalt  }
0x6f: {  	_ =	shalt  }
0x70: {  	_ =	shalt  }
0x71: {  	_ =	shalt  }
0x72: {  	_ =	shalt  }
0x73: {  	_ =	shalt  }
0x74: {  	_ =	shalt  }
0x75: {  	_ =	shalt  }
0x76: {  	_ =	shalt  }
0x77: {  	_ =	shalt  }
0x78: {  	_ =	shalt  }
0x79: {  	_ =	shalt  }
0x7a: {  	_ =	shalt  }
0x7b: {  	_ =	shalt  }
0x7c: {  	_ =	shalt  }
0x7d: {  	_ =	shalt  }
0x7e: {  	_ =	shalt  }
0x7f: {  	_ =	shalt  }
0x80: {  	_ =	shalt  }
0x81: {  	_ =	shalt  }
0x82: {  	_ =	shalt  }
0x83: {  	_ =	shalt  }
0x84: {  	_ =	shalt  }
0x85: {  	_ =	shalt  }
0x86: {  	_ =	shalt  }
0x87: {  	_ =	shalt  }
.Lfunc_end0:
.L_simem_size_0:
called_computation.4_lowered:
.L_overlay_start_0:
0x88: {  	s2 =	sld [smem:$0x3FD9]  }
0x89: {  	s3 =	sld [smem:$0x3FFE];
	_ =	sdelay $0x1  }
0x8a: {  	s1 =	srdreg.scid  }
0x8b: {  	s0 =	sand.u32 $0x1, s1  }
0x8c: {  	s16 =	sshll.u32 s0, $0xA;
	s2 =	sadd.s32 s3, s2  }
0x8d: {  	s2 =	sadd.s32 s2, s16  }
0x8e: {  	[smem:$0x3FC3] =	sst s2  }
0x8f: {  	_ = 	snop  }
0x90: {  	(tm) =	ssettm $0x1  }
0x91: {  	s17 =	sld [smem:$0x3FFB];
	_ =	sdelay $0x3  }
0x92: {  	_ =	strace s17  }
0x93: {  	s2 =	sld [smem:$0x3FFC];
	_ =	sdelay $0x3  }
0x94: {  	_ =	strace s2  }
0x95: {  	s2 =	sld [smem:$0x3FFD];
	_ =	sdelay $0x3  }
0x96: {  	_ =	strace s2  }
0x97: {  	_ =	strace $0x8FFFFFFF  }
0x98: {  	s18 =	sld [smem:$0x3FDB];
	_ =	sdelay $0x1  }
0x99: {  	s19 =	simm.s32 $_scs_section_size  }
0x9a: {  	s4 =	simm.s32 $_size__tile_overlayer_lowered;
	s5 =	simm.s32 $_tile_overlayer_lowered  }
0x9b: {  	s22 =	simm.s32 $0x1BFF;
	s21 =	sshll.u32 s5, $0x1;
	s2 =	sadd.s32 s19, s18  }
0x9c: {  	s6 =	simm.s32 $0x0;
	s20 =	sshll.u32 s4, $0x1;
	s4 =	sadd.s32 s21, s2  }
0x9d: {  	[timem:s6], [sflag:s22] =	dma.local [hbm:s4], s20  }
0x9e: {  	_ =	swait.ge [sflag:s22], s20  }
0x9f: {  	s3 =	ssub.s32 $0x0, s20;
	[sflag:s22] =	ssyncset.done $0x0  }
0xa0: {  	[sflag:s22] =	ssyncadd.s32 s3;
	_ =	sdelay $0x1  }
0xa1: {  	s23 =	simm.s32 $0x1B8B  }
0xa2: {  	_ =	swait.ge [sflag:s23], $0x1  }
0xa3: {  	[sflag:s23] =	ssyncset.done $0x0  }
0xa4: {  	s25 =	simm.s32 $0x1B8E;
	s24 =	sld [smem:$0x3FFE];
	[sflag:s23] =	ssyncadd.s32 $0xFFFFFFFF  }
0xa5: {  	s26 =	simm.s32 $execute0_lowered;
	[smem:$0x3FD2] =	sst s25  }
0xa6: {  	s4 =	sshll.u32 s26, $0x1;
	_ =	strace $0x80000052;
	[dreg:$0x1] =	wrdreg $0xFFFFFFFF  }
0xa7: {  	s28 =	simm.s32 $_size_execute0_lowered;
	s2 =	sadd.s32 s2, s4;
	[dreg:$0x0] =	wrdreg $0x0  }
0xa8: {  	s4 =	sshll.u32 s28, $0x1;
	[dreg:$0x2] =	wrdreg s2  }
0xa9: {  	[dreg:$0x3] =	wrdreg s4  }
0xaa: {  	[dreg:$0x4] =	wrdreg $0xC0  }
0xab: {  	_ =	task [dreg:s6], $0x5FFFF  }
0xac: {  	[dreg:$0x1] =	wrdreg $0xFFFFFFFF  }
0xad: {  	[dreg:$0x0] =	wrdreg $0x60  }
0xae: {  	[dreg:$0x2] =	wrdreg s24  }
0xaf: {  	[dreg:$0x3] =	wrdreg $0x9  }
0xb0: {  	_ =	task.clear_ibuf [dreg:s6], $0x4FFFF;
	_ =	strace $0x90000052  }
0xb1: {  	s29 =	simm.s32 $0x9;
	_ =	strace $0x80000054  }
0xb2: {  	_ =	swait.ge [sflag:s29], $0x1  }
0xb3: {  	[sflag:s29] =	ssyncadd.s32 $0xFFFFFFFF  }
0xb4: {  	_ =	strace $0x90000054  }
0xb5: {  	_ =	sfence  }
0xb6: {  	s30 =	sld [smem:$0x0];
	_ =	sdelay $0x2  }
0xb7: {  	s31 =	sshll.u32 s1, $0xD;
	s1 =	sshrl.u32 s1, $0x2  }
0xb8: {  	s3 =	sand.u32 $0x4000, s31;
	s1 =	sadd.s32 s1, s30  }
0xb9: {  	s0 =	sor.u32 s3, s0;
	s1 =	sshll.u32 s1, $0x11  }
0xba: {  	s0 =	sor.u32 s1, s0  }
0xbb: {  	s0 =	sadd.s32 $0x8F2B, s0  }
0xbc: {  	[sflag:s0] =	ssyncadd.remote.s32 $0x1  }
0xbd: {  	_ =	sfence.sel $0xFFFF  }
0xbe: {  	[dreg:$0x0] =	wrdreg $0xFFFFFFFF;
	(pc) =	sbr.abs _section_cstart, $3  }
0xbf: {  	[dreg:$0x1] =	wrdreg $0xFFFFFFFF  }
0xc0: {  	_ =	task.clear_ibuf [dreg:s6], $0x2FFFF;
	_ =	strace $0x9FFFFFFF  }
0xc1: {  	(tm) =	ssettm $0x7FFFFFFF  }
tec
execute0_lowered:
.L_overlay_start_1:
0x0: {  	(tag) =	ssettag $0x1  }
0x1: {  	s1 =	srdreg.scid  }
0x2: {  	s0 =	stileid.u32;
	s9 =	sand.u32 $0x1, s1  }
0x3: {  	s7 =	rddreg [dreg:$0x0];
	s4 =	sshll.u32 s0, $0x8;
	s3 =	sshll.u32 s9, $0xC  }
0x4: {  	s2 =	simm.s32 $0x0;
	s1 =	rddreg [dreg:$0x1];
	s8 =	sor.u32 s4, s3  }
0x5: {  	[smem:$0x7FF] =	sst s2;
	s10 =	sadd.s32 $0xB4A00, s7;
	s3 =	sshrl.u32 s8, $0x3  }
0x6: {  	_ =	strace $0x80000053;
	s4 =	sadd.s32 s10, s3;
	s3 =	simm.s32 $0x1  }
0x7: {  	[tilespmem:s2], [sflag:$0x1] =	stream.linear.gather [hbm4b:s4+s2], $0x80, $0x38;
	[tilespmem:$0x4080] =	vst v63  }
0x8: {  	_ =	swait.ge [sflag:s3], $0x80  }
0x9: {  	[sflag:s3] =	ssyncset.done $0x0  }
0xa: {  	s6 =	simm.s32 $0x80;
	s5 =	sadd.s32 $0x2A00, s7;
	[sflag:s3] =	ssyncadd.s32 $0xFFFFFF80  }
0xb: {  	[tilespmem:s6], [sflag:$0x1] =	stream.indirect.gather [hbm4b:s5+s6], $0x80, s2, s6, $0xb8;
	[tilespmem:$0x4080] =	vst v63  }
0xc: {  	_ =	swait.ge [sflag:s3], $0x4000  }
0xd: {  	s11 =	sadd.s32 $0x2A200, s7;
	s29 =	sshll.u32 s8, $0x4;
	[sflag:s3] =	ssyncset.done $0x0  }
0xe: {  	s7 =	sadd.s32 s11, s29;
	[sflag:s3] =	ssyncadd.s32 $0xFFFFC000  }
0xf: {  	[hbm4b:s7+s2] =	stream.linear.scatter [tilespmem:s6], [sflag:$0x1], $0x4000, $0x38;
	[tilespmem:$0x4080] =	vst v63  }
0x10: {  	s12 =	sor.u32 $0x80, s8;
	_ =	swait.ge [sflag:s3], $0x4000  }
0x11: {  	s8 =	sshrl.u32 s12, $0x3;
	[sflag:s3] =	ssyncset.done $0x0  }
0x12: {  	s9 =	ssub.s32 $0x2, s9;
	s8 =	sadd.s32 s10, s8;
	[sflag:s3] =	ssyncadd.s32 $0xFFFFC000  }
0x13: {  	[tilespmem:s2], [sflag:$0x1] =	stream.linear.gather [hbm4b:s8+s2], $0x80, $0x38;
	[tilespmem:$0x4080] =	vst v63  }
0x14: {  	s30 =	sshrl.u32 s9, $0x1;
	_ =	swait.ge [sflag:s3], $0x80  }
0x15: {  	s10 =	ssub.s32 s9, s30;
	[sflag:s3] =	ssyncset.done $0x0  }
0x16: {  	s10 =	smax.u32 s10, $0x1;
	[sflag:s3] =	ssyncadd.s32 $0xFFFFFF80  }
0x17: {  	[tilespmem:s6], [sflag:$0x1] =	stream.indirect.gather [hbm4b:s5+s6], $0x80, s2, s6, $0xb8;
	[tilespmem:$0x4080] =	vst v63  }
0x18: {  	p0 =	sne.s32 s10, $0x1;
	_ =	swait.ge [sflag:s3], $0x4000  }
.Ltmp0:
0x19: {  	s31 =	sshll.u32 s12, $0x4;
	[sflag:s3] =	ssyncset.done $0x0;
	(pc) =	sbr.rel @!p0 .LBB2_2-.Ltmp0, $4  }
0x1a: {  	s9 =	sadd.s32 s11, s31;
	[sflag:s3] =	ssyncadd.s32 $0xFFFFC000  }
0x1b: {  	[hbm4b:s9+s2] =	stream.linear.scatter [tilespmem:s6], [sflag:$0x1], $0x4000, $0x38;
	[tilespmem:$0x4080] =	vst v63  }
0x1c: {  	_ =	swait.ge [sflag:s3], $0x4000  }
0x1d: {  	s10 =	sadd.s32 $0xFFFFFFFF, s10;
	[sflag:s3] =	ssyncset.done $0x0  }
.LBB2_1:
0x1e: {  	p0 =	sne.s32 s10, $0x1;
	s10 =	sadd.s32 $0xFFFFFFFF, s10;
	[sflag:s3] =	ssyncadd.s32 $0xFFFFC000  }
0x1f: {  	[tilespmem:s2], [sflag:$0x1] =	stream.linear.gather [hbm4b:s4+s2], $0x80, $0x38;
	[tilespmem:$0x4080] =	vst v63  }
0x20: {  	_ =	swait.ge [sflag:s3], $0x80  }
0x21: {  	[sflag:s3] =	ssyncset.done $0x0  }
0x22: {  	[sflag:s3] =	ssyncadd.s32 $0xFFFFFF80  }
0x23: {  	[tilespmem:s6], [sflag:$0x1] =	stream.indirect.gather [hbm4b:s5+s6], $0x80, s2, s6, $0xb8;
	[tilespmem:$0x4080] =	vst v63  }
0x24: {  	_ =	swait.ge [sflag:s3], $0x4000  }
0x25: {  	[sflag:s3] =	ssyncset.done $0x0  }
0x26: {  	[sflag:s3] =	ssyncadd.s32 $0xFFFFC000  }
0x27: {  	[hbm4b:s7+s2] =	stream.linear.scatter [tilespmem:s6], [sflag:$0x1], $0x4000, $0x38;
	[tilespmem:$0x4080] =	vst v63  }
0x28: {  	_ =	swait.ge [sflag:s3], $0x4000  }
0x29: {  	[sflag:s3] =	ssyncset.done $0x0  }
0x2a: {  	[sflag:s3] =	ssyncadd.s32 $0xFFFFC000  }
0x2b: {  	[tilespmem:s2], [sflag:$0x1] =	stream.linear.gather [hbm4b:s8+s2], $0x80, $0x38;
	[tilespmem:$0x4080] =	vst v63  }
0x2c: {  	_ =	swait.ge [sflag:s3], $0x80  }
0x2d: {  	[sflag:s3] =	ssyncset.done $0x0  }
0x2e: {  	[sflag:s3] =	ssyncadd.s32 $0xFFFFFF80  }
0x2f: {  	[tilespmem:s6], [sflag:$0x1] =	stream.indirect.gather [hbm4b:s5+s6], $0x80, s2, s6, $0xb8;
	[tilespmem:$0x4080] =	vst v63  }
0x30: {  	_ =	swait.ge [sflag:s3], $0x4000  }
.Ltmp1:
0x31: {  	[sflag:s3] =	ssyncset.done $0x0;
	(pc) =	sbr.rel @p0 .LBB2_1-.Ltmp1, $4  }
0x32: {  	[sflag:s3] =	ssyncadd.s32 $0xFFFFC000  }
0x33: {  	[hbm4b:s9+s2] =	stream.linear.scatter [tilespmem:s6], [sflag:$0x1], $0x4000, $0x38;
	[tilespmem:$0x4080] =	vst v63  }
0x34: {  	_ =	swait.ge [sflag:s3], $0x4000  }
0x35: {  	[sflag:s3] =	ssyncset.done $0x0  }
.LBB2_2:
0x36: {  	[sflag:s3] =	ssyncadd.s32 $0xFFFFC000  }
0x37: {  	_ =	sfence.sel $0x180000  }
0x38: {  	[bflag:$0x0] =	sbarrier.arrive $0xFFFF  }
0x39: {  	p0 =	sne.s32 s0, $0x0;
	_ =	strace $0x90000053  }
0x3a: {  	s0 =	sadd.s32 @!p0 $0x100000, s1;
	[bflag:$0x2] =	sbarrier.arrive $0xFFFF  }
0x3b: {  	[sflag:s0] =	ssyncadd.tile.s32 @!p0 $0x1;
	_ =	shalt  }
.Lfunc_end2:
_tile_overlayer_lowered:
.L_overlay_start_2:
0x3c: {  	(tag) =	ssettag $0x2  }
0x3d: {  	s0 =	rddreg [dreg:$0x0];
	s2 =	stileid.u32  }
0x3e: {  	s1 =	rddreg [dreg:$0x1];
	p0 =	sne.s32 s2, $0x0  }
0x3f: {  	s3 =	rddreg [dreg:$0x2];
	[bflag:$0x3] =	sbarrier.arrive $0xFFFF;
	s2 =	simm.s32 @!p0 $0x1C01  }
0x40: {  	[timem:s3], [sflag:s2] =	dma.local @!p0 [hbm:s0], s1  }
0x41: {  	s0 =	simm.s32 @!p0 $0x1  }
0x42: {  	_ =	swait.ge @!p0 [sflag:s0], s1  }
0x43: {  	s1 =	ssub.s32 @!p0 $0x0, s1;
	[sflag:s0] =	ssyncset.done @!p0 $0x0  }
0x44: {  	[sflag:s0] =	ssyncadd.s32 @!p0 s1  }
0x45: {  	[bflag:$0x3] =	sbarrier.arrive $0xFFFF  }
0x46: {  	_ =	shalt  }

</sc_bundles>
